<compile_context>
chip_gen: v7x
topology: tpu7x:2x2x1
jax: 0.10.2.dev20260603
libtpu: 0.0.44.dev20260713+nightly
codegen_flags: <defaults>
</compile_context>

<pallas_src>
import functools

import numpy as np

import jax
import jax.numpy as jnp
from jax import lax
from jax.experimental import pallas as pl
from jax.experimental.pallas import tpu as pltpu
from jax.experimental.pallas import tpu_sc as plsc

_N = 50000
_E = 800000
_G = 64
_NP = 50048
_RPT = _NP // 16
_NQ = _NP // 4
_NQR = _N // 4

_K = 3
_CHUNK = _K * 128
_CPT = 132
_EPT = _CPT * _CHUNK
_EP = 16 * _EPT
_IROWS_PT = _CPT * _K

_PAD_DST = (_N + (np.arange(_EP - _E) % (_NP - _N))).astype(np.int32)
_BP = 3128
_NBP = _NQ // _BP
_EPS = 1e-5


def _sc_agg(xt, src2, dst2):
    mesh = plsc.VectorSubcoreMesh(core_axis_name="c", subcore_axis_name="s")

    @functools.partial(
        pl.kernel,
        out_type=jax.ShapeDtypeStruct((2, _NP, 32), jnp.float32),
        mesh=mesh,
        scratch_types=[
            pltpu.VMEM((2, _CHUNK), jnp.int32),
            pltpu.VMEM((2, _CHUNK), jnp.int32),
            pltpu.VMEM((2, _CHUNK, 32), jnp.float32),
            pltpu.VMEM_SHARED((_NP, 32), jnp.float32),
            pltpu.SemaphoreType.DMA,
            pltpu.SemaphoreType.DMA,
            pltpu.SemaphoreType.DMA,
            pltpu.SemaphoreType.DMA,
            pltpu.SemaphoreType.DMA,
            pltpu.SemaphoreType.DMA,
        ],
        compiler_params=pltpu.CompilerParams(use_tc_tiling_on_sc=False),
    )
    def agg(xt_hbm, src_hbm, dst_hbm, out_hbm, sidx, didx, rows, acc,
            g0, g1, i0, i1, s0, s1):
        c = lax.axis_index("c")
        s = lax.axis_index("s")
        gsems = (g0, g1)
        isems = (i0, i1)
        ssems = (s0, s1)

        row0 = s * _RPT
        pltpu.sync_copy(xt_hbm.at[c, pl.ds(row0, _RPT)],
                        acc.at[pl.ds(row0, _RPT)])
        plsc.subcore_barrier()

        ebase = s * _IROWS_PT

        def idx_descs(k, buf):
            e0 = ebase * 128 + k * _CHUNK
            return (pltpu.make_async_copy(src_hbm.at[pl.ds(e0, _CHUNK)],
                                          sidx.at[buf], isems[buf]),
                    pltpu.make_async_copy(dst_hbm.at[pl.ds(e0, _CHUNK)],
                                          didx.at[buf], isems[buf]))

        def fire_gathers(buf):
            pltpu.async_copy(xt_hbm.at[c].at[sidx.at[buf]],
                             rows.at[buf], gsems[buf])

        def fire_scatters(buf):
            pltpu.async_copy(rows.at[buf], acc.at[didx.at[buf]],
                             ssems[buf], add=True)

        def drain(sem, buf):
            pltpu.make_async_copy(xt_hbm.at[0, pl.ds(0, _CHUNK)],
                                  rows.at[buf], sem).wait()

        da, db = idx_descs(0, 0)
        da.start()
        db.start()
        da.wait()
        db.wait()
        fire_gathers(0)

        def outer(i, carry):
            for b in range(2):
                k = i * 2 + b
                nb = 1 - b

                @pl.when(k >= 1)
                def _():
                    drain(ssems[nb], nb)

                @pl.when(k < _CPT - 1)
                def _():
                    d1, d2 = idx_descs(k + 1, nb)
                    d1.start()
                    d2.start()

                drain(gsems[b], b)
                fire_scatters(b)

                @pl.when(k < _CPT - 1)
                def _():
                    d1, d2 = idx_descs(k + 1, nb)
                    d1.wait()
                    d2.wait()
                    fire_gathers(nb)
            return carry

        lax.fori_loop(0, _CPT // 2, outer, 0)
        drain(ssems[1], 1)
        plsc.subcore_barrier()

        pltpu.sync_copy(acc.at[pl.ds(row0, _RPT)],
                        out_hbm.at[c, pl.ds(row0, _RPT)])

    return agg(xt, src2, dst2)


def _tc_mlp_stats(hp, W1, b1, W2, b2):
    do = W2.shape[1]
    do4 = 4 * do

    def body(h0_ref, h1_ref, w1_ref, b1_ref, w2_ref, b2_ref,
             y_ref, st_ref, sacc):
        i = pl.program_id(0)
        w1 = w1_ref[...]
        w2 = w2_ref[...]
        ys = []
        for r in range(4):
            h_r = jnp.concatenate([h0_ref[:, 32 * r:32 * r + 32],
                                   h1_ref[:, 32 * r:32 * r + 32]], axis=1)
            t_r = jnp.maximum(
                jnp.dot(h_r, w1, preferred_element_type=jnp.float32)
                + b1_ref[0, :], 0.0)
            ys.append(jnp.dot(t_r, w2, preferred_element_type=jnp.float32)
                      + b2_ref[0, :])
        y = jnp.concatenate(ys, axis=1)
        y_ref[...] = y
        rid = i * _BP + lax.broadcasted_iota(jnp.int32, (_BP, 1), 0)
        ym = jnp.where(rid < _NQR, y, 0.0)
        s1_4 = jnp.sum(ym, axis=0)
        s2_4 = jnp.sum(ym * ym, axis=0)
        s1 = (s1_4[0:do] + s1_4[do:2 * do]
              + s1_4[2 * do:3 * do] + s1_4[3 * do:4 * do])
        s2 = (s2_4[0:do] + s2_4[do:2 * do]
              + s2_4[2 * do:3 * do] + s2_4[3 * do:4 * do])
        upd = jnp.concatenate([s1[None, :], s2[None, :]], axis=0)
        prev = jnp.where(i == 0, jnp.zeros_like(upd), sacc[...])
        sacc[...] = prev + upd

        @pl.when(i == _NBP - 1)
        def _():
            st_ref[...] = sacc[...]

    return pl.pallas_call(
        body,
        grid=(_NBP,),
        in_specs=[
            pl.BlockSpec((_BP, 128), lambda i: (i, 0)),
            pl.BlockSpec((_BP, 128), lambda i: (i + _NBP, 0)),
            pl.BlockSpec((64, 64), lambda i: (0, 0)),
            pl.BlockSpec((1, 64), lambda i: (0, 0)),
            pl.BlockSpec((64, do), lambda i: (0, 0)),
            pl.BlockSpec((1, do), lambda i: (0, 0)),
        ],
        out_specs=[
            pl.BlockSpec((_BP, do4), lambda i: (i, 0)),
            pl.BlockSpec((2, do), lambda i: (0, 0)),
        ],
        out_shape=[
            jax.ShapeDtypeStruct((_NQ, do4), jnp.float32),
            jax.ShapeDtypeStruct((2, do), jnp.float32),
        ],
        scratch_shapes=[pltpu.VMEM((2, do), jnp.float32)],
        compiler_params=pltpu.CompilerParams(
            dimension_semantics=("arbitrary",)),
    )(hp, hp, W1, b1.reshape(1, -1), W2, b2.reshape(1, -1))


def _bn_coeffs(st_ref, g_ref, be_ref, reps):
    mu = st_ref[0, :] * (1.0 / _N)
    var = st_ref[1, :] * (1.0 / _N) - mu * mu
    scale = g_ref[0, :] * lax.rsqrt(var + _EPS)
    shift = be_ref[0, :] - mu * scale
    return (jnp.concatenate([scale] * reps),
            jnp.concatenate([shift] * reps))


def _tc_norm(yp, st, g, be):

    def body(y_ref, st_ref, g_ref, be_ref, o_ref):
        scale4, shift4 = _bn_coeffs(st_ref, g_ref, be_ref, 4)
        yn = jnp.maximum(y_ref[...] * scale4[None, :] + shift4[None, :], 0.0)
        for cc in range(2):
            o_ref[cc] = jnp.concatenate(
                [yn[:, 64 * r + 32 * cc: 64 * r + 32 * cc + 32]
                 for r in range(4)], axis=1)

    return pl.pallas_call(
        body,
        grid=(_NBP,),
        in_specs=[
            pl.BlockSpec((_BP, 256), lambda i: (i, 0)),
            pl.BlockSpec((2, 64), lambda i: (0, 0)),
            pl.BlockSpec((1, 64), lambda i: (0, 0)),
            pl.BlockSpec((1, 64), lambda i: (0, 0)),
        ],
        out_specs=pl.BlockSpec((2, _BP, 128), lambda i: (0, i, 0)),
        out_shape=jax.ShapeDtypeStruct((2, _NQ, 128), jnp.float32),
        compiler_params=pltpu.CompilerParams(
            dimension_semantics=("arbitrary",)),
    )(yp, st, g.reshape(1, -1), be.reshape(1, -1))


def _tc_norm_pool(yp, st, g, be, batchT):

    def body(y_ref, st_ref, g_ref, be_ref, b_ref, o_ref, pacc, cacc):
        i = pl.program_id(0)
        scale4, shift4 = _bn_coeffs(st_ref, g_ref, be_ref, 4)
        yn = jnp.maximum(y_ref[...] * scale4[None, :] + shift4[None, :], 0.0)
        gi = lax.broadcasted_iota(jnp.int32, (_G, _BP), 0)
        ps = jnp.zeros((_G, 32), jnp.float32)
        cs = jnp.zeros((_G, 1), jnp.float32)
        for r in range(4):
            oh = (b_ref[0, r:r + 1] == gi).astype(jnp.float32)
            ps = ps + jnp.dot(oh, yn[:, 32 * r:32 * r + 32],
                              preferred_element_type=jnp.float32)
            cs = cs + jnp.sum(oh, axis=1, keepdims=True)
        pprev = jnp.where(i == 0, jnp.zeros_like(ps), pacc[...])
        cprev = jnp.where(i == 0, jnp.zeros_like(cs), cacc[...])
        pacc[...] = pprev + ps
        cacc[...] = cprev + cs

        @pl.when(i == _NBP - 1)
        def _():
            o_ref[...] = pacc[...] / jnp.maximum(cacc[...], 1.0)

    return pl.pallas_call(
        body,
        grid=(_NBP,),
        in_specs=[
            pl.BlockSpec((_BP, 128), lambda i: (i, 0)),
            pl.BlockSpec((2, 32), lambda i: (0, 0)),
            pl.BlockSpec((1, 32), lambda i: (0, 0)),
            pl.BlockSpec((1, 32), lambda i: (0, 0)),
            pl.BlockSpec((1, 4, _BP), lambda i: (i, 0, 0)),
        ],
        out_specs=pl.BlockSpec((_G, 32), lambda i: (0, 0)),
        out_shape=jax.ShapeDtypeStruct((_G, 32), jnp.float32),
        scratch_shapes=[
            pltpu.VMEM((_G, 32), jnp.float32),
            pltpu.VMEM((_G, 1), jnp.float32),
        ],
        compiler_params=pltpu.CompilerParams(
            dimension_semantics=("arbitrary",)),
    )(yp, st, g.reshape(1, -1), be.reshape(1, -1), batchT)


def kernel(x, edge_index, batch,
           W1_0, b1_0, W2_0, b2_0, g_0, be_0,
           W1_1, b1_1, W2_1, b2_1, g_1, be_1,
           W1_2, b1_2, W2_2, b2_2, g_2, be_2):
    params = [(W1_0, b1_0, W2_0, b2_0, g_0, be_0),
              (W1_1, b1_1, W2_1, b2_1, g_1, be_1),
              (W1_2, b1_2, W2_2, b2_2, g_2, be_2)]

    npad = _EP - _E
    src_p = jnp.concatenate([edge_index[0],
                             jnp.zeros((npad,), jnp.int32)])
    dst_p = jnp.concatenate([edge_index[1], jnp.asarray(_PAD_DST)])
    src2 = src_p
    dst2 = dst_p
    batchT = jnp.pad(batch, (0, _NP - _N),
                     constant_values=_G).reshape(_NBP, _BP, 4).transpose(0, 2, 1)

    xtp = (jnp.pad(x, ((0, _NP - _N), (0, 0)))
           .reshape(_NQ, 4, 2, 32).transpose(2, 0, 1, 3)
           .reshape(2 * _NQ, 128))

    out = None
    for l in range(3):
        W1, b1, W2, b2, g, be = params[l]
        hh = _sc_agg(xtp.reshape(2, _NP, 32), src2, dst2)
        hp = hh.reshape(2 * _NQ, 128)
        yp, st = _tc_mlp_stats(hp, W1, b1, W2, b2)
        if l < 2:
            xtp = _tc_norm(yp, st, g, be).reshape(2 * _NQ, 128)
        else:
            out = _tc_norm_pool(yp, st, g, be, batchT)
    return out

# --- scband reference (transcript-rebuilt; emitter-appended) ---
"""Pipeline reference for scband-gnnencoder-90151363543321 (READ-ONLY COPY).

The authoritative reference and input builder live on the scoring server;
editing this copy changes nothing except your own understanding.
"""

import jax, jax.numpy as jnp
import numpy as np

N = 50000
E = 800000
DIN = 64
H = 64
DOUT = 32
G = 64
DIMS = [(DIN, H, H), (H, H, H), (H, H, DOUT)]


def setup_inputs(seed: int = 0) -> dict:
    key = jax.random.key(seed)
    ks = jax.random.split(key, 4 + 3 * 6)
    inp = {}
    inp['x'] = jax.random.normal(ks[0], (N, DIN), dtype=jnp.float32)
    inp['edge_index'] = jax.random.randint(ks[1], (2, E), 0, N, dtype=jnp.int32)
    inp['batch'] = jnp.sort(jax.random.randint(ks[2], (N,), 0, G, dtype=jnp.int32))
    i = 4
    for l, (di, dh, do) in enumerate(DIMS):
        inp[f'W1_{l}'] = jax.random.normal(ks[i], (di, dh), dtype=jnp.float32) / np.sqrt(di); i += 1
        inp[f'b1_{l}'] = jnp.zeros((dh,), dtype=jnp.float32)
        inp[f'W2_{l}'] = jax.random.normal(ks[i], (dh, do), dtype=jnp.float32) / np.sqrt(dh); i += 1
        inp[f'b2_{l}'] = jnp.zeros((do,), dtype=jnp.float32)
        inp[f'g_{l}'] = jnp.ones((do,), dtype=jnp.float32)
        inp[f'be_{l}'] = jnp.zeros((do,), dtype=jnp.float32)
    return inp


def _gin_layer(x, src, dst, W1, b1, W2, b2, g, be):
    # GINConv with eps=0: MLP((1+eps)*x + sum_{j in N(i)} x_j)
    agg = jax.ops.segment_sum(x[src], dst, num_segments=N)
    h = x + agg
    h = jnp.dot(h, W1) + b1
    h = jax.nn.relu(h)
    h = jnp.dot(h, W2) + b2
    # BatchNorm1d, training-mode batch statistics (biased variance)
    mu = jnp.mean(h, axis=0)
    var = jnp.var(h, axis=0)
    h = (h - mu) / jnp.sqrt(var + 1e-5) * g + be
    h = jax.nn.relu(h)
    # dropout(p=0.1) treated as identity for deterministic reference
    return h


def reference(x, edge_index, batch,
              W1_0, b1_0, W2_0, b2_0, g_0, be_0,
              W1_1, b1_1, W2_1, b2_1, g_1, be_1,
              W1_2, b1_2, W2_2, b2_2, g_2, be_2):
    p = {
        'W1_0': W1_0, 'b1_0': b1_0, 'W2_0': W2_0, 'b2_0': b2_0, 'g_0': g_0, 'be_0': be_0,
        'W1_1': W1_1, 'b1_1': b1_1, 'W2_1': W2_1, 'b2_1': b2_1, 'g_1': g_1, 'be_1': be_1,
        'W1_2': W1_2, 'b1_2': b1_2, 'W2_2': W2_2, 'b2_2': b2_2, 'g_2': g_2, 'be_2': be_2,
    }
    src = edge_index[0]
    dst = edge_index[1]
    for l in range(3):
        x = _gin_layer(x, src, dst, p[f'W1_{l}'], p[f'b1_{l}'], p[f'W2_{l}'], p[f'b2_{l}'], p[f'g_{l}'], p[f'be_{l}'])
    # global_mean_pool over graph ids
    s = jax.ops.segment_sum(x, batch, num_segments=G)
    cnt = jax.ops.segment_sum(jnp.ones((N, 1), dtype=x.dtype), batch, num_segments=G)
    return s / jnp.maximum(cnt, 1.0)

if __name__ == "__main__":
    import jax
    _d = setup_inputs()
    print(jax.jit(kernel)(*tuple(_d.values())))

</pallas_src>

<mosaic_0001>
#map = affine_map<(d0, d1) -> (0, 0, 0)>
#map1 = affine_map<(d0, d1) -> (0)>
module attributes {stable_mosaic.version = 14 : i64} {
  func.func @agg(%arg0: i32, %arg1: i32, %arg2: memref<2x50048x32xf32, #tpu.memory_space<hbm>>, %arg3: memref<811008xi32, #tpu.memory_space<hbm>>, %arg4: memref<811008xi32, #tpu.memory_space<hbm>>, %arg5: memref<2x50048x32xf32, #tpu.memory_space<hbm>>, %arg6: memref<2x384xi32, #tpu.memory_space<vmem>>, %arg7: memref<2x384xi32, #tpu.memory_space<vmem>>, %arg8: memref<2x384x32xf32, #tpu.memory_space<vmem>>, %arg9: memref<50048x32xf32, #tpu.memory_space<vmem_shared>>, %arg10: memref<!tpu.dma_semaphore, #tpu.memory_space<semaphore_mem>>, %arg11: memref<!tpu.dma_semaphore, #tpu.memory_space<semaphore_mem>>, %arg12: memref<!tpu.dma_semaphore, #tpu.memory_space<semaphore_mem>>, %arg13: memref<!tpu.dma_semaphore, #tpu.memory_space<semaphore_mem>>, %arg14: memref<!tpu.dma_semaphore, #tpu.memory_space<semaphore_mem>>, %arg15: memref<!tpu.dma_semaphore, #tpu.memory_space<semaphore_mem>>) attributes {dimension_semantics = [#tpu.dimension_semantics<core_parallel>, #tpu.dimension_semantics<subcore_parallel>], iteration_bounds = array<i64: 2, 16>, scalar_prefetch = 0 : i64, scratch_operands = 10 : i64, tpu.core_type = #tpu.core_type<sc_vector_subcore>, window_params = [{transform_indices = #map}, {transform_indices = #map1}, {transform_indices = #map1}, {transform_indices = #map}]} {
    %mul3A = arith.constant 3128 : i32
    %mul3A_0 = arith.muli %arg1, %mul3A : i32
    "tpu.region"() ({
      %run_scoped3A = tpu.sem_alloc : memref<!tpu.dma_semaphore, #tpu.memory_space<semaphore_mem>>
      %dma_start3A_80 = arith.constant 0 : i32
      %dma_start3A_81 = tpu.memref_slice %arg9[%mul3A_0, %dma_start3A_80] : memref<50048x32xf32, #tpu.memory_space<vmem_shared>> -> memref<3128x32xf32, #tpu.memory_space<vmem_shared>>
      %dma_start3A_82 = arith.constant 0 : i32
      %dma_start3A_83 = tpu.memref_slice %arg2[%arg0, %mul3A_0, %dma_start3A_82] : memref<2x50048x32xf32, #tpu.memory_space<hbm>> -> memref<1x3128x32xf32, #tpu.memory_space<hbm>>
      %dma_start3A_84 = tpu.memref_squeeze %dma_start3A_83 : memref<1x3128x32xf32, #tpu.memory_space<hbm>> -> memref<3128x32xf32, #tpu.memory_space<hbm>>
      tpu.enqueue_dma source(%dma_start3A_84 : memref<3128x32xf32, #tpu.memory_space<hbm>>) target(%dma_start3A_81 : memref<3128x32xf32, #tpu.memory_space<vmem_shared>>) target_semaphore(%run_scoped3A : memref<!tpu.dma_semaphore, #tpu.memory_space<semaphore_mem>>)
      %dma_wait3A_85 = arith.constant 0 : i32
      %dma_wait3A_86 = tpu.memref_slice %arg9[%mul3A_0, %dma_wait3A_85] : memref<50048x32xf32, #tpu.memory_space<vmem_shared>> -> memref<3128x32xf32, #tpu.memory_space<vmem_shared>>
      %dma_wait3A_87 = arith.constant 0 : i32
      %dma_wait3A_88 = tpu.memref_slice %arg2[%arg0, %mul3A_0, %dma_wait3A_87] : memref<2x50048x32xf32, #tpu.memory_space<hbm>> -> memref<1x3128x32xf32, #tpu.memory_space<hbm>>
      %dma_wait3A_89 = tpu.memref_squeeze %dma_wait3A_88 : memref<1x3128x32xf32, #tpu.memory_space<hbm>> -> memref<3128x32xf32, #tpu.memory_space<hbm>>
      tpu.wait_dma2 semaphore(%run_scoped3A : memref<!tpu.dma_semaphore, #tpu.memory_space<semaphore_mem>>) src(%dma_wait3A_89 : memref<3128x32xf32, #tpu.memory_space<hbm>>) dst(%dma_wait3A_86 : memref<3128x32xf32, #tpu.memory_space<vmem_shared>>)
      tpu.yield
    }) : () -> ()
    %barrier3A = arith.constant 0 : index
    tpu.barrier barrier_id(%barrier3A)
    %mul3A_1 = arith.constant 396 : i32
    %mul3A_2 = arith.muli %arg1, %mul3A_1 : i32
    %mul3A_3 = arith.constant 128 : i32
    %mul3A_4 = arith.muli %mul3A_2, %mul3A_3 : i32
    %add3A = arith.constant 0 : i32
    %add3A_5 = arith.addi %mul3A_4, %add3A : i32
    %dma_start3A = arith.constant 0 : i32
    %dma_start3A_6 = arith.constant 0 : i32
    %dma_start3A_7 = tpu.memref_slice %arg6[%dma_start3A, %dma_start3A_6] : memref<2x384xi32, #tpu.memory_space<vmem>> -> memref<1x384xi32, #tpu.memory_space<vmem>>
    %dma_start3A_8 = tpu.memref_squeeze %dma_start3A_7 : memref<1x384xi32, #tpu.memory_space<vmem>> -> memref<384xi32, #tpu.memory_space<vmem>>
    %dma_start3A_9 = tpu.memref_slice %arg3[%add3A_5] : memref<811008xi32, #tpu.memory_space<hbm>> -> memref<384xi32, #tpu.memory_space<hbm>>
    %dma_start3A_10 = arith.constant 0 : i32
    %dma_start3A_11 = tpu.memref_slice %arg6[%dma_start3A, %dma_start3A_10] : memref<2x384xi32, #tpu.memory_space<vmem>> -> memref<1x384xi32, #tpu.memory_space<vmem>>
    %dma_start3A_12 = tpu.memref_squeeze %dma_start3A_11 : memref<1x384xi32, #tpu.memory_space<vmem>> -> memref<384xi32, #tpu.memory_space<vmem>>
    %dma_start3A_13 = tpu.memref_slice %arg3[%add3A_5] : memref<811008xi32, #tpu.memory_space<hbm>> -> memref<384xi32, #tpu.memory_space<hbm>>
    tpu.enqueue_dma source(%dma_start3A_13 : memref<384xi32, #tpu.memory_space<hbm>>) target(%dma_start3A_12 : memref<384xi32, #tpu.memory_space<vmem>>) target_semaphore(%arg12 : memref<!tpu.dma_semaphore, #tpu.memory_space<semaphore_mem>>)
    %dma_start3A_14 = arith.constant 0 : i32
    %dma_start3A_15 = arith.constant 0 : i32
    %dma_start3A_16 = tpu.memref_slice %arg7[%dma_start3A_14, %dma_start3A_15] : memref<2x384xi32, #tpu.memory_space<vmem>> -> memref<1x384xi32, #tpu.memory_space<vmem>>
    %dma_start3A_17 = tpu.memref_squeeze %dma_start3A_16 : memref<1x384xi32, #tpu.memory_space<vmem>> -> memref<384xi32, #tpu.memory_space<vmem>>
    %dma_start3A_18 = tpu.memref_slice %arg4[%add3A_5] : memref<811008xi32, #tpu.memory_space<hbm>> -> memref<384xi32, #tpu.memory_space<hbm>>
    %dma_start3A_19 = arith.constant 0 : i32
    %dma_start3A_20 = tpu.memref_slice %arg7[%dma_start3A_14, %dma_start3A_19] : memref<2x384xi32, #tpu.memory_space<vmem>> -> memref<1x384xi32, #tpu.memory_space<vmem>>
    %dma_start3A_21 = tpu.memref_squeeze %dma_start3A_20 : memref<1x384xi32, #tpu.memory_space<vmem>> -> memref<384xi32, #tpu.memory_space<vmem>>
    %dma_start3A_22 = tpu.memref_slice %arg4[%add3A_5] : memref<811008xi32, #tpu.memory_space<hbm>> -> memref<384xi32, #tpu.memory_space<hbm>>
    tpu.enqueue_dma source(%dma_start3A_22 : memref<384xi32, #tpu.memory_space<hbm>>) target(%dma_start3A_21 : memref<384xi32, #tpu.memory_space<vmem>>) target_semaphore(%arg12 : memref<!tpu.dma_semaphore, #tpu.memory_space<semaphore_mem>>)
    %dma_wait3A = arith.constant 0 : i32
    %dma_wait3A_23 = arith.constant 0 : i32
    %dma_wait3A_24 = tpu.memref_slice %arg6[%dma_wait3A, %dma_wait3A_23] : memref<2x384xi32, #tpu.memory_space<vmem>> -> memref<1x384xi32, #tpu.memory_space<vmem>>
    %dma_wait3A_25 = tpu.memref_squeeze %dma_wait3A_24 : memref<1x384xi32, #tpu.memory_space<vmem>> -> memref<384xi32, #tpu.memory_space<vmem>>
    %dma_wait3A_26 = tpu.memref_slice %arg3[%add3A_5] : memref<811008xi32, #tpu.memory_space<hbm>> -> memref<384xi32, #tpu.memory_space<hbm>>
    %dma_wait3A_27 = arith.constant 0 : i32
    %dma_wait3A_28 = tpu.memref_slice %arg6[%dma_wait3A, %dma_wait3A_27] : memref<2x384xi32, #tpu.memory_space<vmem>> -> memref<1x384xi32, #tpu.memory_space<vmem>>
    %dma_wait3A_29 = tpu.memref_squeeze %dma_wait3A_28 : memref<1x384xi32, #tpu.memory_space<vmem>> -> memref<384xi32, #tpu.memory_space<vmem>>
    %dma_wait3A_30 = tpu.memref_slice %arg3[%add3A_5] : memref<811008xi32, #tpu.memory_space<hbm>> -> memref<384xi32, #tpu.memory_space<hbm>>
    tpu.wait_dma2 semaphore(%arg12 : memref<!tpu.dma_semaphore, #tpu.memory_space<semaphore_mem>>) src(%dma_wait3A_30 : memref<384xi32, #tpu.memory_space<hbm>>) dst(%dma_wait3A_29 : memref<384xi32, #tpu.memory_space<vmem>>)
    %dma_wait3A_31 = arith.constant 0 : i32
    %dma_wait3A_32 = arith.constant 0 : i32
    %dma_wait3A_33 = tpu.memref_slice %arg7[%dma_wait3A_31, %dma_wait3A_32] : memref<2x384xi32, #tpu.memory_space<vmem>> -> memref<1x384xi32, #tpu.memory_space<vmem>>
    %dma_wait3A_34 = tpu.memref_squeeze %dma_wait3A_33 : memref<1x384xi32, #tpu.memory_space<vmem>> -> memref<384xi32, #tpu.memory_space<vmem>>
    %dma_wait3A_35 = tpu.memref_slice %arg4[%add3A_5] : memref<811008xi32, #tpu.memory_space<hbm>> -> memref<384xi32, #tpu.memory_space<hbm>>
    %dma_wait3A_36 = arith.constant 0 : i32
    %dma_wait3A_37 = tpu.memref_slice %arg7[%dma_wait3A_31, %dma_wait3A_36] : memref<2x384xi32, #tpu.memory_space<vmem>> -> memref<1x384xi32, #tpu.memory_space<vmem>>
    %dma_wait3A_38 = tpu.memref_squeeze %dma_wait3A_37 : memref<1x384xi32, #tpu.memory_space<vmem>> -> memref<384xi32, #tpu.memory_space<vmem>>
    %dma_wait3A_39 = tpu.memref_slice %arg4[%add3A_5] : memref<811008xi32, #tpu.memory_space<hbm>> -> memref<384xi32, #tpu.memory_space<hbm>>
    tpu.wait_dma2 semaphore(%arg12 : memref<!tpu.dma_semaphore, #tpu.memory_space<semaphore_mem>>) src(%dma_wait3A_39 : memref<384xi32, #tpu.memory_space<hbm>>) dst(%dma_wait3A_38 : memref<384xi32, #tpu.memory_space<vmem>>)
    %dma_start3A_40 = arith.constant 0 : i32
    %dma_start3A_41 = arith.constant 0 : i32
    %dma_start3A_42 = arith.constant 0 : i32
    %dma_start3A_43 = arith.constant 0 : i32
    %dma_start3A_44 = tpu.memref_slice %arg8[%dma_start3A_41, %dma_start3A_42, %dma_start3A_43] : memref<2x384x32xf32, #tpu.memory_space<vmem>> -> memref<1x384x32xf32, #tpu.memory_space<vmem>>
    %dma_start3A_45 = tpu.memref_squeeze %dma_start3A_44 : memref<1x384x32xf32, #tpu.memory_space<vmem>> -> memref<384x32xf32, #tpu.memory_space<vmem>>
    %dma_start3A_46 = arith.constant 0 : i32
    %dma_start3A_47 = tpu.memref_slice %arg6[%dma_start3A_40, %dma_start3A_46] : memref<2x384xi32, #tpu.memory_space<vmem>> -> memref<1x384xi32, #tpu.memory_space<vmem>>
    %dma_start3A_48 = tpu.memref_squeeze %dma_start3A_47 : memref<1x384xi32, #tpu.memory_space<vmem>> -> memref<384xi32, #tpu.memory_space<vmem>>
    %dma_start3A_49 = arith.constant 0 : i32
    %dma_start3A_50 = arith.constant 0 : i32
    %dma_start3A_51 = tpu.memref_slice %arg2[%arg0, %dma_start3A_49, %dma_start3A_50] : memref<2x50048x32xf32, #tpu.memory_space<hbm>> -> memref<1x50048x32xf32, #tpu.memory_space<hbm>>
    %dma_start3A_52 = tpu.memref_squeeze %dma_start3A_51 : memref<1x50048x32xf32, #tpu.memory_space<hbm>> -> memref<50048x32xf32, #tpu.memory_space<hbm>>
    %dma_start3A_53 = arith.constant 0 : i32
    %dma_start3A_54 = arith.constant 0 : i32
    %dma_start3A_55 = tpu.memref_slice %dma_start3A_52[%dma_start3A_53, %dma_start3A_54] : memref<50048x32xf32, #tpu.memory_space<hbm>> -> memref<50048x32xf32, #tpu.memory_space<hbm>>
    tpu.enqueue_indirect_dma source(%dma_start3A_55 : memref<50048x32xf32, #tpu.memory_space<hbm>>) target(%dma_start3A_45 : memref<384x32xf32, #tpu.memory_space<vmem>>) offsets(%dma_start3A_48 : memref<384xi32, #tpu.memory_space<vmem>>) semaphore(%arg10 : memref<!tpu.dma_semaphore, #tpu.memory_space<semaphore_mem>>)
    %scan3A = arith.constant 0 : i32
    %scan3A_56 = arith.constant 0 : i32
    %scan3A_57 = arith.constant 66 : i32
    %scan3A_58 = arith.addi %scan3A_56, %scan3A_57 : i32
    %scan3A_59 = arith.constant 1 : i32
    scf.for %scan3A_80 = %scan3A_56 to %scan3A_58 step %scan3A_59  : i32 {
      %mul3A_81 = arith.constant 2 : i32
      %mul3A_82 = arith.muli %scan3A_80, %mul3A_81 : i32
      %add3A_83 = arith.constant 0 : i32
      %add3A_84 = arith.addi %mul3A_82, %add3A_83 : i32
      %ge3A = arith.constant 1 : i32
      %ge3A_85 = arith.cmpi sge, %add3A_84, %ge3A : i32
      %convert_element_type3A = arith.extui %ge3A_85 : i1 to i32
      %cond3A = arith.constant 0 : i32
      %cond3A_86 = arith.cmpi ne, %convert_element_type3A, %cond3A : i32
      scf.if %cond3A_86 {
        %dma_wait3A_175 = arith.constant 0 : i32
        %dma_wait3A_176 = arith.constant 1 : i32
        %dma_wait3A_177 = arith.constant 0 : i32
        %dma_wait3A_178 = arith.constant 0 : i32
        %dma_wait3A_179 = tpu.memref_slice %arg8[%dma_wait3A_176, %dma_wait3A_177, %dma_wait3A_178] : memref<2x384x32xf32, #tpu.memory_space<vmem>> -> memref<1x384x32xf32, #tpu.memory_space<vmem>>
        %dma_wait3A_180 = tpu.memref_squeeze %dma_wait3A_179 : memref<1x384x32xf32, #tpu.memory_space<vmem>> -> memref<384x32xf32, #tpu.memory_space<vmem>>
        %dma_wait3A_181 = arith.constant 0 : i32
        %dma_wait3A_182 = arith.constant 0 : i32
        %dma_wait3A_183 = tpu.memref_slice %arg2[%dma_wait3A_175, %dma_wait3A_181, %dma_wait3A_182] : memref<2x50048x32xf32, #tpu.memory_space<hbm>> -> memref<1x384x32xf32, #tpu.memory_space<hbm>>
        %dma_wait3A_184 = tpu.memref_squeeze %dma_wait3A_183 : memref<1x384x32xf32, #tpu.memory_space<hbm>> -> memref<384x32xf32, #tpu.memory_space<hbm>>
        %dma_wait3A_185 = arith.constant 0 : i32
        %dma_wait3A_186 = arith.constant 0 : i32
        %dma_wait3A_187 = tpu.memref_slice %arg8[%dma_wait3A_176, %dma_wait3A_185, %dma_wait3A_186] : memref<2x384x32xf32, #tpu.memory_space<vmem>> -> memref<1x384x32xf32, #tpu.memory_space<vmem>>
        %dma_wait3A_188 = tpu.memref_squeeze %dma_wait3A_187 : memref<1x384x32xf32, #tpu.memory_space<vmem>> -> memref<384x32xf32, #tpu.memory_space<vmem>>
        %dma_wait3A_189 = arith.constant 0 : i32
        %dma_wait3A_190 = arith.constant 0 : i32
        %dma_wait3A_191 = tpu.memref_slice %arg2[%dma_wait3A_175, %dma_wait3A_189, %dma_wait3A_190] : memref<2x50048x32xf32, #tpu.memory_space<hbm>> -> memref<1x384x32xf32, #tpu.memory_space<hbm>>
        %dma_wait3A_192 = tpu.memref_squeeze %dma_wait3A_191 : memref<1x384x32xf32, #tpu.memory_space<hbm>> -> memref<384x32xf32, #tpu.memory_space<hbm>>
        tpu.wait_dma2 semaphore(%arg15 : memref<!tpu.dma_semaphore, #tpu.memory_space<semaphore_mem>>) src(%dma_wait3A_192 : memref<384x32xf32, #tpu.memory_space<hbm>>) dst(%dma_wait3A_188 : memref<384x32xf32, #tpu.memory_space<vmem>>)
      } else {
      }
      %lt3A = arith.constant 131 : i32
      %lt3A_87 = arith.cmpi slt, %add3A_84, %lt3A : i32
      %convert_element_type3A_88 = arith.extui %lt3A_87 : i1 to i32
      %cond3A_89 = arith.constant 0 : i32
      %cond3A_90 = arith.cmpi ne, %convert_element_type3A_88, %cond3A_89 : i32
      scf.if %cond3A_90 {
        %add3A_175 = arith.constant 1 : i32
        %add3A_176 = arith.addi %add3A_84, %add3A_175 : i32
        %mul3A_177 = arith.constant 128 : i32
        %mul3A_178 = arith.muli %mul3A_2, %mul3A_177 : i32
        %mul3A_179 = arith.constant 384 : i32
        %mul3A_180 = arith.muli %add3A_176, %mul3A_179 : i32
        %add3A_181 = arith.addi %mul3A_178, %mul3A_180 : i32
        %dma_start3A_182 = arith.constant 1 : i32
        %dma_start3A_183 = arith.constant 0 : i32
        %dma_start3A_184 = tpu.memref_slice %arg6[%dma_start3A_182, %dma_start3A_183] : memref<2x384xi32, #tpu.memory_space<vmem>> -> memref<1x384xi32, #tpu.memory_space<vmem>>
        %dma_start3A_185 = tpu.memref_squeeze %dma_start3A_184 : memref<1x384xi32, #tpu.memory_space<vmem>> -> memref<384xi32, #tpu.memory_space<vmem>>
        %dma_start3A_186 = tpu.memref_slice %arg3[%add3A_181] : memref<811008xi32, #tpu.memory_space<hbm>> -> memref<384xi32, #tpu.memory_space<hbm>>
        %dma_start3A_187 = arith.constant 0 : i32
        %dma_start3A_188 = tpu.memref_slice %arg6[%dma_start3A_182, %dma_start3A_187] : memref<2x384xi32, #tpu.memory_space<vmem>> -> memref<1x384xi32, #tpu.memory_space<vmem>>
        %dma_start3A_189 = tpu.memref_squeeze %dma_start3A_188 : memref<1x384xi32, #tpu.memory_space<vmem>> -> memref<384xi32, #tpu.memory_space<vmem>>
        %dma_start3A_190 = tpu.memref_slice %arg3[%add3A_181] : memref<811008xi32, #tpu.memory_space<hbm>> -> memref<384xi32, #tpu.memory_space<hbm>>
        tpu.enqueue_dma source(%dma_start3A_190 : memref<384xi32, #tpu.memory_space<hbm>>) target(%dma_start3A_189 : memref<384xi32, #tpu.memory_space<vmem>>) target_semaphore(%arg13 : memref<!tpu.dma_semaphore, #tpu.memory_space<semaphore_mem>>)
        %dma_start3A_191 = arith.constant 1 : i32
        %dma_start3A_192 = arith.constant 0 : i32
        %dma_start3A_193 = tpu.memref_slice %arg7[%dma_start3A_191, %dma_start3A_192] : memref<2x384xi32, #tpu.memory_space<vmem>> -> memref<1x384xi32, #tpu.memory_space<vmem>>
        %dma_start3A_194 = tpu.memref_squeeze %dma_start3A_193 : memref<1x384xi32, #tpu.memory_space<vmem>> -> memref<384xi32, #tpu.memory_space<vmem>>
        %dma_start3A_195 = tpu.memref_slice %arg4[%add3A_181] : memref<811008xi32, #tpu.memory_space<hbm>> -> memref<384xi32, #tpu.memory_space<hbm>>
        %dma_start3A_196 = arith.constant 0 : i32
        %dma_start3A_197 = tpu.memref_slice %arg7[%dma_start3A_191, %dma_start3A_196] : memref<2x384xi32, #tpu.memory_space<vmem>> -> memref<1x384xi32, #tpu.memory_space<vmem>>
        %dma_start3A_198 = tpu.memref_squeeze %dma_start3A_197 : memref<1x384xi32, #tpu.memory_space<vmem>> -> memref<384xi32, #tpu.memory_space<vmem>>
        %dma_start3A_199 = tpu.memref_slice %arg4[%add3A_181] : memref<811008xi32, #tpu.memory_space<hbm>> -> memref<384xi32, #tpu.memory_space<hbm>>
        tpu.enqueue_dma source(%dma_start3A_199 : memref<384xi32, #tpu.memory_space<hbm>>) target(%dma_start3A_198 : memref<384xi32, #tpu.memory_space<vmem>>) target_semaphore(%arg13 : memref<!tpu.dma_semaphore, #tpu.memory_space<semaphore_mem>>)
      } else {
      }
      %dma_wait3A_91 = arith.constant 0 : i32
      %dma_wait3A_92 = arith.constant 0 : i32
      %dma_wait3A_93 = arith.constant 0 : i32
      %dma_wait3A_94 = arith.constant 0 : i32
      %dma_wait3A_95 = tpu.memref_slice %arg8[%dma_wait3A_92, %dma_wait3A_93, %dma_wait3A_94] : memref<2x384x32xf32, #tpu.memory_space<vmem>> -> memref<1x384x32xf32, #tpu.memory_space<vmem>>
      %dma_wait3A_96 = tpu.memref_squeeze %dma_wait3A_95 : memref<1x384x32xf32, #tpu.memory_space<vmem>> -> memref<384x32xf32, #tpu.memory_space<vmem>>
      %dma_wait3A_97 = arith.constant 0 : i32
      %dma_wait3A_98 = arith.constant 0 : i32
      %dma_wait3A_99 = tpu.memref_slice %arg2[%dma_wait3A_91, %dma_wait3A_97, %dma_wait3A_98] : memref<2x50048x32xf32, #tpu.memory_space<hbm>> -> memref<1x384x32xf32, #tpu.memory_space<hbm>>
      %dma_wait3A_100 = tpu.memref_squeeze %dma_wait3A_99 : memref<1x384x32xf32, #tpu.memory_space<hbm>> -> memref<384x32xf32, #tpu.memory_space<hbm>>
      %dma_wait3A_101 = arith.constant 0 : i32
      %dma_wait3A_102 = arith.constant 0 : i32
      %dma_wait3A_103 = tpu.memref_slice %arg8[%dma_wait3A_92, %dma_wait3A_101, %dma_wait3A_102] : memref<2x384x32xf32, #tpu.memory_space<vmem>> -> memref<1x384x32xf32, #tpu.memory_space<vmem>>
      %dma_wait3A_104 = tpu.memref_squeeze %dma_wait3A_103 : memref<1x384x32xf32, #tpu.memory_space<vmem>> -> memref<384x32xf32, #tpu.memory_space<vmem>>
      %dma_wait3A_105 = arith.constant 0 : i32
      %dma_wait3A_106 = arith.constant 0 : i32
      %dma_wait3A_107 = tpu.memref_slice %arg2[%dma_wait3A_91, %dma_wait3A_105, %dma_wait3A_106] : memref<2x50048x32xf32, #tpu.memory_space<hbm>> -> memref<1x384x32xf32, #tpu.memory_space<hbm>>
      %dma_wait3A_108 = tpu.memref_squeeze %dma_wait3A_107 : memref<1x384x32xf32, #tpu.memory_space<hbm>> -> memref<384x32xf32, #tpu.memory_space<hbm>>
      tpu.wait_dma2 semaphore(%arg10 : memref<!tpu.dma_semaphore, #tpu.memory_space<semaphore_mem>>) src(%dma_wait3A_108 : memref<384x32xf32, #tpu.memory_space<hbm>>) dst(%dma_wait3A_104 : memref<384x32xf32, #tpu.memory_space<vmem>>)
      %dma_start3A_109 = arith.constant 0 : i32
      %dma_start3A_110 = arith.constant 0 : i32
      %dma_start3A_111 = arith.constant 0 : i32
      %dma_start3A_112 = arith.constant 0 : i32
      %dma_start3A_113 = tpu.memref_slice %arg8[%dma_start3A_109, %dma_start3A_111, %dma_start3A_112] : memref<2x384x32xf32, #tpu.memory_space<vmem>> -> memref<1x384x32xf32, #tpu.memory_space<vmem>>
      %dma_start3A_114 = tpu.memref_squeeze %dma_start3A_113 : memref<1x384x32xf32, #tpu.memory_space<vmem>> -> memref<384x32xf32, #tpu.memory_space<vmem>>
      %dma_start3A_115 = arith.constant 0 : i32
      %dma_start3A_116 = tpu.memref_slice %arg7[%dma_start3A_110, %dma_start3A_115] : memref<2x384xi32, #tpu.memory_space<vmem>> -> memref<1x384xi32, #tpu.memory_space<vmem>>
      %dma_start3A_117 = tpu.memref_squeeze %dma_start3A_116 : memref<1x384xi32, #tpu.memory_space<vmem>> -> memref<384xi32, #tpu.memory_space<vmem>>
      %dma_start3A_118 = arith.constant 0 : i32
      %dma_start3A_119 = arith.constant 0 : i32
      %dma_start3A_120 = tpu.memref_slice %arg9[%dma_start3A_118, %dma_start3A_119] : memref<50048x32xf32, #tpu.memory_space<vmem_shared>> -> memref<50048x32xf32, #tpu.memory_space<vmem_shared>>
      tpu.enqueue_indirect_dma source(%dma_start3A_114 : memref<384x32xf32, #tpu.memory_space<vmem>>) target(%dma_start3A_120 : memref<50048x32xf32, #tpu.memory_space<vmem_shared>>) offsets(%dma_start3A_117 : memref<384xi32, #tpu.memory_space<vmem>>) semaphore(%arg14 : memref<!tpu.dma_semaphore, #tpu.memory_space<semaphore_mem>>) {add = true}
      %lt3A_121 = arith.constant 131 : i32
      %lt3A_122 = arith.cmpi slt, %add3A_84, %lt3A_121 : i32
      %convert_element_type3A_123 = arith.extui %lt3A_122 : i1 to i32
      %cond3A_124 = arith.constant 0 : i32
      %cond3A_125 = arith.cmpi ne, %convert_element_type3A_123, %cond3A_124 : i32
      scf.if %cond3A_125 {
        %add3A_175 = arith.constant 1 : i32
        %add3A_176 = arith.addi %add3A_84, %add3A_175 : i32
        %mul3A_177 = arith.constant 128 : i32
        %mul3A_178 = arith.muli %mul3A_2, %mul3A_177 : i32
        %mul3A_179 = arith.constant 384 : i32
        %mul3A_180 = arith.muli %add3A_176, %mul3A_179 : i32
        %add3A_181 = arith.addi %mul3A_178, %mul3A_180 : i32
        %dma_wait3A_182 = arith.constant 1 : i32
        %dma_wait3A_183 = arith.constant 0 : i32
        %dma_wait3A_184 = tpu.memref_slice %arg6[%dma_wait3A_182, %dma_wait3A_183] : memref<2x384xi32, #tpu.memory_space<vmem>> -> memref<1x384xi32, #tpu.memory_space<vmem>>
        %dma_wait3A_185 = tpu.memref_squeeze %dma_wait3A_184 : memref<1x384xi32, #tpu.memory_space<vmem>> -> memref<384xi32, #tpu.memory_space<vmem>>
        %dma_wait3A_186 = tpu.memref_slice %arg3[%add3A_181] : memref<811008xi32, #tpu.memory_space<hbm>> -> memref<384xi32, #tpu.memory_space<hbm>>
        %dma_wait3A_187 = arith.constant 0 : i32
        %dma_wait3A_188 = tpu.memref_slice %arg6[%dma_wait3A_182, %dma_wait3A_187] : memref<2x384xi32, #tpu.memory_space<vmem>> -> memref<1x384xi32, #tpu.memory_space<vmem>>
        %dma_wait3A_189 = tpu.memref_squeeze %dma_wait3A_188 : memref<1x384xi32, #tpu.memory_space<vmem>> -> memref<384xi32, #tpu.memory_space<vmem>>
        %dma_wait3A_190 = tpu.memref_slice %arg3[%add3A_181] : memref<811008xi32, #tpu.memory_space<hbm>> -> memref<384xi32, #tpu.memory_space<hbm>>
        tpu.wait_dma2 semaphore(%arg13 : memref<!tpu.dma_semaphore, #tpu.memory_space<semaphore_mem>>) src(%dma_wait3A_190 : memref<384xi32, #tpu.memory_space<hbm>>) dst(%dma_wait3A_189 : memref<384xi32, #tpu.memory_space<vmem>>)
        %dma_wait3A_191 = arith.constant 1 : i32
        %dma_wait3A_192 = arith.constant 0 : i32
        %dma_wait3A_193 = tpu.memref_slice %arg7[%dma_wait3A_191, %dma_wait3A_192] : memref<2x384xi32, #tpu.memory_space<vmem>> -> memref<1x384xi32, #tpu.memory_space<vmem>>
        %dma_wait3A_194 = tpu.memref_squeeze %dma_wait3A_193 : memref<1x384xi32, #tpu.memory_space<vmem>> -> memref<384xi32, #tpu.memory_space<vmem>>
        %dma_wait3A_195 = tpu.memref_slice %arg4[%add3A_181] : memref<811008xi32, #tpu.memory_space<hbm>> -> memref<384xi32, #tpu.memory_space<hbm>>
        %dma_wait3A_196 = arith.constant 0 : i32
        %dma_wait3A_197 = tpu.memref_slice %arg7[%dma_wait3A_191, %dma_wait3A_196] : memref<2x384xi32, #tpu.memory_space<vmem>> -> memref<1x384xi32, #tpu.memory_space<vmem>>
        %dma_wait3A_198 = tpu.memref_squeeze %dma_wait3A_197 : memref<1x384xi32, #tpu.memory_space<vmem>> -> memref<384xi32, #tpu.memory_space<vmem>>
        %dma_wait3A_199 = tpu.memref_slice %arg4[%add3A_181] : memref<811008xi32, #tpu.memory_space<hbm>> -> memref<384xi32, #tpu.memory_space<hbm>>
        tpu.wait_dma2 semaphore(%arg13 : memref<!tpu.dma_semaphore, #tpu.memory_space<semaphore_mem>>) src(%dma_wait3A_199 : memref<384xi32, #tpu.memory_space<hbm>>) dst(%dma_wait3A_198 : memref<384xi32, #tpu.memory_space<vmem>>)
        %dma_start3A_200 = arith.constant 1 : i32
        %dma_start3A_201 = arith.constant 1 : i32
        %dma_start3A_202 = arith.constant 0 : i32
        %dma_start3A_203 = arith.constant 0 : i32
        %dma_start3A_204 = tpu.memref_slice %arg8[%dma_start3A_201, %dma_start3A_202, %dma_start3A_203] : memref<2x384x32xf32, #tpu.memory_space<vmem>> -> memref<1x384x32xf32, #tpu.memory_space<vmem>>
        %dma_start3A_205 = tpu.memref_squeeze %dma_start3A_204 : memref<1x384x32xf32, #tpu.memory_space<vmem>> -> memref<384x32xf32, #tpu.memory_space<vmem>>
        %dma_start3A_206 = arith.constant 0 : i32
        %dma_start3A_207 = tpu.memref_slice %arg6[%dma_start3A_200, %dma_start3A_206] : memref<2x384xi32, #tpu.memory_space<vmem>> -> memref<1x384xi32, #tpu.memory_space<vmem>>
        %dma_start3A_208 = tpu.memref_squeeze %dma_start3A_207 : memref<1x384xi32, #tpu.memory_space<vmem>> -> memref<384xi32, #tpu.memory_space<vmem>>
        %dma_start3A_209 = arith.constant 0 : i32
        %dma_start3A_210 = arith.constant 0 : i32
        %dma_start3A_211 = tpu.memref_slice %arg2[%arg0, %dma_start3A_209, %dma_start3A_210] : memref<2x50048x32xf32, #tpu.memory_space<hbm>> -> memref<1x50048x32xf32, #tpu.memory_space<hbm>>
        %dma_start3A_212 = tpu.memref_squeeze %dma_start3A_211 : memref<1x50048x32xf32, #tpu.memory_space<hbm>> -> memref<50048x32xf32, #tpu.memory_space<hbm>>
        %dma_start3A_213 = arith.constant 0 : i32
        %dma_start3A_214 = arith.constant 0 : i32
        %dma_start3A_215 = tpu.memref_slice %dma_start3A_212[%dma_start3A_213, %dma_start3A_214] : memref<50048x32xf32, #tpu.memory_space<hbm>> -> memref<50048x32xf32, #tpu.memory_space<hbm>>
        tpu.enqueue_indirect_dma source(%dma_start3A_215 : memref<50048x32xf32, #tpu.memory_space<hbm>>) target(%dma_start3A_205 : memref<384x32xf32, #tpu.memory_space<vmem>>) offsets(%dma_start3A_208 : memref<384xi32, #tpu.memory_space<vmem>>) semaphore(%arg11 : memref<!tpu.dma_semaphore, #tpu.memory_space<semaphore_mem>>)
      } else {
      }
      %mul3A_126 = arith.constant 2 : i32
      %mul3A_127 = arith.muli %scan3A_80, %mul3A_126 : i32
      %add3A_128 = arith.constant 1 : i32
      %add3A_129 = arith.addi %mul3A_127, %add3A_128 : i32
      %ge3A_130 = arith.constant 1 : i32
      %ge3A_131 = arith.cmpi sge, %add3A_129, %ge3A_130 : i32
      %convert_element_type3A_132 = arith.extui %ge3A_131 : i1 to i32
      %cond3A_133 = arith.constant 0 : i32
      %cond3A_134 = arith.cmpi ne, %convert_element_type3A_132, %cond3A_133 : i32
      scf.if %cond3A_134 {
        %dma_wait3A_175 = arith.constant 0 : i32
        %dma_wait3A_176 = arith.constant 0 : i32
        %dma_wait3A_177 = arith.constant 0 : i32
        %dma_wait3A_178 = arith.constant 0 : i32
        %dma_wait3A_179 = tpu.memref_slice %arg8[%dma_wait3A_176, %dma_wait3A_177, %dma_wait3A_178] : memref<2x384x32xf32, #tpu.memory_space<vmem>> -> memref<1x384x32xf32, #tpu.memory_space<vmem>>
        %dma_wait3A_180 = tpu.memref_squeeze %dma_wait3A_179 : memref<1x384x32xf32, #tpu.memory_space<vmem>> -> memref<384x32xf32, #tpu.memory_space<vmem>>
        %dma_wait3A_181 = arith.constant 0 : i32
        %dma_wait3A_182 = arith.constant 0 : i32
        %dma_wait3A_183 = tpu.memref_slice %arg2[%dma_wait3A_175, %dma_wait3A_181, %dma_wait3A_182] : memref<2x50048x32xf32, #tpu.memory_space<hbm>> -> memref<1x384x32xf32, #tpu.memory_space<hbm>>
        %dma_wait3A_184 = tpu.memref_squeeze %dma_wait3A_183 : memref<1x384x32xf32, #tpu.memory_space<hbm>> -> memref<384x32xf32, #tpu.memory_space<hbm>>
        %dma_wait3A_185 = arith.constant 0 : i32
        %dma_wait3A_186 = arith.constant 0 : i32
        %dma_wait3A_187 = tpu.memref_slice %arg8[%dma_wait3A_176, %dma_wait3A_185, %dma_wait3A_186] : memref<2x384x32xf32, #tpu.memory_space<vmem>> -> memref<1x384x32xf32, #tpu.memory_space<vmem>>
        %dma_wait3A_188 = tpu.memref_squeeze %dma_wait3A_187 : memref<1x384x32xf32, #tpu.memory_space<vmem>> -> memref<384x32xf32, #tpu.memory_space<vmem>>
        %dma_wait3A_189 = arith.constant 0 : i32
        %dma_wait3A_190 = arith.constant 0 : i32
        %dma_wait3A_191 = tpu.memref_slice %arg2[%dma_wait3A_175, %dma_wait3A_189, %dma_wait3A_190] : memref<2x50048x32xf32, #tpu.memory_space<hbm>> -> memref<1x384x32xf32, #tpu.memory_space<hbm>>
        %dma_wait3A_192 = tpu.memref_squeeze %dma_wait3A_191 : memref<1x384x32xf32, #tpu.memory_space<hbm>> -> memref<384x32xf32, #tpu.memory_space<hbm>>
        tpu.wait_dma2 semaphore(%arg14 : memref<!tpu.dma_semaphore, #tpu.memory_space<semaphore_mem>>) src(%dma_wait3A_192 : memref<384x32xf32, #tpu.memory_space<hbm>>) dst(%dma_wait3A_188 : memref<384x32xf32, #tpu.memory_space<vmem>>)
      } else {
      }
      %lt3A_135 = arith.constant 131 : i32
      %lt3A_136 = arith.cmpi slt, %add3A_129, %lt3A_135 : i32
      %convert_element_type3A_137 = arith.extui %lt3A_136 : i1 to i32
      %cond3A_138 = arith.constant 0 : i32
      %cond3A_139 = arith.cmpi ne, %convert_element_type3A_137, %cond3A_138 : i32
      scf.if %cond3A_139 {
        %add3A_175 = arith.constant 1 : i32
        %add3A_176 = arith.addi %add3A_129, %add3A_175 : i32
        %mul3A_177 = arith.constant 128 : i32
        %mul3A_178 = arith.muli %mul3A_2, %mul3A_177 : i32
        %mul3A_179 = arith.constant 384 : i32
        %mul3A_180 = arith.muli %add3A_176, %mul3A_179 : i32
        %add3A_181 = arith.addi %mul3A_178, %mul3A_180 : i32
        %dma_start3A_182 = arith.constant 0 : i32
        %dma_start3A_183 = arith.constant 0 : i32
        %dma_start3A_184 = tpu.memref_slice %arg6[%dma_start3A_182, %dma_start3A_183] : memref<2x384xi32, #tpu.memory_space<vmem>> -> memref<1x384xi32, #tpu.memory_space<vmem>>
        %dma_start3A_185 = tpu.memref_squeeze %dma_start3A_184 : memref<1x384xi32, #tpu.memory_space<vmem>> -> memref<384xi32, #tpu.memory_space<vmem>>
        %dma_start3A_186 = tpu.memref_slice %arg3[%add3A_181] : memref<811008xi32, #tpu.memory_space<hbm>> -> memref<384xi32, #tpu.memory_space<hbm>>
        %dma_start3A_187 = arith.constant 0 : i32
        %dma_start3A_188 = tpu.memref_slice %arg6[%dma_start3A_182, %dma_start3A_187] : memref<2x384xi32, #tpu.memory_space<vmem>> -> memref<1x384xi32, #tpu.memory_space<vmem>>
        %dma_start3A_189 = tpu.memref_squeeze %dma_start3A_188 : memref<1x384xi32, #tpu.memory_space<vmem>> -> memref<384xi32, #tpu.memory_space<vmem>>
        %dma_start3A_190 = tpu.memref_slice %arg3[%add3A_181] : memref<811008xi32, #tpu.memory_space<hbm>> -> memref<384xi32, #tpu.memory_space<hbm>>
        tpu.enqueue_dma source(%dma_start3A_190 : memref<384xi32, #tpu.memory_space<hbm>>) target(%dma_start3A_189 : memref<384xi32, #tpu.memory_space<vmem>>) target_semaphore(%arg12 : memref<!tpu.dma_semaphore, #tpu.memory_space<semaphore_mem>>)
        %dma_start3A_191 = arith.constant 0 : i32
        %dma_start3A_192 = arith.constant 0 : i32
        %dma_start3A_193 = tpu.memref_slice %arg7[%dma_start3A_191, %dma_start3A_192] : memref<2x384xi32, #tpu.memory_space<vmem>> -> memref<1x384xi32, #tpu.memory_space<vmem>>
        %dma_start3A_194 = tpu.memref_squeeze %dma_start3A_193 : memref<1x384xi32, #tpu.memory_space<vmem>> -> memref<384xi32, #tpu.memory_space<vmem>>
        %dma_start3A_195 = tpu.memref_slice %arg4[%add3A_181] : memref<811008xi32, #tpu.memory_space<hbm>> -> memref<384xi32, #tpu.memory_space<hbm>>
        %dma_start3A_196 = arith.constant 0 : i32
        %dma_start3A_197 = tpu.memref_slice %arg7[%dma_start3A_191, %dma_start3A_196] : memref<2x384xi32, #tpu.memory_space<vmem>> -> memref<1x384xi32, #tpu.memory_space<vmem>>
        %dma_start3A_198 = tpu.memref_squeeze %dma_start3A_197 : memref<1x384xi32, #tpu.memory_space<vmem>> -> memref<384xi32, #tpu.memory_space<vmem>>
        %dma_start3A_199 = tpu.memref_slice %arg4[%add3A_181] : memref<811008xi32, #tpu.memory_space<hbm>> -> memref<384xi32, #tpu.memory_space<hbm>>
        tpu.enqueue_dma source(%dma_start3A_199 : memref<384xi32, #tpu.memory_space<hbm>>) target(%dma_start3A_198 : memref<384xi32, #tpu.memory_space<vmem>>) target_semaphore(%arg12 : memref<!tpu.dma_semaphore, #tpu.memory_space<semaphore_mem>>)
      } else {
      }
      %dma_wait3A_140 = arith.constant 0 : i32
      %dma_wait3A_141 = arith.constant 1 : i32
      %dma_wait3A_142 = arith.constant 0 : i32
      %dma_wait3A_143 = arith.constant 0 : i32
      %dma_wait3A_144 = tpu.memref_slice %arg8[%dma_wait3A_141, %dma_wait3A_142, %dma_wait3A_143] : memref<2x384x32xf32, #tpu.memory_space<vmem>> -> memref<1x384x32xf32, #tpu.memory_space<vmem>>
      %dma_wait3A_145 = tpu.memref_squeeze %dma_wait3A_144 : memref<1x384x32xf32, #tpu.memory_space<vmem>> -> memref<384x32xf32, #tpu.memory_space<vmem>>
      %dma_wait3A_146 = arith.constant 0 : i32
      %dma_wait3A_147 = arith.constant 0 : i32
      %dma_wait3A_148 = tpu.memref_slice %arg2[%dma_wait3A_140, %dma_wait3A_146, %dma_wait3A_147] : memref<2x50048x32xf32, #tpu.memory_space<hbm>> -> memref<1x384x32xf32, #tpu.memory_space<hbm>>
      %dma_wait3A_149 = tpu.memref_squeeze %dma_wait3A_148 : memref<1x384x32xf32, #tpu.memory_space<hbm>> -> memref<384x32xf32, #tpu.memory_space<hbm>>
      %dma_wait3A_150 = arith.constant 0 : i32
      %dma_wait3A_151 = arith.constant 0 : i32
      %dma_wait3A_152 = tpu.memref_slice %arg8[%dma_wait3A_141, %dma_wait3A_150, %dma_wait3A_151] : memref<2x384x32xf32, #tpu.memory_space<vmem>> -> memref<1x384x32xf32, #tpu.memory_space<vmem>>
      %dma_wait3A_153 = tpu.memref_squeeze %dma_wait3A_152 : memref<1x384x32xf32, #tpu.memory_space<vmem>> -> memref<384x32xf32, #tpu.memory_space<vmem>>
      %dma_wait3A_154 = arith.constant 0 : i32
      %dma_wait3A_155 = arith.constant 0 : i32
      %dma_wait3A_156 = tpu.memref_slice %arg2[%dma_wait3A_140, %dma_wait3A_154, %dma_wait3A_155] : memref<2x50048x32xf32, #tpu.memory_space<hbm>> -> memref<1x384x32xf32, #tpu.memory_space<hbm>>
      %dma_wait3A_157 = tpu.memref_squeeze %dma_wait3A_156 : memref<1x384x32xf32, #tpu.memory_space<hbm>> -> memref<384x32xf32, #tpu.memory_space<hbm>>
      tpu.wait_dma2 semaphore(%arg11 : memref<!tpu.dma_semaphore, #tpu.memory_space<semaphore_mem>>) src(%dma_wait3A_157 : memref<384x32xf32, #tpu.memory_space<hbm>>) dst(%dma_wait3A_153 : memref<384x32xf32, #tpu.memory_space<vmem>>)
      %dma_start3A_158 = arith.constant 1 : i32
      %dma_start3A_159 = arith.constant 1 : i32
      %dma_start3A_160 = arith.constant 0 : i32
      %dma_start3A_161 = arith.constant 0 : i32
      %dma_start3A_162 = tpu.memref_slice %arg8[%dma_start3A_158, %dma_start3A_160, %dma_start3A_161] : memref<2x384x32xf32, #tpu.memory_space<vmem>> -> memref<1x384x32xf32, #tpu.memory_space<vmem>>
      %dma_start3A_163 = tpu.memref_squeeze %dma_start3A_162 : memref<1x384x32xf32, #tpu.memory_space<vmem>> -> memref<384x32xf32, #tpu.memory_space<vmem>>
      %dma_start3A_164 = arith.constant 0 : i32
      %dma_start3A_165 = tpu.memref_slice %arg7[%dma_start3A_159, %dma_start3A_164] : memref<2x384xi32, #tpu.memory_space<vmem>> -> memref<1x384xi32, #tpu.memory_space<vmem>>
      %dma_start3A_166 = tpu.memref_squeeze %dma_start3A_165 : memref<1x384xi32, #tpu.memory_space<vmem>> -> memref<384xi32, #tpu.memory_space<vmem>>
      %dma_start3A_167 = arith.constant 0 : i32
      %dma_start3A_168 = arith.constant 0 : i32
      %dma_start3A_169 = tpu.memref_slice %arg9[%dma_start3A_167, %dma_start3A_168] : memref<50048x32xf32, #tpu.memory_space<vmem_shared>> -> memref<50048x32xf32, #tpu.memory_space<vmem_shared>>
      tpu.enqueue_indirect_dma source(%dma_start3A_163 : memref<384x32xf32, #tpu.memory_space<vmem>>) target(%dma_start3A_169 : memref<50048x32xf32, #tpu.memory_space<vmem_shared>>) offsets(%dma_start3A_166 : memref<384xi32, #tpu.memory_space<vmem>>) semaphore(%arg15 : memref<!tpu.dma_semaphore, #tpu.memory_space<semaphore_mem>>) {add = true}
      %lt3A_170 = arith.constant 131 : i32
      %lt3A_171 = arith.cmpi slt, %add3A_129, %lt3A_170 : i32
      %convert_element_type3A_172 = arith.extui %lt3A_171 : i1 to i32
      %cond3A_173 = arith.constant 0 : i32
      %cond3A_174 = arith.cmpi ne, %convert_element_type3A_172, %cond3A_173 : i32
      scf.if %cond3A_174 {
        %add3A_175 = arith.constant 1 : i32
        %add3A_176 = arith.addi %add3A_129, %add3A_175 : i32
        %mul3A_177 = arith.constant 128 : i32
        %mul3A_178 = arith.muli %mul3A_2, %mul3A_177 : i32
        %mul3A_179 = arith.constant 384 : i32
        %mul3A_180 = arith.muli %add3A_176, %mul3A_179 : i32
        %add3A_181 = arith.addi %mul3A_178, %mul3A_180 : i32
        %dma_wait3A_182 = arith.constant 0 : i32
        %dma_wait3A_183 = arith.constant 0 : i32
        %dma_wait3A_184 = tpu.memref_slice %arg6[%dma_wait3A_182, %dma_wait3A_183] : memref<2x384xi32, #tpu.memory_space<vmem>> -> memref<1x384xi32, #tpu.memory_space<vmem>>
        %dma_wait3A_185 = tpu.memref_squeeze %dma_wait3A_184 : memref<1x384xi32, #tpu.memory_space<vmem>> -> memref<384xi32, #tpu.memory_space<vmem>>
        %dma_wait3A_186 = tpu.memref_slice %arg3[%add3A_181] : memref<811008xi32, #tpu.memory_space<hbm>> -> memref<384xi32, #tpu.memory_space<hbm>>
        %dma_wait3A_187 = arith.constant 0 : i32
        %dma_wait3A_188 = tpu.memref_slice %arg6[%dma_wait3A_182, %dma_wait3A_187] : memref<2x384xi32, #tpu.memory_space<vmem>> -> memref<1x384xi32, #tpu.memory_space<vmem>>
        %dma_wait3A_189 = tpu.memref_squeeze %dma_wait3A_188 : memref<1x384xi32, #tpu.memory_space<vmem>> -> memref<384xi32, #tpu.memory_space<vmem>>
        %dma_wait3A_190 = tpu.memref_slice %arg3[%add3A_181] : memref<811008xi32, #tpu.memory_space<hbm>> -> memref<384xi32, #tpu.memory_space<hbm>>
        tpu.wait_dma2 semaphore(%arg12 : memref<!tpu.dma_semaphore, #tpu.memory_space<semaphore_mem>>) src(%dma_wait3A_190 : memref<384xi32, #tpu.memory_space<hbm>>) dst(%dma_wait3A_189 : memref<384xi32, #tpu.memory_space<vmem>>)
        %dma_wait3A_191 = arith.constant 0 : i32
        %dma_wait3A_192 = arith.constant 0 : i32
        %dma_wait3A_193 = tpu.memref_slice %arg7[%dma_wait3A_191, %dma_wait3A_192] : memref<2x384xi32, #tpu.memory_space<vmem>> -> memref<1x384xi32, #tpu.memory_space<vmem>>
        %dma_wait3A_194 = tpu.memref_squeeze %dma_wait3A_193 : memref<1x384xi32, #tpu.memory_space<vmem>> -> memref<384xi32, #tpu.memory_space<vmem>>
        %dma_wait3A_195 = tpu.memref_slice %arg4[%add3A_181] : memref<811008xi32, #tpu.memory_space<hbm>> -> memref<384xi32, #tpu.memory_space<hbm>>
        %dma_wait3A_196 = arith.constant 0 : i32
        %dma_wait3A_197 = tpu.memref_slice %arg7[%dma_wait3A_191, %dma_wait3A_196] : memref<2x384xi32, #tpu.memory_space<vmem>> -> memref<1x384xi32, #tpu.memory_space<vmem>>
        %dma_wait3A_198 = tpu.memref_squeeze %dma_wait3A_197 : memref<1x384xi32, #tpu.memory_space<vmem>> -> memref<384xi32, #tpu.memory_space<vmem>>
        %dma_wait3A_199 = tpu.memref_slice %arg4[%add3A_181] : memref<811008xi32, #tpu.memory_space<hbm>> -> memref<384xi32, #tpu.memory_space<hbm>>
        tpu.wait_dma2 semaphore(%arg12 : memref<!tpu.dma_semaphore, #tpu.memory_space<semaphore_mem>>) src(%dma_wait3A_199 : memref<384xi32, #tpu.memory_space<hbm>>) dst(%dma_wait3A_198 : memref<384xi32, #tpu.memory_space<vmem>>)
        %dma_start3A_200 = arith.constant 0 : i32
        %dma_start3A_201 = arith.constant 0 : i32
        %dma_start3A_202 = arith.constant 0 : i32
        %dma_start3A_203 = arith.constant 0 : i32
        %dma_start3A_204 = tpu.memref_slice %arg8[%dma_start3A_201, %dma_start3A_202, %dma_start3A_203] : memref<2x384x32xf32, #tpu.memory_space<vmem>> -> memref<1x384x32xf32, #tpu.memory_space<vmem>>
        %dma_start3A_205 = tpu.memref_squeeze %dma_start3A_204 : memref<1x384x32xf32, #tpu.memory_space<vmem>> -> memref<384x32xf32, #tpu.memory_space<vmem>>
        %dma_start3A_206 = arith.constant 0 : i32
        %dma_start3A_207 = tpu.memref_slice %arg6[%dma_start3A_200, %dma_start3A_206] : memref<2x384xi32, #tpu.memory_space<vmem>> -> memref<1x384xi32, #tpu.memory_space<vmem>>
        %dma_start3A_208 = tpu.memref_squeeze %dma_start3A_207 : memref<1x384xi32, #tpu.memory_space<vmem>> -> memref<384xi32, #tpu.memory_space<vmem>>
        %dma_start3A_209 = arith.constant 0 : i32
        %dma_start3A_210 = arith.constant 0 : i32
        %dma_start3A_211 = tpu.memref_slice %arg2[%arg0, %dma_start3A_209, %dma_start3A_210] : memref<2x50048x32xf32, #tpu.memory_space<hbm>> -> memref<1x50048x32xf32, #tpu.memory_space<hbm>>
        %dma_start3A_212 = tpu.memref_squeeze %dma_start3A_211 : memref<1x50048x32xf32, #tpu.memory_space<hbm>> -> memref<50048x32xf32, #tpu.memory_space<hbm>>
        %dma_start3A_213 = arith.constant 0 : i32
        %dma_start3A_214 = arith.constant 0 : i32
        %dma_start3A_215 = tpu.memref_slice %dma_start3A_212[%dma_start3A_213, %dma_start3A_214] : memref<50048x32xf32, #tpu.memory_space<hbm>> -> memref<50048x32xf32, #tpu.memory_space<hbm>>
        tpu.enqueue_indirect_dma source(%dma_start3A_215 : memref<50048x32xf32, #tpu.memory_space<hbm>>) target(%dma_start3A_205 : memref<384x32xf32, #tpu.memory_space<vmem>>) offsets(%dma_start3A_208 : memref<384xi32, #tpu.memory_space<vmem>>) semaphore(%arg10 : memref<!tpu.dma_semaphore, #tpu.memory_space<semaphore_mem>>)
      } else {
      }
    }
    %scan3A_60 = arith.constant 66 : i32
    %dma_wait3A_61 = arith.constant 0 : i32
    %dma_wait3A_62 = arith.constant 1 : i32
    %dma_wait3A_63 = arith.constant 0 : i32
    %dma_wait3A_64 = arith.constant 0 : i32
    %dma_wait3A_65 = tpu.memref_slice %arg8[%dma_wait3A_62, %dma_wait3A_63, %dma_wait3A_64] : memref<2x384x32xf32, #tpu.memory_space<vmem>> -> memref<1x384x32xf32, #tpu.memory_space<vmem>>
    %dma_wait3A_66 = tpu.memref_squeeze %dma_wait3A_65 : memref<1x384x32xf32, #tpu.memory_space<vmem>> -> memref<384x32xf32, #tpu.memory_space<vmem>>
    %dma_wait3A_67 = arith.constant 0 : i32
    %dma_wait3A_68 = arith.constant 0 : i32
    %dma_wait3A_69 = tpu.memref_slice %arg2[%dma_wait3A_61, %dma_wait3A_67, %dma_wait3A_68] : memref<2x50048x32xf32, #tpu.memory_space<hbm>> -> memref<1x384x32xf32, #tpu.memory_space<hbm>>
    %dma_wait3A_70 = tpu.memref_squeeze %dma_wait3A_69 : memref<1x384x32xf32, #tpu.memory_space<hbm>> -> memref<384x32xf32, #tpu.memory_space<hbm>>
    %dma_wait3A_71 = arith.constant 0 : i32
    %dma_wait3A_72 = arith.constant 0 : i32
    %dma_wait3A_73 = tpu.memref_slice %arg8[%dma_wait3A_62, %dma_wait3A_71, %dma_wait3A_72] : memref<2x384x32xf32, #tpu.memory_space<vmem>> -> memref<1x384x32xf32, #tpu.memory_space<vmem>>
    %dma_wait3A_74 = tpu.memref_squeeze %dma_wait3A_73 : memref<1x384x32xf32, #tpu.memory_space<vmem>> -> memref<384x32xf32, #tpu.memory_space<vmem>>
    %dma_wait3A_75 = arith.constant 0 : i32
    %dma_wait3A_76 = arith.constant 0 : i32
    %dma_wait3A_77 = tpu.memref_slice %arg2[%dma_wait3A_61, %dma_wait3A_75, %dma_wait3A_76] : memref<2x50048x32xf32, #tpu.memory_space<hbm>> -> memref<1x384x32xf32, #tpu.memory_space<hbm>>
    %dma_wait3A_78 = tpu.memref_squeeze %dma_wait3A_77 : memref<1x384x32xf32, #tpu.memory_space<hbm>> -> memref<384x32xf32, #tpu.memory_space<hbm>>
    tpu.wait_dma2 semaphore(%arg15 : memref<!tpu.dma_semaphore, #tpu.memory_space<semaphore_mem>>) src(%dma_wait3A_78 : memref<384x32xf32, #tpu.memory_space<hbm>>) dst(%dma_wait3A_74 : memref<384x32xf32, #tpu.memory_space<vmem>>)
    %barrier3A_79 = arith.constant 0 : index
    tpu.barrier barrier_id(%barrier3A_79)
    "tpu.region"() ({
      %run_scoped3A = tpu.sem_alloc : memref<!tpu.dma_semaphore, #tpu.memory_space<semaphore_mem>>
      %dma_start3A_80 = arith.constant 0 : i32
      %dma_start3A_81 = tpu.memref_slice %arg5[%arg0, %mul3A_0, %dma_start3A_80] : memref<2x50048x32xf32, #tpu.memory_space<hbm>> -> memref<1x3128x32xf32, #tpu.memory_space<hbm>>
      %dma_start3A_82 = tpu.memref_squeeze %dma_start3A_81 : memref<1x3128x32xf32, #tpu.memory_space<hbm>> -> memref<3128x32xf32, #tpu.memory_space<hbm>>
      %dma_start3A_83 = arith.constant 0 : i32
      %dma_start3A_84 = tpu.memref_slice %arg9[%mul3A_0, %dma_start3A_83] : memref<50048x32xf32, #tpu.memory_space<vmem_shared>> -> memref<3128x32xf32, #tpu.memory_space<vmem_shared>>
      tpu.enqueue_dma source(%dma_start3A_84 : memref<3128x32xf32, #tpu.memory_space<vmem_shared>>) target(%dma_start3A_82 : memref<3128x32xf32, #tpu.memory_space<hbm>>) target_semaphore(%run_scoped3A : memref<!tpu.dma_semaphore, #tpu.memory_space<semaphore_mem>>)
      %dma_wait3A_85 = arith.constant 0 : i32
      %dma_wait3A_86 = tpu.memref_slice %arg5[%arg0, %mul3A_0, %dma_wait3A_85] : memref<2x50048x32xf32, #tpu.memory_space<hbm>> -> memref<1x3128x32xf32, #tpu.memory_space<hbm>>
      %dma_wait3A_87 = tpu.memref_squeeze %dma_wait3A_86 : memref<1x3128x32xf32, #tpu.memory_space<hbm>> -> memref<3128x32xf32, #tpu.memory_space<hbm>>
      %dma_wait3A_88 = arith.constant 0 : i32
      %dma_wait3A_89 = tpu.memref_slice %arg9[%mul3A_0, %dma_wait3A_88] : memref<50048x32xf32, #tpu.memory_space<vmem_shared>> -> memref<3128x32xf32, #tpu.memory_space<vmem_shared>>
      tpu.wait_dma2 semaphore(%run_scoped3A : memref<!tpu.dma_semaphore, #tpu.memory_space<semaphore_mem>>) src(%dma_wait3A_89 : memref<3128x32xf32, #tpu.memory_space<vmem_shared>>) dst(%dma_wait3A_87 : memref<3128x32xf32, #tpu.memory_space<hbm>>)
      tpu.yield
    }) : () -> ()
    return
  }
}

#map = affine_map<(d0, d1) -> (0, 0, 0)>
#map1 = affine_map<(d0, d1) -> (0)>
module attributes {stable_mosaic.version = 14 : i64} {
  func.func @agg(%arg0: i32, %arg1: i32, %arg2: memref<2x50048x32xf32, #tpu.memory_space<hbm>>, %arg3: memref<811008xi32, #tpu.memory_space<hbm>>, %arg4: memref<811008xi32, #tpu.memory_space<hbm>>, %arg5: memref<2x50048x32xf32, #tpu.memory_space<hbm>>, %arg6: memref<2x384xi32, #tpu.memory_space<vmem>>, %arg7: memref<2x384xi32, #tpu.memory_space<vmem>>, %arg8: memref<2x384x32xf32, #tpu.memory_space<vmem>>, %arg9: memref<50048x32xf32, #tpu.memory_space<vmem_shared>>, %arg10: memref<!tpu.dma_semaphore, #tpu.memory_space<semaphore_mem>>, %arg11: memref<!tpu.dma_semaphore, #tpu.memory_space<semaphore_mem>>, %arg12: memref<!tpu.dma_semaphore, #tpu.memory_space<semaphore_mem>>, %arg13: memref<!tpu.dma_semaphore, #tpu.memory_space<semaphore_mem>>, %arg14: memref<!tpu.dma_semaphore, #tpu.memory_space<semaphore_mem>>, %arg15: memref<!tpu.dma_semaphore, #tpu.memory_space<semaphore_mem>>) attributes {dimension_semantics = [#tpu.dimension_semantics<core_parallel>, #tpu.dimension_semantics<subcore_parallel>], iteration_bounds = array<i64: 2, 16>, scalar_prefetch = 0 : i64, scratch_operands = 10 : i64, tpu.core_type = #tpu.core_type<sc_vector_subcore>, window_params = [{transform_indices = #map}, {transform_indices = #map1}, {transform_indices = #map1}, {transform_indices = #map}]} {
    %mul3A = arith.constant 3128 : i32
    %mul3A_0 = arith.muli %arg1, %mul3A : i32
    "tpu.region"() ({
      %run_scoped3A = tpu.sem_alloc : memref<!tpu.dma_semaphore, #tpu.memory_space<semaphore_mem>>
      %dma_start3A_80 = arith.constant 0 : i32
      %dma_start3A_81 = tpu.memref_slice %arg9[%mul3A_0, %dma_start3A_80] : memref<50048x32xf32, #tpu.memory_space<vmem_shared>> -> memref<3128x32xf32, #tpu.memory_space<vmem_shared>>
      %dma_start3A_82 = arith.constant 0 : i32
      %dma_start3A_83 = tpu.memref_slice %arg2[%arg0, %mul3A_0, %dma_start3A_82] : memref<2x50048x32xf32, #tpu.memory_space<hbm>> -> memref<1x3128x32xf32, #tpu.memory_space<hbm>>
      %dma_start3A_84 = tpu.memref_squeeze %dma_start3A_83 : memref<1x3128x32xf32, #tpu.memory_space<hbm>> -> memref<3128x32xf32, #tpu.memory_space<hbm>>
      tpu.enqueue_dma source(%dma_start3A_84 : memref<3128x32xf32, #tpu.memory_space<hbm>>) target(%dma_start3A_81 : memref<3128x32xf32, #tpu.memory_space<vmem_shared>>) target_semaphore(%run_scoped3A : memref<!tpu.dma_semaphore, #tpu.memory_space<semaphore_mem>>)
      %dma_wait3A_85 = arith.constant 0 : i32
      %dma_wait3A_86 = tpu.memref_slice %arg9[%mul3A_0, %dma_wait3A_85] : memref<50048x32xf32, #tpu.memory_space<vmem_shared>> -> memref<3128x32xf32, #tpu.memory_space<vmem_shared>>
      %dma_wait3A_87 = arith.constant 0 : i32
      %dma_wait3A_88 = tpu.memref_slice %arg2[%arg0, %mul3A_0, %dma_wait3A_87] : memref<2x50048x32xf32, #tpu.memory_space<hbm>> -> memref<1x3128x32xf32, #tpu.memory_space<hbm>>
      %dma_wait3A_89 = tpu.memref_squeeze %dma_wait3A_88 : memref<1x3128x32xf32, #tpu.memory_space<hbm>> -> memref<3128x32xf32, #tpu.memory_space<hbm>>
      tpu.wait_dma2 semaphore(%run_scoped3A : memref<!tpu.dma_semaphore, #tpu.memory_space<semaphore_mem>>) src(%dma_wait3A_89 : memref<3128x32xf32, #tpu.memory_space<hbm>>) dst(%dma_wait3A_86 : memref<3128x32xf32, #tpu.memory_space<vmem_shared>>)
      tpu.yield
    }) : () -> ()
    %barrier3A = arith.constant 0 : index
    tpu.barrier barrier_id(%barrier3A)
    %mul3A_1 = arith.constant 396 : i32
    %mul3A_2 = arith.muli %arg1, %mul3A_1 : i32
    %mul3A_3 = arith.constant 128 : i32
    %mul3A_4 = arith.muli %mul3A_2, %mul3A_3 : i32
    %add3A = arith.constant 0 : i32
    %add3A_5 = arith.addi %mul3A_4, %add3A : i32
    %dma_start3A = arith.constant 0 : i32
    %dma_start3A_6 = arith.constant 0 : i32
    %dma_start3A_7 = tpu.memref_slice %arg6[%dma_start3A, %dma_start3A_6] : memref<2x384xi32, #tpu.memory_space<vmem>> -> memref<1x384xi32, #tpu.memory_space<vmem>>
    %dma_start3A_8 = tpu.memref_squeeze %dma_start3A_7 : memref<1x384xi32, #tpu.memory_space<vmem>> -> memref<384xi32, #tpu.memory_space<vmem>>
    %dma_start3A_9 = tpu.memref_slice %arg3[%add3A_5] : memref<811008xi32, #tpu.memory_space<hbm>> -> memref<384xi32, #tpu.memory_space<hbm>>
    %dma_start3A_10 = arith.constant 0 : i32
    %dma_start3A_11 = tpu.memref_slice %arg6[%dma_start3A, %dma_start3A_10] : memref<2x384xi32, #tpu.memory_space<vmem>> -> memref<1x384xi32, #tpu.memory_space<vmem>>
    %dma_start3A_12 = tpu.memref_squeeze %dma_start3A_11 : memref<1x384xi32, #tpu.memory_space<vmem>> -> memref<384xi32, #tpu.memory_space<vmem>>
    %dma_start3A_13 = tpu.memref_slice %arg3[%add3A_5] : memref<811008xi32, #tpu.memory_space<hbm>> -> memref<384xi32, #tpu.memory_space<hbm>>
    tpu.enqueue_dma source(%dma_start3A_13 : memref<384xi32, #tpu.memory_space<hbm>>) target(%dma_start3A_12 : memref<384xi32, #tpu.memory_space<vmem>>) target_semaphore(%arg12 : memref<!tpu.dma_semaphore, #tpu.memory_space<semaphore_mem>>)
    %dma_start3A_14 = arith.constant 0 : i32
    %dma_start3A_15 = arith.constant 0 : i32
    %dma_start3A_16 = tpu.memref_slice %arg7[%dma_start3A_14, %dma_start3A_15] : memref<2x384xi32, #tpu.memory_space<vmem>> -> memref<1x384xi32, #tpu.memory_space<vmem>>
    %dma_start3A_17 = tpu.memref_squeeze %dma_start3A_16 : memref<1x384xi32, #tpu.memory_space<vmem>> -> memref<384xi32, #tpu.memory_space<vmem>>
    %dma_start3A_18 = tpu.memref_slice %arg4[%add3A_5] : memref<811008xi32, #tpu.memory_space<hbm>> -> memref<384xi32, #tpu.memory_space<hbm>>
    %dma_start3A_19 = arith.constant 0 : i32
    %dma_start3A_20 = tpu.memref_slice %arg7[%dma_start3A_14, %dma_start3A_19] : memref<2x384xi32, #tpu.memory_space<vmem>> -> memref<1x384xi32, #tpu.memory_space<vmem>>
    %dma_start3A_21 = tpu.memref_squeeze %dma_start3A_20 : memref<1x384xi32, #tpu.memory_space<vmem>> -> memref<384xi32, #tpu.memory_space<vmem>>
    %dma_start3A_22 = tpu.memref_slice %arg4[%add3A_5] : memref<811008xi32, #tpu.memory_space<hbm>> -> memref<384xi32, #tpu.memory_space<hbm>>
    tpu.enqueue_dma source(%dma_start3A_22 : memref<384xi32, #tpu.memory_space<hbm>>) target(%dma_start3A_21 : memref<384xi32, #tpu.memory_space<vmem>>) target_semaphore(%arg12 : memref<!tpu.dma_semaphore, #tpu.memory_space<semaphore_mem>>)
    %dma_wait3A = arith.constant 0 : i32
    %dma_wait3A_23 = arith.constant 0 : i32
    %dma_wait3A_24 = tpu.memref_slice %arg6[%dma_wait3A, %dma_wait3A_23] : memref<2x384xi32, #tpu.memory_space<vmem>> -> memref<1x384xi32, #tpu.memory_space<vmem>>
    %dma_wait3A_25 = tpu.memref_squeeze %dma_wait3A_24 : memref<1x384xi32, #tpu.memory_space<vmem>> -> memref<384xi32, #tpu.memory_space<vmem>>
    %dma_wait3A_26 = tpu.memref_slice %arg3[%add3A_5] : memref<811008xi32, #tpu.memory_space<hbm>> -> memref<384xi32, #tpu.memory_space<hbm>>
    %dma_wait3A_27 = arith.constant 0 : i32
    %dma_wait3A_28 = tpu.memref_slice %arg6[%dma_wait3A, %dma_wait3A_27] : memref<2x384xi32, #tpu.memory_space<vmem>> -> memref<1x384xi32, #tpu.memory_space<vmem>>
    %dma_wait3A_29 = tpu.memref_squeeze %dma_wait3A_28 : memref<1x384xi32, #tpu.memory_space<vmem>> -> memref<384xi32, #tpu.memory_space<vmem>>
    %dma_wait3A_30 = tpu.memref_slice %arg3[%add3A_5] : memref<811008xi32, #tpu.memory_space<hbm>> -> memref<384xi32, #tpu.memory_space<hbm>>
    tpu.wait_dma2 semaphore(%arg12 : memref<!tpu.dma_semaphore, #tpu.memory_space<semaphore_mem>>) src(%dma_wait3A_30 : memref<384xi32, #tpu.memory_space<hbm>>) dst(%dma_wait3A_29 : memref<384xi32, #tpu.memory_space<vmem>>)
    %dma_wait3A_31 = arith.constant 0 : i32
    %dma_wait3A_32 = arith.constant 0 : i32
    %dma_wait3A_33 = tpu.memref_slice %arg7[%dma_wait3A_31, %dma_wait3A_32] : memref<2x384xi32, #tpu.memory_space<vmem>> -> memref<1x384xi32, #tpu.memory_space<vmem>>
    %dma_wait3A_34 = tpu.memref_squeeze %dma_wait3A_33 : memref<1x384xi32, #tpu.memory_space<vmem>> -> memref<384xi32, #tpu.memory_space<vmem>>
    %dma_wait3A_35 = tpu.memref_slice %arg4[%add3A_5] : memref<811008xi32, #tpu.memory_space<hbm>> -> memref<384xi32, #tpu.memory_space<hbm>>
    %dma_wait3A_36 = arith.constant 0 : i32
    %dma_wait3A_37 = tpu.memref_slice %arg7[%dma_wait3A_31, %dma_wait3A_36] : memref<2x384xi32, #tpu.memory_space<vmem>> -> memref<1x384xi32, #tpu.memory_space<vmem>>
    %dma_wait3A_38 = tpu.memref_squeeze %dma_wait3A_37 : memref<1x384xi32, #tpu.memory_space<vmem>> -> memref<384xi32, #tpu.memory_space<vmem>>
    %dma_wait3A_39 = tpu.memref_slice %arg4[%add3A_5] : memref<811008xi32, #tpu.memory_space<hbm>> -> memref<384xi32, #tpu.memory_space<hbm>>
    tpu.wait_dma2 semaphore(%arg12 : memref<!tpu.dma_semaphore, #tpu.memory_space<semaphore_mem>>) src(%dma_wait3A_39 : memref<384xi32, #tpu.memory_space<hbm>>) dst(%dma_wait3A_38 : memref<384xi32, #tpu.memory_space<vmem>>)
    %dma_start3A_40 = arith.constant 0 : i32
    %dma_start3A_41 = arith.constant 0 : i32
    %dma_start3A_42 = arith.constant 0 : i32
    %dma_start3A_43 = arith.constant 0 : i32
    %dma_start3A_44 = tpu.memref_slice %arg8[%dma_start3A_41, %dma_start3A_42, %dma_start3A_43] : memref<2x384x32xf32, #tpu.memory_space<vmem>> -> memref<1x384x32xf32, #tpu.memory_space<vmem>>
    %dma_start3A_45 = tpu.memref_squeeze %dma_start3A_44 : memref<1x384x32xf32, #tpu.memory_space<vmem>> -> memref<384x32xf32, #tpu.memory_space<vmem>>
    %dma_start3A_46 = arith.constant 0 : i32
    %dma_start3A_47 = tpu.memref_slice %arg6[%dma_start3A_40, %dma_start3A_46] : memref<2x384xi32, #tpu.memory_space<vmem>> -> memref<1x384xi32, #tpu.memory_space<vmem>>
    %dma_start3A_48 = tpu.memref_squeeze %dma_start3A_47 : memref<1x384xi32, #tpu.memory_space<vmem>> -> memref<384xi32, #tpu.memory_space<vmem>>
    %dma_start3A_49 = arith.constant 0 : i32
    %dma_start3A_50 = arith.constant 0 : i32
    %dma_start3A_51 = tpu.memref_slice %arg2[%arg0, %dma_start3A_49, %dma_start3A_50] : memref<2x50048x32xf32, #tpu.memory_space<hbm>> -> memref<1x50048x32xf32, #tpu.memory_space<hbm>>
    %dma_start3A_52 = tpu.memref_squeeze %dma_start3A_51 : memref<1x50048x32xf32, #tpu.memory_space<hbm>> -> memref<50048x32xf32, #tpu.memory_space<hbm>>
    %dma_start3A_53 = arith.constant 0 : i32
    %dma_start3A_54 = arith.constant 0 : i32
    %dma_start3A_55 = tpu.memref_slice %dma_start3A_52[%dma_start3A_53, %dma_start3A_54] : memref<50048x32xf32, #tpu.memory_space<hbm>> -> memref<50048x32xf32, #tpu.memory_space<hbm>>
    tpu.enqueue_indirect_dma source(%dma_start3A_55 : memref<50048x32xf32, #tpu.memory_space<hbm>>) target(%dma_start3A_45 : memref<384x32xf32, #tpu.memory_space<vmem>>) offsets(%dma_start3A_48 : memref<384xi32, #tpu.memory_space<vmem>>) semaphore(%arg10 : memref<!tpu.dma_semaphore, #tpu.memory_space<semaphore_mem>>)
    %scan3A = arith.constant 0 : i32
    %scan3A_56 = arith.constant 0 : i32
    %scan3A_57 = arith.constant 66 : i32
    %scan3A_58 = arith.addi %scan3A_56, %scan3A_57 : i32
    %scan3A_59 = arith.constant 1 : i32
    scf.for %scan3A_80 = %scan3A_56 to %scan3A_58 step %scan3A_59  : i32 {
      %mul3A_81 = arith.constant 2 : i32
      %mul3A_82 = arith.muli %scan3A_80, %mul3A_81 : i32
      %add3A_83 = arith.constant 0 : i32
      %add3A_84 = arith.addi %mul3A_82, %add3A_83 : i32
      %ge3A = arith.constant 1 : i32
      %ge3A_85 = arith.cmpi sge, %add3A_84, %ge3A : i32
      %convert_element_type3A = arith.extui %ge3A_85 : i1 to i32
      %cond3A = arith.constant 0 : i32
      %cond3A_86 = arith.cmpi ne, %convert_element_type3A, %cond3A : i32
      scf.if %cond3A_86 {
        %dma_wait3A_175 = arith.constant 0 : i32
        %dma_wait3A_176 = arith.constant 1 : i32
        %dma_wait3A_177 = arith.constant 0 : i32
        %dma_wait3A_178 = arith.constant 0 : i32
        %dma_wait3A_179 = tpu.memref_slice %arg8[%dma_wait3A_176, %dma_wait3A_177, %dma_wait3A_178] : memref<2x384x32xf32, #tpu.memory_space<vmem>> -> memref<1x384x32xf32, #tpu.memory_space<vmem>>
        %dma_wait3A_180 = tpu.memref_squeeze %dma_wait3A_179 : memref<1x384x32xf32, #tpu.memory_space<vmem>> -> memref<384x32xf32, #tpu.memory_space<vmem>>
        %dma_wait3A_181 = arith.constant 0 : i32
        %dma_wait3A_182 = arith.constant 0 : i32
        %dma_wait3A_183 = tpu.memref_slice %arg2[%dma_wait3A_175, %dma_wait3A_181, %dma_wait3A_182] : memref<2x50048x32xf32, #tpu.memory_space<hbm>> -> memref<1x384x32xf32, #tpu.memory_space<hbm>>
        %dma_wait3A_184 = tpu.memref_squeeze %dma_wait3A_183 : memref<1x384x32xf32, #tpu.memory_space<hbm>> -> memref<384x32xf32, #tpu.memory_space<hbm>>
        %dma_wait3A_185 = arith.constant 0 : i32
        %dma_wait3A_186 = arith.constant 0 : i32
        %dma_wait3A_187 = tpu.memref_slice %arg8[%dma_wait3A_176, %dma_wait3A_185, %dma_wait3A_186] : memref<2x384x32xf32, #tpu.memory_space<vmem>> -> memref<1x384x32xf32, #tpu.memory_space<vmem>>
        %dma_wait3A_188 = tpu.memref_squeeze %dma_wait3A_187 : memref<1x384x32xf32, #tpu.memory_space<vmem>> -> memref<384x32xf32, #tpu.memory_space<vmem>>
        %dma_wait3A_189 = arith.constant 0 : i32
        %dma_wait3A_190 = arith.constant 0 : i32
        %dma_wait3A_191 = tpu.memref_slice %arg2[%dma_wait3A_175, %dma_wait3A_189, %dma_wait3A_190] : memref<2x50048x32xf32, #tpu.memory_space<hbm>> -> memref<1x384x32xf32, #tpu.memory_space<hbm>>
        %dma_wait3A_192 = tpu.memref_squeeze %dma_wait3A_191 : memref<1x384x32xf32, #tpu.memory_space<hbm>> -> memref<384x32xf32, #tpu.memory_space<hbm>>
        tpu.wait_dma2 semaphore(%arg15 : memref<!tpu.dma_semaphore, #tpu.memory_space<semaphore_mem>>) src(%dma_wait3A_192 : memref<384x32xf32, #tpu.memory_space<hbm>>) dst(%dma_wait3A_188 : memref<384x32xf32, #tpu.memory_space<vmem>>)
      } else {
      }
      %lt3A = arith.constant 131 : i32
      %lt3A_87 = arith.cmpi slt, %add3A_84, %lt3A : i32
      %convert_element_type3A_88 = arith.extui %lt3A_87 : i1 to i32
      %cond3A_89 = arith.constant 0 : i32
      %cond3A_90 = arith.cmpi ne, %convert_element_type3A_88, %cond3A_89 : i32
      scf.if %cond3A_90 {
        %add3A_175 = arith.constant 1 : i32
        %add3A_176 = arith.addi %add3A_84, %add3A_175 : i32
        %mul3A_177 = arith.constant 128 : i32
        %mul3A_178 = arith.muli %mul3A_2, %mul3A_177 : i32
        %mul3A_179 = arith.constant 384 : i32
        %mul3A_180 = arith.muli %add3A_176, %mul3A_179 : i32
        %add3A_181 = arith.addi %mul3A_178, %mul3A_180 : i32
        %dma_start3A_182 = arith.constant 1 : i32
        %dma_start3A_183 = arith.constant 0 : i32
        %dma_start3A_184 = tpu.memref_slice %arg6[%dma_start3A_182, %dma_start3A_183] : memref<2x384xi32, #tpu.memory_space<vmem>> -> memref<1x384xi32, #tpu.memory_space<vmem>>
        %dma_start3A_185 = tpu.memref_squeeze %dma_start3A_184 : memref<1x384xi32, #tpu.memory_space<vmem>> -> memref<384xi32, #tpu.memory_space<vmem>>
        %dma_start3A_186 = tpu.memref_slice %arg3[%add3A_181] : memref<811008xi32, #tpu.memory_space<hbm>> -> memref<384xi32, #tpu.memory_space<hbm>>
        %dma_start3A_187 = arith.constant 0 : i32
        %dma_start3A_188 = tpu.memref_slice %arg6[%dma_start3A_182, %dma_start3A_187] : memref<2x384xi32, #tpu.memory_space<vmem>> -> memref<1x384xi32, #tpu.memory_space<vmem>>
        %dma_start3A_189 = tpu.memref_squeeze %dma_start3A_188 : memref<1x384xi32, #tpu.memory_space<vmem>> -> memref<384xi32, #tpu.memory_space<vmem>>
        %dma_start3A_190 = tpu.memref_slice %arg3[%add3A_181] : memref<811008xi32, #tpu.memory_space<hbm>> -> memref<384xi32, #tpu.memory_space<hbm>>
        tpu.enqueue_dma source(%dma_start3A_190 : memref<384xi32, #tpu.memory_space<hbm>>) target(%dma_start3A_189 : memref<384xi32, #tpu.memory_space<vmem>>) target_semaphore(%arg13 : memref<!tpu.dma_semaphore, #tpu.memory_space<semaphore_mem>>)
        %dma_start3A_191 = arith.constant 1 : i32
        %dma_start3A_192 = arith.constant 0 : i32
        %dma_start3A_193 = tpu.memref_slice %arg7[%dma_start3A_191, %dma_start3A_192] : memref<2x384xi32, #tpu.memory_space<vmem>> -> memref<1x384xi32, #tpu.memory_space<vmem>>
        %dma_start3A_194 = tpu.memref_squeeze %dma_start3A_193 : memref<1x384xi32, #tpu.memory_space<vmem>> -> memref<384xi32, #tpu.memory_space<vmem>>
        %dma_start3A_195 = tpu.memref_slice %arg4[%add3A_181] : memref<811008xi32, #tpu.memory_space<hbm>> -> memref<384xi32, #tpu.memory_space<hbm>>
        %dma_start3A_196 = arith.constant 0 : i32
        %dma_start3A_197 = tpu.memref_slice %arg7[%dma_start3A_191, %dma_start3A_196] : memref<2x384xi32, #tpu.memory_space<vmem>> -> memref<1x384xi32, #tpu.memory_space<vmem>>
        %dma_start3A_198 = tpu.memref_squeeze %dma_start3A_197 : memref<1x384xi32, #tpu.memory_space<vmem>> -> memref<384xi32, #tpu.memory_space<vmem>>
        %dma_start3A_199 = tpu.memref_slice %arg4[%add3A_181] : memref<811008xi32, #tpu.memory_space<hbm>> -> memref<384xi32, #tpu.memory_space<hbm>>
        tpu.enqueue_dma source(%dma_start3A_199 : memref<384xi32, #tpu.memory_space<hbm>>) target(%dma_start3A_198 : memref<384xi32, #tpu.memory_space<vmem>>) target_semaphore(%arg13 : memref<!tpu.dma_semaphore, #tpu.memory_space<semaphore_mem>>)
      } else {
      }
      %dma_wait3A_91 = arith.constant 0 : i32
      %dma_wait3A_92 = arith.constant 0 : i32
      %dma_wait3A_93 = arith.constant 0 : i32
      %dma_wait3A_94 = arith.constant 0 : i32
      %dma_wait3A_95 = tpu.memref_slice %arg8[%dma_wait3A_92, %dma_wait3A_93, %dma_wait3A_94] : memref<2x384x32xf32, #tpu.memory_space<vmem>> -> memref<1x384x32xf32, #tpu.memory_space<vmem>>
      %dma_wait3A_96 = tpu.memref_squeeze %dma_wait3A_95 : memref<1x384x32xf32, #tpu.memory_space<vmem>> -> memref<384x32xf32, #tpu.memory_space<vmem>>
      %dma_wait3A_97 = arith.constant 0 : i32
      %dma_wait3A_98 = arith.constant 0 : i32
      %dma_wait3A_99 = tpu.memref_slice %arg2[%dma_wait3A_91, %dma_wait3A_97, %dma_wait3A_98] : memref<2x50048x32xf32, #tpu.memory_space<hbm>> -> memref<1x384x32xf32, #tpu.memory_space<hbm>>
      %dma_wait3A_100 = tpu.memref_squeeze %dma_wait3A_99 : memref<1x384x32xf32, #tpu.memory_space<hbm>> -> memref<384x32xf32, #tpu.memory_space<hbm>>
      %dma_wait3A_101 = arith.constant 0 : i32
      %dma_wait3A_102 = arith.constant 0 : i32
      %dma_wait3A_103 = tpu.memref_slice %arg8[%dma_wait3A_92, %dma_wait3A_101, %dma_wait3A_102] : memref<2x384x32xf32, #tpu.memory_space<vmem>> -> memref<1x384x32xf32, #tpu.memory_space<vmem>>
      %dma_wait3A_104 = tpu.memref_squeeze %dma_wait3A_103 : memref<1x384x32xf32, #tpu.memory_space<vmem>> -> memref<384x32xf32, #tpu.memory_space<vmem>>
      %dma_wait3A_105 = arith.constant 0 : i32
      %dma_wait3A_106 = arith.constant 0 : i32
      %dma_wait3A_107 = tpu.memref_slice %arg2[%dma_wait3A_91, %dma_wait3A_105, %dma_wait3A_106] : memref<2x50048x32xf32, #tpu.memory_space<hbm>> -> memref<1x384x32xf32, #tpu.memory_space<hbm>>
      %dma_wait3A_108 = tpu.memref_squeeze %dma_wait3A_107 : memref<1x384x32xf32, #tpu.memory_space<hbm>> -> memref<384x32xf32, #tpu.memory_space<hbm>>
      tpu.wait_dma2 semaphore(%arg10 : memref<!tpu.dma_semaphore, #tpu.memory_space<semaphore_mem>>) src(%dma_wait3A_108 : memref<384x32xf32, #tpu.memory_space<hbm>>) dst(%dma_wait3A_104 : memref<384x32xf32, #tpu.memory_space<vmem>>)
      %dma_start3A_109 = arith.constant 0 : i32
      %dma_start3A_110 = arith.constant 0 : i32
      %dma_start3A_111 = arith.constant 0 : i32
      %dma_start3A_112 = arith.constant 0 : i32
      %dma_start3A_113 = tpu.memref_slice %arg8[%dma_start3A_109, %dma_start3A_111, %dma_start3A_112] : memref<2x384x32xf32, #tpu.memory_space<vmem>> -> memref<1x384x32xf32, #tpu.memory_space<vmem>>
      %dma_start3A_114 = tpu.memref_squeeze %dma_start3A_113 : memref<1x384x32xf32, #tpu.memory_space<vmem>> -> memref<384x32xf32, #tpu.memory_space<vmem>>
      %dma_start3A_115 = arith.constant 0 : i32
      %dma_start3A_116 = tpu.memref_slice %arg7[%dma_start3A_110, %dma_start3A_115] : memref<2x384xi32, #tpu.memory_space<vmem>> -> memref<1x384xi32, #tpu.memory_space<vmem>>
      %dma_start3A_117 = tpu.memref_squeeze %dma_start3A_116 : memref<1x384xi32, #tpu.memory_space<vmem>> -> memref<384xi32, #tpu.memory_space<vmem>>
      %dma_start3A_118 = arith.constant 0 : i32
      %dma_start3A_119 = arith.constant 0 : i32
      %dma_start3A_120 = tpu.memref_slice %arg9[%dma_start3A_118, %dma_start3A_119] : memref<50048x32xf32, #tpu.memory_space<vmem_shared>> -> memref<50048x32xf32, #tpu.memory_space<vmem_shared>>
      tpu.enqueue_indirect_dma source(%dma_start3A_114 : memref<384x32xf32, #tpu.memory_space<vmem>>) target(%dma_start3A_120 : memref<50048x32xf32, #tpu.memory_space<vmem_shared>>) offsets(%dma_start3A_117 : memref<384xi32, #tpu.memory_space<vmem>>) semaphore(%arg14 : memref<!tpu.dma_semaphore, #tpu.memory_space<semaphore_mem>>) {add = true}
      %lt3A_121 = arith.constant 131 : i32
      %lt3A_122 = arith.cmpi slt, %add3A_84, %lt3A_121 : i32
      %convert_element_type3A_123 = arith.extui %lt3A_122 : i1 to i32
      %cond3A_124 = arith.constant 0 : i32
      %cond3A_125 = arith.cmpi ne, %convert_element_type3A_123, %cond3A_124 : i32
      scf.if %cond3A_125 {
        %add3A_175 = arith.constant 1 : i32
        %add3A_176 = arith.addi %add3A_84, %add3A_175 : i32
        %mul3A_177 = arith.constant 128 : i32
        %mul3A_178 = arith.muli %mul3A_2, %mul3A_177 : i32
        %mul3A_179 = arith.constant 384 : i32
        %mul3A_180 = arith.muli %add3A_176, %mul3A_179 : i32
        %add3A_181 = arith.addi %mul3A_178, %mul3A_180 : i32
        %dma_wait3A_182 = arith.constant 1 : i32
        %dma_wait3A_183 = arith.constant 0 : i32
        %dma_wait3A_184 = tpu.memref_slice %arg6[%dma_wait3A_182, %dma_wait3A_183] : memref<2x384xi32, #tpu.memory_space<vmem>> -> memref<1x384xi32, #tpu.memory_space<vmem>>
        %dma_wait3A_185 = tpu.memref_squeeze %dma_wait3A_184 : memref<1x384xi32, #tpu.memory_space<vmem>> -> memref<384xi32, #tpu.memory_space<vmem>>
        %dma_wait3A_186 = tpu.memref_slice %arg3[%add3A_181] : memref<811008xi32, #tpu.memory_space<hbm>> -> memref<384xi32, #tpu.memory_space<hbm>>
        %dma_wait3A_187 = arith.constant 0 : i32
        %dma_wait3A_188 = tpu.memref_slice %arg6[%dma_wait3A_182, %dma_wait3A_187] : memref<2x384xi32, #tpu.memory_space<vmem>> -> memref<1x384xi32, #tpu.memory_space<vmem>>
        %dma_wait3A_189 = tpu.memref_squeeze %dma_wait3A_188 : memref<1x384xi32, #tpu.memory_space<vmem>> -> memref<384xi32, #tpu.memory_space<vmem>>
        %dma_wait3A_190 = tpu.memref_slice %arg3[%add3A_181] : memref<811008xi32, #tpu.memory_space<hbm>> -> memref<384xi32, #tpu.memory_space<hbm>>
        tpu.wait_dma2 semaphore(%arg13 : memref<!tpu.dma_semaphore, #tpu.memory_space<semaphore_mem>>) src(%dma_wait3A_190 : memref<384xi32, #tpu.memory_space<hbm>>) dst(%dma_wait3A_189 : memref<384xi32, #tpu.memory_space<vmem>>)
        %dma_wait3A_191 = arith.constant 1 : i32
        %dma_wait3A_192 = arith.constant 0 : i32
        %dma_wait3A_193 = tpu.memref_slice %arg7[%dma_wait3A_191, %dma_wait3A_192] : memref<2x384xi32, #tpu.memory_space<vmem>> -> memref<1x384xi32, #tpu.memory_space<vmem>>
        %dma_wait3A_194 = tpu.memref_squeeze %dma_wait3A_193 : memref<1x384xi32, #tpu.memory_space<vmem>> -> memref<384xi32, #tpu.memory_space<vmem>>
        %dma_wait3A_195 = tpu.memref_slice %arg4[%add3A_181] : memref<811008xi32, #tpu.memory_space<hbm>> -> memref<384xi32, #tpu.memory_space<hbm>>
        %dma_wait3A_196 = arith.constant 0 : i32
        %dma_wait3A_197 = tpu.memref_slice %arg7[%dma_wait3A_191, %dma_wait3A_196] : memref<2x384xi32, #tpu.memory_space<vmem>> -> memref<1x384xi32, #tpu.memory_space<vmem>>
        %dma_wait3A_198 = tpu.memref_squeeze %dma_wait3A_197 : memref<1x384xi32, #tpu.memory_space<vmem>> -> memref<384xi32, #tpu.memory_space<vmem>>
        %dma_wait3A_199 = tpu.memref_slice %arg4[%add3A_181] : memref<811008xi32, #tpu.memory_space<hbm>> -> memref<384xi32, #tpu.memory_space<hbm>>
        tpu.wait_dma2 semaphore(%arg13 : memref<!tpu.dma_semaphore, #tpu.memory_space<semaphore_mem>>) src(%dma_wait3A_199 : memref<384xi32, #tpu.memory_space<hbm>>) dst(%dma_wait3A_198 : memref<384xi32, #tpu.memory_space<vmem>>)
        %dma_start3A_200 = arith.constant 1 : i32
        %dma_start3A_201 = arith.constant 1 : i32
        %dma_start3A_202 = arith.constant 0 : i32
        %dma_start3A_203 = arith.constant 0 : i32
        %dma_start3A_204 = tpu.memref_slice %arg8[%dma_start3A_201, %dma_start3A_202, %dma_start3A_203] : memref<2x384x32xf32, #tpu.memory_space<vmem>> -> memref<1x384x32xf32, #tpu.memory_space<vmem>>
        %dma_start3A_205 = tpu.memref_squeeze %dma_start3A_204 : memref<1x384x32xf32, #tpu.memory_space<vmem>> -> memref<384x32xf32, #tpu.memory_space<vmem>>
        %dma_start3A_206 = arith.constant 0 : i32
        %dma_start3A_207 = tpu.memref_slice %arg6[%dma_start3A_200, %dma_start3A_206] : memref<2x384xi32, #tpu.memory_space<vmem>> -> memref<1x384xi32, #tpu.memory_space<vmem>>
        %dma_start3A_208 = tpu.memref_squeeze %dma_start3A_207 : memref<1x384xi32, #tpu.memory_space<vmem>> -> memref<384xi32, #tpu.memory_space<vmem>>
        %dma_start3A_209 = arith.constant 0 : i32
        %dma_start3A_210 = arith.constant 0 : i32
        %dma_start3A_211 = tpu.memref_slice %arg2[%arg0, %dma_start3A_209, %dma_start3A_210] : memref<2x50048x32xf32, #tpu.memory_space<hbm>> -> memref<1x50048x32xf32, #tpu.memory_space<hbm>>
        %dma_start3A_212 = tpu.memref_squeeze %dma_start3A_211 : memref<1x50048x32xf32, #tpu.memory_space<hbm>> -> memref<50048x32xf32, #tpu.memory_space<hbm>>
        %dma_start3A_213 = arith.constant 0 : i32
        %dma_start3A_214 = arith.constant 0 : i32
        %dma_start3A_215 = tpu.memref_slice %dma_start3A_212[%dma_start3A_213, %dma_start3A_214] : memref<50048x32xf32, #tpu.memory_space<hbm>> -> memref<50048x32xf32, #tpu.memory_space<hbm>>
        tpu.enqueue_indirect_dma source(%dma_start3A_215 : memref<50048x32xf32, #tpu.memory_space<hbm>>) target(%dma_start3A_205 : memref<384x32xf32, #tpu.memory_space<vmem>>) offsets(%dma_start3A_208 : memref<384xi32, #tpu.memory_space<vmem>>) semaphore(%arg11 : memref<!tpu.dma_semaphore, #tpu.memory_space<semaphore_mem>>)
      } else {
      }
      %mul3A_126 = arith.constant 2 : i32
      %mul3A_127 = arith.muli %scan3A_80, %mul3A_126 : i32
      %add3A_128 = arith.constant 1 : i32
      %add3A_129 = arith.addi %mul3A_127, %add3A_128 : i32
      %ge3A_130 = arith.constant 1 : i32
      %ge3A_131 = arith.cmpi sge, %add3A_129, %ge3A_130 : i32
      %convert_element_type3A_132 = arith.extui %ge3A_131 : i1 to i32
      %cond3A_133 = arith.constant 0 : i32
      %cond3A_134 = arith.cmpi ne, %convert_element_type3A_132, %cond3A_133 : i32
      scf.if %cond3A_134 {
        %dma_wait3A_175 = arith.constant 0 : i32
        %dma_wait3A_176 = arith.constant 0 : i32
        %dma_wait3A_177 = arith.constant 0 : i32
        %dma_wait3A_178 = arith.constant 0 : i32
        %dma_wait3A_179 = tpu.memref_slice %arg8[%dma_wait3A_176, %dma_wait3A_177, %dma_wait3A_178] : memref<2x384x32xf32, #tpu.memory_space<vmem>> -> memref<1x384x32xf32, #tpu.memory_space<vmem>>
        %dma_wait3A_180 = tpu.memref_squeeze %dma_wait3A_179 : memref<1x384x32xf32, #tpu.memory_space<vmem>> -> memref<384x32xf32, #tpu.memory_space<vmem>>
        %dma_wait3A_181 = arith.constant 0 : i32
        %dma_wait3A_182 = arith.constant 0 : i32
        %dma_wait3A_183 = tpu.memref_slice %arg2[%dma_wait3A_175, %dma_wait3A_181, %dma_wait3A_182] : memref<2x50048x32xf32, #tpu.memory_space<hbm>> -> memref<1x384x32xf32, #tpu.memory_space<hbm>>
        %dma_wait3A_184 = tpu.memref_squeeze %dma_wait3A_183 : memref<1x384x32xf32, #tpu.memory_space<hbm>> -> memref<384x32xf32, #tpu.memory_space<hbm>>
        %dma_wait3A_185 = arith.constant 0 : i32
        %dma_wait3A_186 = arith.constant 0 : i32
        %dma_wait3A_187 = tpu.memref_slice %arg8[%dma_wait3A_176, %dma_wait3A_185, %dma_wait3A_186] : memref<2x384x32xf32, #tpu.memory_space<vmem>> -> memref<1x384x32xf32, #tpu.memory_space<vmem>>
        %dma_wait3A_188 = tpu.memref_squeeze %dma_wait3A_187 : memref<1x384x32xf32, #tpu.memory_space<vmem>> -> memref<384x32xf32, #tpu.memory_space<vmem>>
        %dma_wait3A_189 = arith.constant 0 : i32
        %dma_wait3A_190 = arith.constant 0 : i32
        %dma_wait3A_191 = tpu.memref_slice %arg2[%dma_wait3A_175, %dma_wait3A_189, %dma_wait3A_190] : memref<2x50048x32xf32, #tpu.memory_space<hbm>> -> memref<1x384x32xf32, #tpu.memory_space<hbm>>
        %dma_wait3A_192 = tpu.memref_squeeze %dma_wait3A_191 : memref<1x384x32xf32, #tpu.memory_space<hbm>> -> memref<384x32xf32, #tpu.memory_space<hbm>>
        tpu.wait_dma2 semaphore(%arg14 : memref<!tpu.dma_semaphore, #tpu.memory_space<semaphore_mem>>) src(%dma_wait3A_192 : memref<384x32xf32, #tpu.memory_space<hbm>>) dst(%dma_wait3A_188 : memref<384x32xf32, #tpu.memory_space<vmem>>)
      } else {
      }
      %lt3A_135 = arith.constant 131 : i32
      %lt3A_136 = arith.cmpi slt, %add3A_129, %lt3A_135 : i32
      %convert_element_type3A_137 = arith.extui %lt3A_136 : i1 to i32
      %cond3A_138 = arith.constant 0 : i32
      %cond3A_139 = arith.cmpi ne, %convert_element_type3A_137, %cond3A_138 : i32
      scf.if %cond3A_139 {
        %add3A_175 = arith.constant 1 : i32
        %add3A_176 = arith.addi %add3A_129, %add3A_175 : i32
        %mul3A_177 = arith.constant 128 : i32
        %mul3A_178 = arith.muli %mul3A_2, %mul3A_177 : i32
        %mul3A_179 = arith.constant 384 : i32
        %mul3A_180 = arith.muli %add3A_176, %mul3A_179 : i32
        %add3A_181 = arith.addi %mul3A_178, %mul3A_180 : i32
        %dma_start3A_182 = arith.constant 0 : i32
        %dma_start3A_183 = arith.constant 0 : i32
        %dma_start3A_184 = tpu.memref_slice %arg6[%dma_start3A_182, %dma_start3A_183] : memref<2x384xi32, #tpu.memory_space<vmem>> -> memref<1x384xi32, #tpu.memory_space<vmem>>
        %dma_start3A_185 = tpu.memref_squeeze %dma_start3A_184 : memref<1x384xi32, #tpu.memory_space<vmem>> -> memref<384xi32, #tpu.memory_space<vmem>>
        %dma_start3A_186 = tpu.memref_slice %arg3[%add3A_181] : memref<811008xi32, #tpu.memory_space<hbm>> -> memref<384xi32, #tpu.memory_space<hbm>>
        %dma_start3A_187 = arith.constant 0 : i32
        %dma_start3A_188 = tpu.memref_slice %arg6[%dma_start3A_182, %dma_start3A_187] : memref<2x384xi32, #tpu.memory_space<vmem>> -> memref<1x384xi32, #tpu.memory_space<vmem>>
        %dma_start3A_189 = tpu.memref_squeeze %dma_start3A_188 : memref<1x384xi32, #tpu.memory_space<vmem>> -> memref<384xi32, #tpu.memory_space<vmem>>
        %dma_start3A_190 = tpu.memref_slice %arg3[%add3A_181] : memref<811008xi32, #tpu.memory_space<hbm>> -> memref<384xi32, #tpu.memory_space<hbm>>
        tpu.enqueue_dma source(%dma_start3A_190 : memref<384xi32, #tpu.memory_space<hbm>>) target(%dma_start3A_189 : memref<384xi32, #tpu.memory_space<vmem>>) target_semaphore(%arg12 : memref<!tpu.dma_semaphore, #tpu.memory_space<semaphore_mem>>)
        %dma_start3A_191 = arith.constant 0 : i32
        %dma_start3A_192 = arith.constant 0 : i32
        %dma_start3A_193 = tpu.memref_slice %arg7[%dma_start3A_191, %dma_start3A_192] : memref<2x384xi32, #tpu.memory_space<vmem>> -> memref<1x384xi32, #tpu.memory_space<vmem>>
        %dma_start3A_194 = tpu.memref_squeeze %dma_start3A_193 : memref<1x384xi32, #tpu.memory_space<vmem>> -> memref<384xi32, #tpu.memory_space<vmem>>
        %dma_start3A_195 = tpu.memref_slice %arg4[%add3A_181] : memref<811008xi32, #tpu.memory_space<hbm>> -> memref<384xi32, #tpu.memory_space<hbm>>
        %dma_start3A_196 = arith.constant 0 : i32
        %dma_start3A_197 = tpu.memref_slice %arg7[%dma_start3A_191, %dma_start3A_196] : memref<2x384xi32, #tpu.memory_space<vmem>> -> memref<1x384xi32, #tpu.memory_space<vmem>>
        %dma_start3A_198 = tpu.memref_squeeze %dma_start3A_197 : memref<1x384xi32, #tpu.memory_space<vmem>> -> memref<384xi32, #tpu.memory_space<vmem>>
        %dma_start3A_199 = tpu.memref_slice %arg4[%add3A_181] : memref<811008xi32, #tpu.memory_space<hbm>> -> memref<384xi32, #tpu.memory_space<hbm>>
        tpu.enqueue_dma source(%dma_start3A_199 : memref<384xi32, #tpu.memory_space<hbm>>) target(%dma_start3A_198 : memref<384xi32, #tpu.memory_space<vmem>>) target_semaphore(%arg12 : memref<!tpu.dma_semaphore, #tpu.memory_space<semaphore_mem>>)
      } else {
      }
      %dma_wait3A_140 = arith.constant 0 : i32
      %dma_wait3A_141 = arith.constant 1 : i32
      %dma_wait3A_142 = arith.constant 0 : i32
      %dma_wait3A_143 = arith.constant 0 : i32
      %dma_wait3A_144 = tpu.memref_slice %arg8[%dma_wait3A_141, %dma_wait3A_142, %dma_wait3A_143] : memref<2x384x32xf32, #tpu.memory_space<vmem>> -> memref<1x384x32xf32, #tpu.memory_space<vmem>>
      %dma_wait3A_145 = tpu.memref_squeeze %dma_wait3A_144 : memref<1x384x32xf32, #tpu.memory_space<vmem>> -> memref<384x32xf32, #tpu.memory_space<vmem>>
      %dma_wait3A_146 = arith.constant 0 : i32
      %dma_wait3A_147 = arith.constant 0 : i32
      %dma_wait3A_148 = tpu.memref_slice %arg2[%dma_wait3A_140, %dma_wait3A_146, %dma_wait3A_147] : memref<2x50048x32xf32, #tpu.memory_space<hbm>> -> memref<1x384x32xf32, #tpu.memory_space<hbm>>
      %dma_wait3A_149 = tpu.memref_squeeze %dma_wait3A_148 : memref<1x384x32xf32, #tpu.memory_space<hbm>> -> memref<384x32xf32, #tpu.memory_space<hbm>>
      %dma_wait3A_150 = arith.constant 0 : i32
      %dma_wait3A_151 = arith.constant 0 : i32
      %dma_wait3A_152 = tpu.memref_slice %arg8[%dma_wait3A_141, %dma_wait3A_150, %dma_wait3A_151] : memref<2x384x32xf32, #tpu.memory_space<vmem>> -> memref<1x384x32xf32, #tpu.memory_space<vmem>>
      %dma_wait3A_153 = tpu.memref_squeeze %dma_wait3A_152 : memref<1x384x32xf32, #tpu.memory_space<vmem>> -> memref<384x32xf32, #tpu.memory_space<vmem>>
      %dma_wait3A_154 = arith.constant 0 : i32
      %dma_wait3A_155 = arith.constant 0 : i32
      %dma_wait3A_156 = tpu.memref_slice %arg2[%dma_wait3A_140, %dma_wait3A_154, %dma_wait3A_155] : memref<2x50048x32xf32, #tpu.memory_space<hbm>> -> memref<1x384x32xf32, #tpu.memory_space<hbm>>
      %dma_wait3A_157 = tpu.memref_squeeze %dma_wait3A_156 : memref<1x384x32xf32, #tpu.memory_space<hbm>> -> memref<384x32xf32, #tpu.memory_space<hbm>>
      tpu.wait_dma2 semaphore(%arg11 : memref<!tpu.dma_semaphore, #tpu.memory_space<semaphore_mem>>) src(%dma_wait3A_157 : memref<384x32xf32, #tpu.memory_space<hbm>>) dst(%dma_wait3A_153 : memref<384x32xf32, #tpu.memory_space<vmem>>)
      %dma_start3A_158 = arith.constant 1 : i32
      %dma_start3A_159 = arith.constant 1 : i32
      %dma_start3A_160 = arith.constant 0 : i32
      %dma_start3A_161 = arith.constant 0 : i32
      %dma_start3A_162 = tpu.memref_slice %arg8[%dma_start3A_158, %dma_start3A_160, %dma_start3A_161] : memref<2x384x32xf32, #tpu.memory_space<vmem>> -> memref<1x384x32xf32, #tpu.memory_space<vmem>>
      %dma_start3A_163 = tpu.memref_squeeze %dma_start3A_162 : memref<1x384x32xf32, #tpu.memory_space<vmem>> -> memref<384x32xf32, #tpu.memory_space<vmem>>
      %dma_start3A_164 = arith.constant 0 : i32
      %dma_start3A_165 = tpu.memref_slice %arg7[%dma_start3A_159, %dma_start3A_164] : memref<2x384xi32, #tpu.memory_space<vmem>> -> memref<1x384xi32, #tpu.memory_space<vmem>>
      %dma_start3A_166 = tpu.memref_squeeze %dma_start3A_165 : memref<1x384xi32, #tpu.memory_space<vmem>> -> memref<384xi32, #tpu.memory_space<vmem>>
      %dma_start3A_167 = arith.constant 0 : i32
      %dma_start3A_168 = arith.constant 0 : i32
      %dma_start3A_169 = tpu.memref_slice %arg9[%dma_start3A_167, %dma_start3A_168] : memref<50048x32xf32, #tpu.memory_space<vmem_shared>> -> memref<50048x32xf32, #tpu.memory_space<vmem_shared>>
      tpu.enqueue_indirect_dma source(%dma_start3A_163 : memref<384x32xf32, #tpu.memory_space<vmem>>) target(%dma_start3A_169 : memref<50048x32xf32, #tpu.memory_space<vmem_shared>>) offsets(%dma_start3A_166 : memref<384xi32, #tpu.memory_space<vmem>>) semaphore(%arg15 : memref<!tpu.dma_semaphore, #tpu.memory_space<semaphore_mem>>) {add = true}
      %lt3A_170 = arith.constant 131 : i32
      %lt3A_171 = arith.cmpi slt, %add3A_129, %lt3A_170 : i32
      %convert_element_type3A_172 = arith.extui %lt3A_171 : i1 to i32
      %cond3A_173 = arith.constant 0 : i32
      %cond3A_174 = arith.cmpi ne, %convert_element_type3A_172, %cond3A_173 : i32
      scf.if %cond3A_174 {
        %add3A_175 = arith.constant 1 : i32
        %add3A_176 = arith.addi %add3A_129, %add3A_175 : i32
        %mul3A_177 = arith.constant 128 : i32
        %mul3A_178 = arith.muli %mul3A_2, %mul3A_177 : i32
        %mul3A_179 = arith.constant 384 : i32
        %mul3A_180 = arith.muli %add3A_176, %mul3A_179 : i32
        %add3A_181 = arith.addi %mul3A_178, %mul3A_180 : i32
        %dma_wait3A_182 = arith.constant 0 : i32
        %dma_wait3A_183 = arith.constant 0 : i32
        %dma_wait3A_184 = tpu.memref_slice %arg6[%dma_wait3A_182, %dma_wait3A_183] : memref<2x384xi32, #tpu.memory_space<vmem>> -> memref<1x384xi32, #tpu.memory_space<vmem>>
        %dma_wait3A_185 = tpu.memref_squeeze %dma_wait3A_184 : memref<1x384xi32, #tpu.memory_space<vmem>> -> memref<384xi32, #tpu.memory_space<vmem>>
        %dma_wait3A_186 = tpu.memref_slice %arg3[%add3A_181] : memref<811008xi32, #tpu.memory_space<hbm>> -> memref<384xi32, #tpu.memory_space<hbm>>
        %dma_wait3A_187 = arith.constant 0 : i32
        %dma_wait3A_188 = tpu.memref_slice %arg6[%dma_wait3A_182, %dma_wait3A_187] : memref<2x384xi32, #tpu.memory_space<vmem>> -> memref<1x384xi32, #tpu.memory_space<vmem>>
        %dma_wait3A_189 = tpu.memref_squeeze %dma_wait3A_188 : memref<1x384xi32, #tpu.memory_space<vmem>> -> memref<384xi32, #tpu.memory_space<vmem>>
        %dma_wait3A_190 = tpu.memref_slice %arg3[%add3A_181] : memref<811008xi32, #tpu.memory_space<hbm>> -> memref<384xi32, #tpu.memory_space<hbm>>
        tpu.wait_dma2 semaphore(%arg12 : memref<!tpu.dma_semaphore, #tpu.memory_space<semaphore_mem>>) src(%dma_wait3A_190 : memref<384xi32, #tpu.memory_space<hbm>>) dst(%dma_wait3A_189 : memref<384xi32, #tpu.memory_space<vmem>>)
        %dma_wait3A_191 = arith.constant 0 : i32
        %dma_wait3A_192 = arith.constant 0 : i32
        %dma_wait3A_193 = tpu.memref_slice %arg7[%dma_wait3A_191, %dma_wait3A_192] : memref<2x384xi32, #tpu.memory_space<vmem>> -> memref<1x384xi32, #tpu.memory_space<vmem>>
        %dma_wait3A_194 = tpu.memref_squeeze %dma_wait3A_193 : memref<1x384xi32, #tpu.memory_space<vmem>> -> memref<384xi32, #tpu.memory_space<vmem>>
        %dma_wait3A_195 = tpu.memref_slice %arg4[%add3A_181] : memref<811008xi32, #tpu.memory_space<hbm>> -> memref<384xi32, #tpu.memory_space<hbm>>
        %dma_wait3A_196 = arith.constant 0 : i32
        %dma_wait3A_197 = tpu.memref_slice %arg7[%dma_wait3A_191, %dma_wait3A_196] : memref<2x384xi32, #tpu.memory_space<vmem>> -> memref<1x384xi32, #tpu.memory_space<vmem>>
        %dma_wait3A_198 = tpu.memref_squeeze %dma_wait3A_197 : memref<1x384xi32, #tpu.memory_space<vmem>> -> memref<384xi32, #tpu.memory_space<vmem>>
        %dma_wait3A_199 = tpu.memref_slice %arg4[%add3A_181] : memref<811008xi32, #tpu.memory_space<hbm>> -> memref<384xi32, #tpu.memory_space<hbm>>
        tpu.wait_dma2 semaphore(%arg12 : memref<!tpu.dma_semaphore, #tpu.memory_space<semaphore_mem>>) src(%dma_wait3A_199 : memref<384xi32, #tpu.memory_space<hbm>>) dst(%dma_wait3A_198 : memref<384xi32, #tpu.memory_space<vmem>>)
        %dma_start3A_200 = arith.constant 0 : i32
        %dma_start3A_201 = arith.constant 0 : i32
        %dma_start3A_202 = arith.constant 0 : i32
        %dma_start3A_203 = arith.constant 0 : i32
        %dma_start3A_204 = tpu.memref_slice %arg8[%dma_start3A_201, %dma_start3A_202, %dma_start3A_203] : memref<2x384x32xf32, #tpu.memory_space<vmem>> -> memref<1x384x32xf32, #tpu.memory_space<vmem>>
        %dma_start3A_205 = tpu.memref_squeeze %dma_start3A_204 : memref<1x384x32xf32, #tpu.memory_space<vmem>> -> memref<384x32xf32, #tpu.memory_space<vmem>>
        %dma_start3A_206 = arith.constant 0 : i32
        %dma_start3A_207 = tpu.memref_slice %arg6[%dma_start3A_200, %dma_start3A_206] : memref<2x384xi32, #tpu.memory_space<vmem>> -> memref<1x384xi32, #tpu.memory_space<vmem>>
        %dma_start3A_208 = tpu.memref_squeeze %dma_start3A_207 : memref<1x384xi32, #tpu.memory_space<vmem>> -> memref<384xi32, #tpu.memory_space<vmem>>
        %dma_start3A_209 = arith.constant 0 : i32
        %dma_start3A_210 = arith.constant 0 : i32
        %dma_start3A_211 = tpu.memref_slice %arg2[%arg0, %dma_start3A_209, %dma_start3A_210] : memref<2x50048x32xf32, #tpu.memory_space<hbm>> -> memref<1x50048x32xf32, #tpu.memory_space<hbm>>
        %dma_start3A_212 = tpu.memref_squeeze %dma_start3A_211 : memref<1x50048x32xf32, #tpu.memory_space<hbm>> -> memref<50048x32xf32, #tpu.memory_space<hbm>>
        %dma_start3A_213 = arith.constant 0 : i32
        %dma_start3A_214 = arith.constant 0 : i32
        %dma_start3A_215 = tpu.memref_slice %dma_start3A_212[%dma_start3A_213, %dma_start3A_214] : memref<50048x32xf32, #tpu.memory_space<hbm>> -> memref<50048x32xf32, #tpu.memory_space<hbm>>
        tpu.enqueue_indirect_dma source(%dma_start3A_215 : memref<50048x32xf32, #tpu.memory_space<hbm>>) target(%dma_start3A_205 : memref<384x32xf32, #tpu.memory_space<vmem>>) offsets(%dma_start3A_208 : memref<384xi32, #tpu.memory_space<vmem>>) semaphore(%arg10 : memref<!tpu.dma_semaphore, #tpu.memory_space<semaphore_mem>>)
      } else {
      }
    }
    %scan3A_60 = arith.constant 66 : i32
    %dma_wait3A_61 = arith.constant 0 : i32
    %dma_wait3A_62 = arith.constant 1 : i32
    %dma_wait3A_63 = arith.constant 0 : i32
    %dma_wait3A_64 = arith.constant 0 : i32
    %dma_wait3A_65 = tpu.memref_slice %arg8[%dma_wait3A_62, %dma_wait3A_63, %dma_wait3A_64] : memref<2x384x32xf32, #tpu.memory_space<vmem>> -> memref<1x384x32xf32, #tpu.memory_space<vmem>>
    %dma_wait3A_66 = tpu.memref_squeeze %dma_wait3A_65 : memref<1x384x32xf32, #tpu.memory_space<vmem>> -> memref<384x32xf32, #tpu.memory_space<vmem>>
    %dma_wait3A_67 = arith.constant 0 : i32
    %dma_wait3A_68 = arith.constant 0 : i32
    %dma_wait3A_69 = tpu.memref_slice %arg2[%dma_wait3A_61, %dma_wait3A_67, %dma_wait3A_68] : memref<2x50048x32xf32, #tpu.memory_space<hbm>> -> memref<1x384x32xf32, #tpu.memory_space<hbm>>
    %dma_wait3A_70 = tpu.memref_squeeze %dma_wait3A_69 : memref<1x384x32xf32, #tpu.memory_space<hbm>> -> memref<384x32xf32, #tpu.memory_space<hbm>>
    %dma_wait3A_71 = arith.constant 0 : i32
    %dma_wait3A_72 = arith.constant 0 : i32
    %dma_wait3A_73 = tpu.memref_slice %arg8[%dma_wait3A_62, %dma_wait3A_71, %dma_wait3A_72] : memref<2x384x32xf32, #tpu.memory_space<vmem>> -> memref<1x384x32xf32, #tpu.memory_space<vmem>>
    %dma_wait3A_74 = tpu.memref_squeeze %dma_wait3A_73 : memref<1x384x32xf32, #tpu.memory_space<vmem>> -> memref<384x32xf32, #tpu.memory_space<vmem>>
    %dma_wait3A_75 = arith.constant 0 : i32
    %dma_wait3A_76 = arith.constant 0 : i32
    %dma_wait3A_77 = tpu.memref_slice %arg2[%dma_wait3A_61, %dma_wait3A_75, %dma_wait3A_76] : memref<2x50048x32xf32, #tpu.memory_space<hbm>> -> memref<1x384x32xf32, #tpu.memory_space<hbm>>
    %dma_wait3A_78 = tpu.memref_squeeze %dma_wait3A_77 : memref<1x384x32xf32, #tpu.memory_space<hbm>> -> memref<384x32xf32, #tpu.memory_space<hbm>>
    tpu.wait_dma2 semaphore(%arg15 : memref<!tpu.dma_semaphore, #tpu.memory_space<semaphore_mem>>) src(%dma_wait3A_78 : memref<384x32xf32, #tpu.memory_space<hbm>>) dst(%dma_wait3A_74 : memref<384x32xf32, #tpu.memory_space<vmem>>)
    %barrier3A_79 = arith.constant 0 : index
    tpu.barrier barrier_id(%barrier3A_79)
    "tpu.region"() ({
      %run_scoped3A = tpu.sem_alloc : memref<!tpu.dma_semaphore, #tpu.memory_space<semaphore_mem>>
      %dma_start3A_80 = arith.constant 0 : i32
      %dma_start3A_81 = tpu.memref_slice %arg5[%arg0, %mul3A_0, %dma_start3A_80] : memref<2x50048x32xf32, #tpu.memory_space<hbm>> -> memref<1x3128x32xf32, #tpu.memory_space<hbm>>
      %dma_start3A_82 = tpu.memref_squeeze %dma_start3A_81 : memref<1x3128x32xf32, #tpu.memory_space<hbm>> -> memref<3128x32xf32, #tpu.memory_space<hbm>>
      %dma_start3A_83 = arith.constant 0 : i32
      %dma_start3A_84 = tpu.memref_slice %arg9[%mul3A_0, %dma_start3A_83] : memref<50048x32xf32, #tpu.memory_space<vmem_shared>> -> memref<3128x32xf32, #tpu.memory_space<vmem_shared>>
      tpu.enqueue_dma source(%dma_start3A_84 : memref<3128x32xf32, #tpu.memory_space<vmem_shared>>) target(%dma_start3A_82 : memref<3128x32xf32, #tpu.memory_space<hbm>>) target_semaphore(%run_scoped3A : memref<!tpu.dma_semaphore, #tpu.memory_space<semaphore_mem>>)
      %dma_wait3A_85 = arith.constant 0 : i32
      %dma_wait3A_86 = tpu.memref_slice %arg5[%arg0, %mul3A_0, %dma_wait3A_85] : memref<2x50048x32xf32, #tpu.memory_space<hbm>> -> memref<1x3128x32xf32, #tpu.memory_space<hbm>>
      %dma_wait3A_87 = tpu.memref_squeeze %dma_wait3A_86 : memref<1x3128x32xf32, #tpu.memory_space<hbm>> -> memref<3128x32xf32, #tpu.memory_space<hbm>>
      %dma_wait3A_88 = arith.constant 0 : i32
      %dma_wait3A_89 = tpu.memref_slice %arg9[%mul3A_0, %dma_wait3A_88] : memref<50048x32xf32, #tpu.memory_space<vmem_shared>> -> memref<3128x32xf32, #tpu.memory_space<vmem_shared>>
      tpu.wait_dma2 semaphore(%run_scoped3A : memref<!tpu.dma_semaphore, #tpu.memory_space<semaphore_mem>>) src(%dma_wait3A_89 : memref<3128x32xf32, #tpu.memory_space<vmem_shared>>) dst(%dma_wait3A_87 : memref<3128x32xf32, #tpu.memory_space<hbm>>)
      tpu.yield
    }) : () -> ()
    return
  }
}

#map = affine_map<(d0, d1) -> (0, 0, 0)>
#map1 = affine_map<(d0, d1) -> (0)>
module attributes {stable_mosaic.version = 14 : i64} {
  func.func @agg(%arg0: i32, %arg1: i32, %arg2: memref<2x50048x32xf32, #tpu.memory_space<hbm>>, %arg3: memref<811008xi32, #tpu.memory_space<hbm>>, %arg4: memref<811008xi32, #tpu.memory_space<hbm>>, %arg5: memref<2x50048x32xf32, #tpu.memory_space<hbm>>, %arg6: memref<2x384xi32, #tpu.memory_space<vmem>>, %arg7: memref<2x384xi32, #tpu.memory_space<vmem>>, %arg8: memref<2x384x32xf32, #tpu.memory_space<vmem>>, %arg9: memref<50048x32xf32, #tpu.memory_space<vmem_shared>>, %arg10: memref<!tpu.dma_semaphore, #tpu.memory_space<semaphore_mem>>, %arg11: memref<!tpu.dma_semaphore, #tpu.memory_space<semaphore_mem>>, %arg12: memref<!tpu.dma_semaphore, #tpu.memory_space<semaphore_mem>>, %arg13: memref<!tpu.dma_semaphore, #tpu.memory_space<semaphore_mem>>, %arg14: memref<!tpu.dma_semaphore, #tpu.memory_space<semaphore_mem>>, %arg15: memref<!tpu.dma_semaphore, #tpu.memory_space<semaphore_mem>>) attributes {dimension_semantics = [#tpu.dimension_semantics<core_parallel>, #tpu.dimension_semantics<subcore_parallel>], iteration_bounds = array<i64: 2, 16>, scalar_prefetch = 0 : i64, scratch_operands = 10 : i64, tpu.core_type = #tpu.core_type<sc_vector_subcore>, window_params = [{transform_indices = #map}, {transform_indices = #map1}, {transform_indices = #map1}, {transform_indices = #map}]} {
    %mul3A = arith.constant 3128 : i32
    %mul3A_0 = arith.muli %arg1, %mul3A : i32
    "tpu.region"() ({
      %run_scoped3A = tpu.sem_alloc : memref<!tpu.dma_semaphore, #tpu.memory_space<semaphore_mem>>
      %dma_start3A_80 = arith.constant 0 : i32
      %dma_start3A_81 = tpu.memref_slice %arg9[%mul3A_0, %dma_start3A_80] : memref<50048x32xf32, #tpu.memory_space<vmem_shared>> -> memref<3128x32xf32, #tpu.memory_space<vmem_shared>>
      %dma_start3A_82 = arith.constant 0 : i32
      %dma_start3A_83 = tpu.memref_slice %arg2[%arg0, %mul3A_0, %dma_start3A_82] : memref<2x50048x32xf32, #tpu.memory_space<hbm>> -> memref<1x3128x32xf32, #tpu.memory_space<hbm>>
      %dma_start3A_84 = tpu.memref_squeeze %dma_start3A_83 : memref<1x3128x32xf32, #tpu.memory_space<hbm>> -> memref<3128x32xf32, #tpu.memory_space<hbm>>
      tpu.enqueue_dma source(%dma_start3A_84 : memref<3128x32xf32, #tpu.memory_space<hbm>>) target(%dma_start3A_81 : memref<3128x32xf32, #tpu.memory_space<vmem_shared>>) target_semaphore(%run_scoped3A : memref<!tpu.dma_semaphore, #tpu.memory_space<semaphore_mem>>)
      %dma_wait3A_85 = arith.constant 0 : i32
      %dma_wait3A_86 = tpu.memref_slice %arg9[%mul3A_0, %dma_wait3A_85] : memref<50048x32xf32, #tpu.memory_space<vmem_shared>> -> memref<3128x32xf32, #tpu.memory_space<vmem_shared>>
      %dma_wait3A_87 = arith.constant 0 : i32
      %dma_wait3A_88 = tpu.memref_slice %arg2[%arg0, %mul3A_0, %dma_wait3A_87] : memref<2x50048x32xf32, #tpu.memory_space<hbm>> -> memref<1x3128x32xf32, #tpu.memory_space<hbm>>
      %dma_wait3A_89 = tpu.memref_squeeze %dma_wait3A_88 : memref<1x3128x32xf32, #tpu.memory_space<hbm>> -> memref<3128x32xf32, #tpu.memory_space<hbm>>
      tpu.wait_dma2 semaphore(%run_scoped3A : memref<!tpu.dma_semaphore, #tpu.memory_space<semaphore_mem>>) src(%dma_wait3A_89 : memref<3128x32xf32, #tpu.memory_space<hbm>>) dst(%dma_wait3A_86 : memref<3128x32xf32, #tpu.memory_space<vmem_shared>>)
      tpu.yield
    }) : () -> ()
    %barrier3A = arith.constant 0 : index
    tpu.barrier barrier_id(%barrier3A)
    %mul3A_1 = arith.constant 396 : i32
    %mul3A_2 = arith.muli %arg1, %mul3A_1 : i32
    %mul3A_3 = arith.constant 128 : i32
    %mul3A_4 = arith.muli %mul3A_2, %mul3A_3 : i32
    %add3A = arith.constant 0 : i32
    %add3A_5 = arith.addi %mul3A_4, %add3A : i32
    %dma_start3A = arith.constant 0 : i32
    %dma_start3A_6 = arith.constant 0 : i32
    %dma_start3A_7 = tpu.memref_slice %arg6[%dma_start3A, %dma_start3A_6] : memref<2x384xi32, #tpu.memory_space<vmem>> -> memref<1x384xi32, #tpu.memory_space<vmem>>
    %dma_start3A_8 = tpu.memref_squeeze %dma_start3A_7 : memref<1x384xi32, #tpu.memory_space<vmem>> -> memref<384xi32, #tpu.memory_space<vmem>>
    %dma_start3A_9 = tpu.memref_slice %arg3[%add3A_5] : memref<811008xi32, #tpu.memory_space<hbm>> -> memref<384xi32, #tpu.memory_space<hbm>>
    %dma_start3A_10 = arith.constant 0 : i32
    %dma_start3A_11 = tpu.memref_slice %arg6[%dma_start3A, %dma_start3A_10] : memref<2x384xi32, #tpu.memory_space<vmem>> -> memref<1x384xi32, #tpu.memory_space<vmem>>
    %dma_start3A_12 = tpu.memref_squeeze %dma_start3A_11 : memref<1x384xi32, #tpu.memory_space<vmem>> -> memref<384xi32, #tpu.memory_space<vmem>>
    %dma_start3A_13 = tpu.memref_slice %arg3[%add3A_5] : memref<811008xi32, #tpu.memory_space<hbm>> -> memref<384xi32, #tpu.memory_space<hbm>>
    tpu.enqueue_dma source(%dma_start3A_13 : memref<384xi32, #tpu.memory_space<hbm>>) target(%dma_start3A_12 : memref<384xi32, #tpu.memory_space<vmem>>) target_semaphore(%arg12 : memref<!tpu.dma_semaphore, #tpu.memory_space<semaphore_mem>>)
    %dma_start3A_14 = arith.constant 0 : i32
    %dma_start3A_15 = arith.constant 0 : i32
    %dma_start3A_16 = tpu.memref_slice %arg7[%dma_start3A_14, %dma_start3A_15] : memref<2x384xi32, #tpu.memory_space<vmem>> -> memref<1x384xi32, #tpu.memory_space<vmem>>
    %dma_start3A_17 = tpu.memref_squeeze %dma_start3A_16 : memref<1x384xi32, #tpu.memory_space<vmem>> -> memref<384xi32, #tpu.memory_space<vmem>>
    %dma_start3A_18 = tpu.memref_slice %arg4[%add3A_5] : memref<811008xi32, #tpu.memory_space<hbm>> -> memref<384xi32, #tpu.memory_space<hbm>>
    %dma_start3A_19 = arith.constant 0 : i32
    %dma_start3A_20 = tpu.memref_slice %arg7[%dma_start3A_14, %dma_start3A_19] : memref<2x384xi32, #tpu.memory_space<vmem>> -> memref<1x384xi32, #tpu.memory_space<vmem>>
    %dma_start3A_21 = tpu.memref_squeeze %dma_start3A_20 : memref<1x384xi32, #tpu.memory_space<vmem>> -> memref<384xi32, #tpu.memory_space<vmem>>
    %dma_start3A_22 = tpu.memref_slice %arg4[%add3A_5] : memref<811008xi32, #tpu.memory_space<hbm>> -> memref<384xi32, #tpu.memory_space<hbm>>
    tpu.enqueue_dma source(%dma_start3A_22 : memref<384xi32, #tpu.memory_space<hbm>>) target(%dma_start3A_21 : memref<384xi32, #tpu.memory_space<vmem>>) target_semaphore(%arg12 : memref<!tpu.dma_semaphore, #tpu.memory_space<semaphore_mem>>)
    %dma_wait3A = arith.constant 0 : i32
    %dma_wait3A_23 = arith.constant 0 : i32
    %dma_wait3A_24 = tpu.memref_slice %arg6[%dma_wait3A, %dma_wait3A_23] : memref<2x384xi32, #tpu.memory_space<vmem>> -> memref<1x384xi32, #tpu.memory_space<vmem>>
    %dma_wait3A_25 = tpu.memref_squeeze %dma_wait3A_24 : memref<1x384xi32, #tpu.memory_space<vmem>> -> memref<384xi32, #tpu.memory_space<vmem>>
    %dma_wait3A_26 = tpu.memref_slice %arg3[%add3A_5] : memref<811008xi32, #tpu.memory_space<hbm>> -> memref<384xi32, #tpu.memory_space<hbm>>
    %dma_wait3A_27 = arith.constant 0 : i32
    %dma_wait3A_28 = tpu.memref_slice %arg6[%dma_wait3A, %dma_wait3A_27] : memref<2x384xi32, #tpu.memory_space<vmem>> -> memref<1x384xi32, #tpu.memory_space<vmem>>
    %dma_wait3A_29 = tpu.memref_squeeze %dma_wait3A_28 : memref<1x384xi32, #tpu.memory_space<vmem>> -> memref<384xi32, #tpu.memory_space<vmem>>
    %dma_wait3A_30 = tpu.memref_slice %arg3[%add3A_5] : memref<811008xi32, #tpu.memory_space<hbm>> -> memref<384xi32, #tpu.memory_space<hbm>>
    tpu.wait_dma2 semaphore(%arg12 : memref<!tpu.dma_semaphore, #tpu.memory_space<semaphore_mem>>) src(%dma_wait3A_30 : memref<384xi32, #tpu.memory_space<hbm>>) dst(%dma_wait3A_29 : memref<384xi32, #tpu.memory_space<vmem>>)
    %dma_wait3A_31 = arith.constant 0 : i32
    %dma_wait3A_32 = arith.constant 0 : i32
    %dma_wait3A_33 = tpu.memref_slice %arg7[%dma_wait3A_31, %dma_wait3A_32] : memref<2x384xi32, #tpu.memory_space<vmem>> -> memref<1x384xi32, #tpu.memory_space<vmem>>
    %dma_wait3A_34 = tpu.memref_squeeze %dma_wait3A_33 : memref<1x384xi32, #tpu.memory_space<vmem>> -> memref<384xi32, #tpu.memory_space<vmem>>
    %dma_wait3A_35 = tpu.memref_slice %arg4[%add3A_5] : memref<811008xi32, #tpu.memory_space<hbm>> -> memref<384xi32, #tpu.memory_space<hbm>>
    %dma_wait3A_36 = arith.constant 0 : i32
    %dma_wait3A_37 = tpu.memref_slice %arg7[%dma_wait3A_31, %dma_wait3A_36] : memref<2x384xi32, #tpu.memory_space<vmem>> -> memref<1x384xi32, #tpu.memory_space<vmem>>
    %dma_wait3A_38 = tpu.memref_squeeze %dma_wait3A_37 : memref<1x384xi32, #tpu.memory_space<vmem>> -> memref<384xi32, #tpu.memory_space<vmem>>
    %dma_wait3A_39 = tpu.memref_slice %arg4[%add3A_5] : memref<811008xi32, #tpu.memory_space<hbm>> -> memref<384xi32, #tpu.memory_space<hbm>>
    tpu.wait_dma2 semaphore(%arg12 : memref<!tpu.dma_semaphore, #tpu.memory_space<semaphore_mem>>) src(%dma_wait3A_39 : memref<384xi32, #tpu.memory_space<hbm>>) dst(%dma_wait3A_38 : memref<384xi32, #tpu.memory_space<vmem>>)
    %dma_start3A_40 = arith.constant 0 : i32
    %dma_start3A_41 = arith.constant 0 : i32
    %dma_start3A_42 = arith.constant 0 : i32
    %dma_start3A_43 = arith.constant 0 : i32
    %dma_start3A_44 = tpu.memref_slice %arg8[%dma_start3A_41, %dma_start3A_42, %dma_start3A_43] : memref<2x384x32xf32, #tpu.memory_space<vmem>> -> memref<1x384x32xf32, #tpu.memory_space<vmem>>
    %dma_start3A_45 = tpu.memref_squeeze %dma_start3A_44 : memref<1x384x32xf32, #tpu.memory_space<vmem>> -> memref<384x32xf32, #tpu.memory_space<vmem>>
    %dma_start3A_46 = arith.constant 0 : i32
    %dma_start3A_47 = tpu.memref_slice %arg6[%dma_start3A_40, %dma_start3A_46] : memref<2x384xi32, #tpu.memory_space<vmem>> -> memref<1x384xi32, #tpu.memory_space<vmem>>
    %dma_start3A_48 = tpu.memref_squeeze %dma_start3A_47 : memref<1x384xi32, #tpu.memory_space<vmem>> -> memref<384xi32, #tpu.memory_space<vmem>>
    %dma_start3A_49 = arith.constant 0 : i32
    %dma_start3A_50 = arith.constant 0 : i32
    %dma_start3A_51 = tpu.memref_slice %arg2[%arg0, %dma_start3A_49, %dma_start3A_50] : memref<2x50048x32xf32, #tpu.memory_space<hbm>> -> memref<1x50048x32xf32, #tpu.memory_space<hbm>>
    %dma_start3A_52 = tpu.memref_squeeze %dma_start3A_51 : memref<1x50048x32xf32, #tpu.memory_space<hbm>> -> memref<50048x32xf32, #tpu.memory_space<hbm>>
    %dma_start3A_53 = arith.constant 0 : i32
    %dma_start3A_54 = arith.constant 0 : i32
    %dma_start3A_55 = tpu.memref_slice %dma_start3A_52[%dma_start3A_53, %dma_start3A_54] : memref<50048x32xf32, #tpu.memory_space<hbm>> -> memref<50048x32xf32, #tpu.memory_space<hbm>>
    tpu.enqueue_indirect_dma source(%dma_start3A_55 : memref<50048x32xf32, #tpu.memory_space<hbm>>) target(%dma_start3A_45 : memref<384x32xf32, #tpu.memory_space<vmem>>) offsets(%dma_start3A_48 : memref<384xi32, #tpu.memory_space<vmem>>) semaphore(%arg10 : memref<!tpu.dma_semaphore, #tpu.memory_space<semaphore_mem>>)
    %scan3A = arith.constant 0 : i32
    %scan3A_56 = arith.constant 0 : i32
    %scan3A_57 = arith.constant 66 : i32
    %scan3A_58 = arith.addi %scan3A_56, %scan3A_57 : i32
    %scan3A_59 = arith.constant 1 : i32
    scf.for %scan3A_80 = %scan3A_56 to %scan3A_58 step %scan3A_59  : i32 {
      %mul3A_81 = arith.constant 2 : i32
      %mul3A_82 = arith.muli %scan3A_80, %mul3A_81 : i32
      %add3A_83 = arith.constant 0 : i32
      %add3A_84 = arith.addi %mul3A_82, %add3A_83 : i32
      %ge3A = arith.constant 1 : i32
      %ge3A_85 = arith.cmpi sge, %add3A_84, %ge3A : i32
      %convert_element_type3A = arith.extui %ge3A_85 : i1 to i32
      %cond3A = arith.constant 0 : i32
      %cond3A_86 = arith.cmpi ne, %convert_element_type3A, %cond3A : i32
      scf.if %cond3A_86 {
        %dma_wait3A_175 = arith.constant 0 : i32
        %dma_wait3A_176 = arith.constant 1 : i32
        %dma_wait3A_177 = arith.constant 0 : i32
        %dma_wait3A_178 = arith.constant 0 : i32
        %dma_wait3A_179 = tpu.memref_slice %arg8[%dma_wait3A_176, %dma_wait3A_177, %dma_wait3A_178] : memref<2x384x32xf32, #tpu.memory_space<vmem>> -> memref<1x384x32xf32, #tpu.memory_space<vmem>>
        %dma_wait3A_180 = tpu.memref_squeeze %dma_wait3A_179 : memref<1x384x32xf32, #tpu.memory_space<vmem>> -> memref<384x32xf32, #tpu.memory_space<vmem>>
        %dma_wait3A_181 = arith.constant 0 : i32
        %dma_wait3A_182 = arith.constant 0 : i32
        %dma_wait3A_183 = tpu.memref_slice %arg2[%dma_wait3A_175, %dma_wait3A_181, %dma_wait3A_182] : memref<2x50048x32xf32, #tpu.memory_space<hbm>> -> memref<1x384x32xf32, #tpu.memory_space<hbm>>
        %dma_wait3A_184 = tpu.memref_squeeze %dma_wait3A_183 : memref<1x384x32xf32, #tpu.memory_space<hbm>> -> memref<384x32xf32, #tpu.memory_space<hbm>>
        %dma_wait3A_185 = arith.constant 0 : i32
        %dma_wait3A_186 = arith.constant 0 : i32
        %dma_wait3A_187 = tpu.memref_slice %arg8[%dma_wait3A_176, %dma_wait3A_185, %dma_wait3A_186] : memref<2x384x32xf32, #tpu.memory_space<vmem>> -> memref<1x384x32xf32, #tpu.memory_space<vmem>>
        %dma_wait3A_188 = tpu.memref_squeeze %dma_wait3A_187 : memref<1x384x32xf32, #tpu.memory_space<vmem>> -> memref<384x32xf32, #tpu.memory_space<vmem>>
        %dma_wait3A_189 = arith.constant 0 : i32
        %dma_wait3A_190 = arith.constant 0 : i32
        %dma_wait3A_191 = tpu.memref_slice %arg2[%dma_wait3A_175, %dma_wait3A_189, %dma_wait3A_190] : memref<2x50048x32xf32, #tpu.memory_space<hbm>> -> memref<1x384x32xf32, #tpu.memory_space<hbm>>
        %dma_wait3A_192 = tpu.memref_squeeze %dma_wait3A_191 : memref<1x384x32xf32, #tpu.memory_space<hbm>> -> memref<384x32xf32, #tpu.memory_space<hbm>>
        tpu.wait_dma2 semaphore(%arg15 : memref<!tpu.dma_semaphore, #tpu.memory_space<semaphore_mem>>) src(%dma_wait3A_192 : memref<384x32xf32, #tpu.memory_space<hbm>>) dst(%dma_wait3A_188 : memref<384x32xf32, #tpu.memory_space<vmem>>)
      } else {
      }
      %lt3A = arith.constant 131 : i32
      %lt3A_87 = arith.cmpi slt, %add3A_84, %lt3A : i32
      %convert_element_type3A_88 = arith.extui %lt3A_87 : i1 to i32
      %cond3A_89 = arith.constant 0 : i32
      %cond3A_90 = arith.cmpi ne, %convert_element_type3A_88, %cond3A_89 : i32
      scf.if %cond3A_90 {
        %add3A_175 = arith.constant 1 : i32
        %add3A_176 = arith.addi %add3A_84, %add3A_175 : i32
        %mul3A_177 = arith.constant 128 : i32
        %mul3A_178 = arith.muli %mul3A_2, %mul3A_177 : i32
        %mul3A_179 = arith.constant 384 : i32
        %mul3A_180 = arith.muli %add3A_176, %mul3A_179 : i32
        %add3A_181 = arith.addi %mul3A_178, %mul3A_180 : i32
        %dma_start3A_182 = arith.constant 1 : i32
        %dma_start3A_183 = arith.constant 0 : i32
        %dma_start3A_184 = tpu.memref_slice %arg6[%dma_start3A_182, %dma_start3A_183] : memref<2x384xi32, #tpu.memory_space<vmem>> -> memref<1x384xi32, #tpu.memory_space<vmem>>
        %dma_start3A_185 = tpu.memref_squeeze %dma_start3A_184 : memref<1x384xi32, #tpu.memory_space<vmem>> -> memref<384xi32, #tpu.memory_space<vmem>>
        %dma_start3A_186 = tpu.memref_slice %arg3[%add3A_181] : memref<811008xi32, #tpu.memory_space<hbm>> -> memref<384xi32, #tpu.memory_space<hbm>>
        %dma_start3A_187 = arith.constant 0 : i32
        %dma_start3A_188 = tpu.memref_slice %arg6[%dma_start3A_182, %dma_start3A_187] : memref<2x384xi32, #tpu.memory_space<vmem>> -> memref<1x384xi32, #tpu.memory_space<vmem>>
        %dma_start3A_189 = tpu.memref_squeeze %dma_start3A_188 : memref<1x384xi32, #tpu.memory_space<vmem>> -> memref<384xi32, #tpu.memory_space<vmem>>
        %dma_start3A_190 = tpu.memref_slice %arg3[%add3A_181] : memref<811008xi32, #tpu.memory_space<hbm>> -> memref<384xi32, #tpu.memory_space<hbm>>
        tpu.enqueue_dma source(%dma_start3A_190 : memref<384xi32, #tpu.memory_space<hbm>>) target(%dma_start3A_189 : memref<384xi32, #tpu.memory_space<vmem>>) target_semaphore(%arg13 : memref<!tpu.dma_semaphore, #tpu.memory_space<semaphore_mem>>)
        %dma_start3A_191 = arith.constant 1 : i32
        %dma_start3A_192 = arith.constant 0 : i32
        %dma_start3A_193 = tpu.memref_slice %arg7[%dma_start3A_191, %dma_start3A_192] : memref<2x384xi32, #tpu.memory_space<vmem>> -> memref<1x384xi32, #tpu.memory_space<vmem>>
        %dma_start3A_194 = tpu.memref_squeeze %dma_start3A_193 : memref<1x384xi32, #tpu.memory_space<vmem>> -> memref<384xi32, #tpu.memory_space<vmem>>
        %dma_start3A_195 = tpu.memref_slice %arg4[%add3A_181] : memref<811008xi32, #tpu.memory_space<hbm>> -> memref<384xi32, #tpu.memory_space<hbm>>
        %dma_start3A_196 = arith.constant 0 : i32
        %dma_start3A_197 = tpu.memref_slice %arg7[%dma_start3A_191, %dma_start3A_196] : memref<2x384xi32, #tpu.memory_space<vmem>> -> memref<1x384xi32, #tpu.memory_space<vmem>>
        %dma_start3A_198 = tpu.memref_squeeze %dma_start3A_197 : memref<1x384xi32, #tpu.memory_space<vmem>> -> memref<384xi32, #tpu.memory_space<vmem>>
        %dma_start3A_199 = tpu.memref_slice %arg4[%add3A_181] : memref<811008xi32, #tpu.memory_space<hbm>> -> memref<384xi32, #tpu.memory_space<hbm>>
        tpu.enqueue_dma source(%dma_start3A_199 : memref<384xi32, #tpu.memory_space<hbm>>) target(%dma_start3A_198 : memref<384xi32, #tpu.memory_space<vmem>>) target_semaphore(%arg13 : memref<!tpu.dma_semaphore, #tpu.memory_space<semaphore_mem>>)
      } else {
      }
      %dma_wait3A_91 = arith.constant 0 : i32
      %dma_wait3A_92 = arith.constant 0 : i32
      %dma_wait3A_93 = arith.constant 0 : i32
      %dma_wait3A_94 = arith.constant 0 : i32
      %dma_wait3A_95 = tpu.memref_slice %arg8[%dma_wait3A_92, %dma_wait3A_93, %dma_wait3A_94] : memref<2x384x32xf32, #tpu.memory_space<vmem>> -> memref<1x384x32xf32, #tpu.memory_space<vmem>>
      %dma_wait3A_96 = tpu.memref_squeeze %dma_wait3A_95 : memref<1x384x32xf32, #tpu.memory_space<vmem>> -> memref<384x32xf32, #tpu.memory_space<vmem>>
      %dma_wait3A_97 = arith.constant 0 : i32
      %dma_wait3A_98 = arith.constant 0 : i32
      %dma_wait3A_99 = tpu.memref_slice %arg2[%dma_wait3A_91, %dma_wait3A_97, %dma_wait3A_98] : memref<2x50048x32xf32, #tpu.memory_space<hbm>> -> memref<1x384x32xf32, #tpu.memory_space<hbm>>
      %dma_wait3A_100 = tpu.memref_squeeze %dma_wait3A_99 : memref<1x384x32xf32, #tpu.memory_space<hbm>> -> memref<384x32xf32, #tpu.memory_space<hbm>>
      %dma_wait3A_101 = arith.constant 0 : i32
      %dma_wait3A_102 = arith.constant 0 : i32
      %dma_wait3A_103 = tpu.memref_slice %arg8[%dma_wait3A_92, %dma_wait3A_101, %dma_wait3A_102] : memref<2x384x32xf32, #tpu.memory_space<vmem>> -> memref<1x384x32xf32, #tpu.memory_space<vmem>>
      %dma_wait3A_104 = tpu.memref_squeeze %dma_wait3A_103 : memref<1x384x32xf32, #tpu.memory_space<vmem>> -> memref<384x32xf32, #tpu.memory_space<vmem>>
      %dma_wait3A_105 = arith.constant 0 : i32
      %dma_wait3A_106 = arith.constant 0 : i32
      %dma_wait3A_107 = tpu.memref_slice %arg2[%dma_wait3A_91, %dma_wait3A_105, %dma_wait3A_106] : memref<2x50048x32xf32, #tpu.memory_space<hbm>> -> memref<1x384x32xf32, #tpu.memory_space<hbm>>
      %dma_wait3A_108 = tpu.memref_squeeze %dma_wait3A_107 : memref<1x384x32xf32, #tpu.memory_space<hbm>> -> memref<384x32xf32, #tpu.memory_space<hbm>>
      tpu.wait_dma2 semaphore(%arg10 : memref<!tpu.dma_semaphore, #tpu.memory_space<semaphore_mem>>) src(%dma_wait3A_108 : memref<384x32xf32, #tpu.memory_space<hbm>>) dst(%dma_wait3A_104 : memref<384x32xf32, #tpu.memory_space<vmem>>)
      %dma_start3A_109 = arith.constant 0 : i32
      %dma_start3A_110 = arith.constant 0 : i32
      %dma_start3A_111 = arith.constant 0 : i32
      %dma_start3A_112 = arith.constant 0 : i32
      %dma_start3A_113 = tpu.memref_slice %arg8[%dma_start3A_109, %dma_start3A_111, %dma_start3A_112] : memref<2x384x32xf32, #tpu.memory_space<vmem>> -> memref<1x384x32xf32, #tpu.memory_space<vmem>>
      %dma_start3A_114 = tpu.memref_squeeze %dma_start3A_113 : memref<1x384x32xf32, #tpu.memory_space<vmem>> -> memref<384x32xf32, #tpu.memory_space<vmem>>
      %dma_start3A_115 = arith.constant 0 : i32
      %dma_start3A_116 = tpu.memref_slice %arg7[%dma_start3A_110, %dma_start3A_115] : memref<2x384xi32, #tpu.memory_space<vmem>> -> memref<1x384xi32, #tpu.memory_space<vmem>>
      %dma_start3A_117 = tpu.memref_squeeze %dma_start3A_116 : memref<1x384xi32, #tpu.memory_space<vmem>> -> memref<384xi32, #tpu.memory_space<vmem>>
      %dma_start3A_118 = arith.constant 0 : i32
      %dma_start3A_119 = arith.constant 0 : i32
      %dma_start3A_120 = tpu.memref_slice %arg9[%dma_start3A_118, %dma_start3A_119] : memref<50048x32xf32, #tpu.memory_space<vmem_shared>> -> memref<50048x32xf32, #tpu.memory_space<vmem_shared>>
      tpu.enqueue_indirect_dma source(%dma_start3A_114 : memref<384x32xf32, #tpu.memory_space<vmem>>) target(%dma_start3A_120 : memref<50048x32xf32, #tpu.memory_space<vmem_shared>>) offsets(%dma_start3A_117 : memref<384xi32, #tpu.memory_space<vmem>>) semaphore(%arg14 : memref<!tpu.dma_semaphore, #tpu.memory_space<semaphore_mem>>) {add = true}
      %lt3A_121 = arith.constant 131 : i32
      %lt3A_122 = arith.cmpi slt, %add3A_84, %lt3A_121 : i32
      %convert_element_type3A_123 = arith.extui %lt3A_122 : i1 to i32
      %cond3A_124 = arith.constant 0 : i32
      %cond3A_125 = arith.cmpi ne, %convert_element_type3A_123, %cond3A_124 : i32
      scf.if %cond3A_125 {
        %add3A_175 = arith.constant 1 : i32
        %add3A_176 = arith.addi %add3A_84, %add3A_175 : i32
        %mul3A_177 = arith.constant 128 : i32
        %mul3A_178 = arith.muli %mul3A_2, %mul3A_177 : i32
        %mul3A_179 = arith.constant 384 : i32
        %mul3A_180 = arith.muli %add3A_176, %mul3A_179 : i32
        %add3A_181 = arith.addi %mul3A_178, %mul3A_180 : i32
        %dma_wait3A_182 = arith.constant 1 : i32
        %dma_wait3A_183 = arith.constant 0 : i32
        %dma_wait3A_184 = tpu.memref_slice %arg6[%dma_wait3A_182, %dma_wait3A_183] : memref<2x384xi32, #tpu.memory_space<vmem>> -> memref<1x384xi32, #tpu.memory_space<vmem>>
        %dma_wait3A_185 = tpu.memref_squeeze %dma_wait3A_184 : memref<1x384xi32, #tpu.memory_space<vmem>> -> memref<384xi32, #tpu.memory_space<vmem>>
        %dma_wait3A_186 = tpu.memref_slice %arg3[%add3A_181] : memref<811008xi32, #tpu.memory_space<hbm>> -> memref<384xi32, #tpu.memory_space<hbm>>
        %dma_wait3A_187 = arith.constant 0 : i32
        %dma_wait3A_188 = tpu.memref_slice %arg6[%dma_wait3A_182, %dma_wait3A_187] : memref<2x384xi32, #tpu.memory_space<vmem>> -> memref<1x384xi32, #tpu.memory_space<vmem>>
        %dma_wait3A_189 = tpu.memref_squeeze %dma_wait3A_188 : memref<1x384xi32, #tpu.memory_space<vmem>> -> memref<384xi32, #tpu.memory_space<vmem>>
        %dma_wait3A_190 = tpu.memref_slice %arg3[%add3A_181] : memref<811008xi32, #tpu.memory_space<hbm>> -> memref<384xi32, #tpu.memory_space<hbm>>
        tpu.wait_dma2 semaphore(%arg13 : memref<!tpu.dma_semaphore, #tpu.memory_space<semaphore_mem>>) src(%dma_wait3A_190 : memref<384xi32, #tpu.memory_space<hbm>>) dst(%dma_wait3A_189 : memref<384xi32, #tpu.memory_space<vmem>>)
        %dma_wait3A_191 = arith.constant 1 : i32
        %dma_wait3A_192 = arith.constant 0 : i32
        %dma_wait3A_193 = tpu.memref_slice %arg7[%dma_wait3A_191, %dma_wait3A_192] : memref<2x384xi32, #tpu.memory_space<vmem>> -> memref<1x384xi32, #tpu.memory_space<vmem>>
        %dma_wait3A_194 = tpu.memref_squeeze %dma_wait3A_193 : memref<1x384xi32, #tpu.memory_space<vmem>> -> memref<384xi32, #tpu.memory_space<vmem>>
        %dma_wait3A_195 = tpu.memref_slice %arg4[%add3A_181] : memref<811008xi32, #tpu.memory_space<hbm>> -> memref<384xi32, #tpu.memory_space<hbm>>
        %dma_wait3A_196 = arith.constant 0 : i32
        %dma_wait3A_197 = tpu.memref_slice %arg7[%dma_wait3A_191, %dma_wait3A_196] : memref<2x384xi32, #tpu.memory_space<vmem>> -> memref<1x384xi32, #tpu.memory_space<vmem>>
        %dma_wait3A_198 = tpu.memref_squeeze %dma_wait3A_197 : memref<1x384xi32, #tpu.memory_space<vmem>> -> memref<384xi32, #tpu.memory_space<vmem>>
        %dma_wait3A_199 = tpu.memref_slice %arg4[%add3A_181] : memref<811008xi32, #tpu.memory_space<hbm>> -> memref<384xi32, #tpu.memory_space<hbm>>
        tpu.wait_dma2 semaphore(%arg13 : memref<!tpu.dma_semaphore, #tpu.memory_space<semaphore_mem>>) src(%dma_wait3A_199 : memref<384xi32, #tpu.memory_space<hbm>>) dst(%dma_wait3A_198 : memref<384xi32, #tpu.memory_space<vmem>>)
        %dma_start3A_200 = arith.constant 1 : i32
        %dma_start3A_201 = arith.constant 1 : i32
        %dma_start3A_202 = arith.constant 0 : i32
        %dma_start3A_203 = arith.constant 0 : i32
        %dma_start3A_204 = tpu.memref_slice %arg8[%dma_start3A_201, %dma_start3A_202, %dma_start3A_203] : memref<2x384x32xf32, #tpu.memory_space<vmem>> -> memref<1x384x32xf32, #tpu.memory_space<vmem>>
        %dma_start3A_205 = tpu.memref_squeeze %dma_start3A_204 : memref<1x384x32xf32, #tpu.memory_space<vmem>> -> memref<384x32xf32, #tpu.memory_space<vmem>>
        %dma_start3A_206 = arith.constant 0 : i32
        %dma_start3A_207 = tpu.memref_slice %arg6[%dma_start3A_200, %dma_start3A_206] : memref<2x384xi32, #tpu.memory_space<vmem>> -> memref<1x384xi32, #tpu.memory_space<vmem>>
        %dma_start3A_208 = tpu.memref_squeeze %dma_start3A_207 : memref<1x384xi32, #tpu.memory_space<vmem>> -> memref<384xi32, #tpu.memory_space<vmem>>
        %dma_start3A_209 = arith.constant 0 : i32
        %dma_start3A_210 = arith.constant 0 : i32
        %dma_start3A_211 = tpu.memref_slice %arg2[%arg0, %dma_start3A_209, %dma_start3A_210] : memref<2x50048x32xf32, #tpu.memory_space<hbm>> -> memref<1x50048x32xf32, #tpu.memory_space<hbm>>
        %dma_start3A_212 = tpu.memref_squeeze %dma_start3A_211 : memref<1x50048x32xf32, #tpu.memory_space<hbm>> -> memref<50048x32xf32, #tpu.memory_space<hbm>>
        %dma_start3A_213 = arith.constant 0 : i32
        %dma_start3A_214 = arith.constant 0 : i32
        %dma_start3A_215 = tpu.memref_slice %dma_start3A_212[%dma_start3A_213, %dma_start3A_214] : memref<50048x32xf32, #tpu.memory_space<hbm>> -> memref<50048x32xf32, #tpu.memory_space<hbm>>
        tpu.enqueue_indirect_dma source(%dma_start3A_215 : memref<50048x32xf32, #tpu.memory_space<hbm>>) target(%dma_start3A_205 : memref<384x32xf32, #tpu.memory_space<vmem>>) offsets(%dma_start3A_208 : memref<384xi32, #tpu.memory_space<vmem>>) semaphore(%arg11 : memref<!tpu.dma_semaphore, #tpu.memory_space<semaphore_mem>>)
      } else {
      }
      %mul3A_126 = arith.constant 2 : i32
      %mul3A_127 = arith.muli %scan3A_80, %mul3A_126 : i32
      %add3A_128 = arith.constant 1 : i32
      %add3A_129 = arith.addi %mul3A_127, %add3A_128 : i32
      %ge3A_130 = arith.constant 1 : i32
      %ge3A_131 = arith.cmpi sge, %add3A_129, %ge3A_130 : i32
      %convert_element_type3A_132 = arith.extui %ge3A_131 : i1 to i32
      %cond3A_133 = arith.constant 0 : i32
      %cond3A_134 = arith.cmpi ne, %convert_element_type3A_132, %cond3A_133 : i32
      scf.if %cond3A_134 {
        %dma_wait3A_175 = arith.constant 0 : i32
        %dma_wait3A_176 = arith.constant 0 : i32
        %dma_wait3A_177 = arith.constant 0 : i32
        %dma_wait3A_178 = arith.constant 0 : i32
        %dma_wait3A_179 = tpu.memref_slice %arg8[%dma_wait3A_176, %dma_wait3A_177, %dma_wait3A_178] : memref<2x384x32xf32, #tpu.memory_space<vmem>> -> memref<1x384x32xf32, #tpu.memory_space<vmem>>
        %dma_wait3A_180 = tpu.memref_squeeze %dma_wait3A_179 : memref<1x384x32xf32, #tpu.memory_space<vmem>> -> memref<384x32xf32, #tpu.memory_space<vmem>>
        %dma_wait3A_181 = arith.constant 0 : i32
        %dma_wait3A_182 = arith.constant 0 : i32
        %dma_wait3A_183 = tpu.memref_slice %arg2[%dma_wait3A_175, %dma_wait3A_181, %dma_wait3A_182] : memref<2x50048x32xf32, #tpu.memory_space<hbm>> -> memref<1x384x32xf32, #tpu.memory_space<hbm>>
        %dma_wait3A_184 = tpu.memref_squeeze %dma_wait3A_183 : memref<1x384x32xf32, #tpu.memory_space<hbm>> -> memref<384x32xf32, #tpu.memory_space<hbm>>
        %dma_wait3A_185 = arith.constant 0 : i32
        %dma_wait3A_186 = arith.constant 0 : i32
        %dma_wait3A_187 = tpu.memref_slice %arg8[%dma_wait3A_176, %dma_wait3A_185, %dma_wait3A_186] : memref<2x384x32xf32, #tpu.memory_space<vmem>> -> memref<1x384x32xf32, #tpu.memory_space<vmem>>
        %dma_wait3A_188 = tpu.memref_squeeze %dma_wait3A_187 : memref<1x384x32xf32, #tpu.memory_space<vmem>> -> memref<384x32xf32, #tpu.memory_space<vmem>>
        %dma_wait3A_189 = arith.constant 0 : i32
        %dma_wait3A_190 = arith.constant 0 : i32
        %dma_wait3A_191 = tpu.memref_slice %arg2[%dma_wait3A_175, %dma_wait3A_189, %dma_wait3A_190] : memref<2x50048x32xf32, #tpu.memory_space<hbm>> -> memref<1x384x32xf32, #tpu.memory_space<hbm>>
        %dma_wait3A_192 = tpu.memref_squeeze %dma_wait3A_191 : memref<1x384x32xf32, #tpu.memory_space<hbm>> -> memref<384x32xf32, #tpu.memory_space<hbm>>
        tpu.wait_dma2 semaphore(%arg14 : memref<!tpu.dma_semaphore, #tpu.memory_space<semaphore_mem>>) src(%dma_wait3A_192 : memref<384x32xf32, #tpu.memory_space<hbm>>) dst(%dma_wait3A_188 : memref<384x32xf32, #tpu.memory_space<vmem>>)
      } else {
      }
      %lt3A_135 = arith.constant 131 : i32
      %lt3A_136 = arith.cmpi slt, %add3A_129, %lt3A_135 : i32
      %convert_element_type3A_137 = arith.extui %lt3A_136 : i1 to i32
      %cond3A_138 = arith.constant 0 : i32
      %cond3A_139 = arith.cmpi ne, %convert_element_type3A_137, %cond3A_138 : i32
      scf.if %cond3A_139 {
        %add3A_175 = arith.constant 1 : i32
        %add3A_176 = arith.addi %add3A_129, %add3A_175 : i32
        %mul3A_177 = arith.constant 128 : i32
        %mul3A_178 = arith.muli %mul3A_2, %mul3A_177 : i32
        %mul3A_179 = arith.constant 384 : i32
        %mul3A_180 = arith.muli %add3A_176, %mul3A_179 : i32
        %add3A_181 = arith.addi %mul3A_178, %mul3A_180 : i32
        %dma_start3A_182 = arith.constant 0 : i32
        %dma_start3A_183 = arith.constant 0 : i32
        %dma_start3A_184 = tpu.memref_slice %arg6[%dma_start3A_182, %dma_start3A_183] : memref<2x384xi32, #tpu.memory_space<vmem>> -> memref<1x384xi32, #tpu.memory_space<vmem>>
        %dma_start3A_185 = tpu.memref_squeeze %dma_start3A_184 : memref<1x384xi32, #tpu.memory_space<vmem>> -> memref<384xi32, #tpu.memory_space<vmem>>
        %dma_start3A_186 = tpu.memref_slice %arg3[%add3A_181] : memref<811008xi32, #tpu.memory_space<hbm>> -> memref<384xi32, #tpu.memory_space<hbm>>
        %dma_start3A_187 = arith.constant 0 : i32
        %dma_start3A_188 = tpu.memref_slice %arg6[%dma_start3A_182, %dma_start3A_187] : memref<2x384xi32, #tpu.memory_space<vmem>> -> memref<1x384xi32, #tpu.memory_space<vmem>>
        %dma_start3A_189 = tpu.memref_squeeze %dma_start3A_188 : memref<1x384xi32, #tpu.memory_space<vmem>> -> memref<384xi32, #tpu.memory_space<vmem>>
        %dma_start3A_190 = tpu.memref_slice %arg3[%add3A_181] : memref<811008xi32, #tpu.memory_space<hbm>> -> memref<384xi32, #tpu.memory_space<hbm>>
        tpu.enqueue_dma source(%dma_start3A_190 : memref<384xi32, #tpu.memory_space<hbm>>) target(%dma_start3A_189 : memref<384xi32, #tpu.memory_space<vmem>>) target_semaphore(%arg12 : memref<!tpu.dma_semaphore, #tpu.memory_space<semaphore_mem>>)
        %dma_start3A_191 = arith.constant 0 : i32
        %dma_start3A_192 = arith.constant 0 : i32
        %dma_start3A_193 = tpu.memref_slice %arg7[%dma_start3A_191, %dma_start3A_192] : memref<2x384xi32, #tpu.memory_space<vmem>> -> memref<1x384xi32, #tpu.memory_space<vmem>>
        %dma_start3A_194 = tpu.memref_squeeze %dma_start3A_193 : memref<1x384xi32, #tpu.memory_space<vmem>> -> memref<384xi32, #tpu.memory_space<vmem>>
        %dma_start3A_195 = tpu.memref_slice %arg4[%add3A_181] : memref<811008xi32, #tpu.memory_space<hbm>> -> memref<384xi32, #tpu.memory_space<hbm>>
        %dma_start3A_196 = arith.constant 0 : i32
        %dma_start3A_197 = tpu.memref_slice %arg7[%dma_start3A_191, %dma_start3A_196] : memref<2x384xi32, #tpu.memory_space<vmem>> -> memref<1x384xi32, #tpu.memory_space<vmem>>
        %dma_start3A_198 = tpu.memref_squeeze %dma_start3A_197 : memref<1x384xi32, #tpu.memory_space<vmem>> -> memref<384xi32, #tpu.memory_space<vmem>>
        %dma_start3A_199 = tpu.memref_slice %arg4[%add3A_181] : memref<811008xi32, #tpu.memory_space<hbm>> -> memref<384xi32, #tpu.memory_space<hbm>>
        tpu.enqueue_dma source(%dma_start3A_199 : memref<384xi32, #tpu.memory_space<hbm>>) target(%dma_start3A_198 : memref<384xi32, #tpu.memory_space<vmem>>) target_semaphore(%arg12 : memref<!tpu.dma_semaphore, #tpu.memory_space<semaphore_mem>>)
      } else {
      }
      %dma_wait3A_140 = arith.constant 0 : i32
      %dma_wait3A_141 = arith.constant 1 : i32
      %dma_wait3A_142 = arith.constant 0 : i32
      %dma_wait3A_143 = arith.constant 0 : i32
      %dma_wait3A_144 = tpu.memref_slice %arg8[%dma_wait3A_141, %dma_wait3A_142, %dma_wait3A_143] : memref<2x384x32xf32, #tpu.memory_space<vmem>> -> memref<1x384x32xf32, #tpu.memory_space<vmem>>
      %dma_wait3A_145 = tpu.memref_squeeze %dma_wait3A_144 : memref<1x384x32xf32, #tpu.memory_space<vmem>> -> memref<384x32xf32, #tpu.memory_space<vmem>>
      %dma_wait3A_146 = arith.constant 0 : i32
      %dma_wait3A_147 = arith.constant 0 : i32
      %dma_wait3A_148 = tpu.memref_slice %arg2[%dma_wait3A_140, %dma_wait3A_146, %dma_wait3A_147] : memref<2x50048x32xf32, #tpu.memory_space<hbm>> -> memref<1x384x32xf32, #tpu.memory_space<hbm>>
      %dma_wait3A_149 = tpu.memref_squeeze %dma_wait3A_148 : memref<1x384x32xf32, #tpu.memory_space<hbm>> -> memref<384x32xf32, #tpu.memory_space<hbm>>
      %dma_wait3A_150 = arith.constant 0 : i32
      %dma_wait3A_151 = arith.constant 0 : i32
      %dma_wait3A_152 = tpu.memref_slice %arg8[%dma_wait3A_141, %dma_wait3A_150, %dma_wait3A_151] : memref<2x384x32xf32, #tpu.memory_space<vmem>> -> memref<1x384x32xf32, #tpu.memory_space<vmem>>
      %dma_wait3A_153 = tpu.memref_squeeze %dma_wait3A_152 : memref<1x384x32xf32, #tpu.memory_space<vmem>> -> memref<384x32xf32, #tpu.memory_space<vmem>>
      %dma_wait3A_154 = arith.constant 0 : i32
      %dma_wait3A_155 = arith.constant 0 : i32
      %dma_wait3A_156 = tpu.memref_slice %arg2[%dma_wait3A_140, %dma_wait3A_154, %dma_wait3A_155] : memref<2x50048x32xf32, #tpu.memory_space<hbm>> -> memref<1x384x32xf32, #tpu.memory_space<hbm>>
      %dma_wait3A_157 = tpu.memref_squeeze %dma_wait3A_156 : memref<1x384x32xf32, #tpu.memory_space<hbm>> -> memref<384x32xf32, #tpu.memory_space<hbm>>
      tpu.wait_dma2 semaphore(%arg11 : memref<!tpu.dma_semaphore, #tpu.memory_space<semaphore_mem>>) src(%dma_wait3A_157 : memref<384x32xf32, #tpu.memory_space<hbm>>) dst(%dma_wait3A_153 : memref<384x32xf32, #tpu.memory_space<vmem>>)
      %dma_start3A_158 = arith.constant 1 : i32
      %dma_start3A_159 = arith.constant 1 : i32
      %dma_start3A_160 = arith.constant 0 : i32
      %dma_start3A_161 = arith.constant 0 : i32
      %dma_start3A_162 = tpu.memref_slice %arg8[%dma_start3A_158, %dma_start3A_160, %dma_start3A_161] : memref<2x384x32xf32, #tpu.memory_space<vmem>> -> memref<1x384x32xf32, #tpu.memory_space<vmem>>
      %dma_start3A_163 = tpu.memref_squeeze %dma_start3A_162 : memref<1x384x32xf32, #tpu.memory_space<vmem>> -> memref<384x32xf32, #tpu.memory_space<vmem>>
      %dma_start3A_164 = arith.constant 0 : i32
      %dma_start3A_165 = tpu.memref_slice %arg7[%dma_start3A_159, %dma_start3A_164] : memref<2x384xi32, #tpu.memory_space<vmem>> -> memref<1x384xi32, #tpu.memory_space<vmem>>
      %dma_start3A_166 = tpu.memref_squeeze %dma_start3A_165 : memref<1x384xi32, #tpu.memory_space<vmem>> -> memref<384xi32, #tpu.memory_space<vmem>>
      %dma_start3A_167 = arith.constant 0 : i32
      %dma_start3A_168 = arith.constant 0 : i32
      %dma_start3A_169 = tpu.memref_slice %arg9[%dma_start3A_167, %dma_start3A_168] : memref<50048x32xf32, #tpu.memory_space<vmem_shared>> -> memref<50048x32xf32, #tpu.memory_space<vmem_shared>>
      tpu.enqueue_indirect_dma source(%dma_start3A_163 : memref<384x32xf32, #tpu.memory_space<vmem>>) target(%dma_start3A_169 : memref<50048x32xf32, #tpu.memory_space<vmem_shared>>) offsets(%dma_start3A_166 : memref<384xi32, #tpu.memory_space<vmem>>) semaphore(%arg15 : memref<!tpu.dma_semaphore, #tpu.memory_space<semaphore_mem>>) {add = true}
      %lt3A_170 = arith.constant 131 : i32
      %lt3A_171 = arith.cmpi slt, %add3A_129, %lt3A_170 : i32
      %convert_element_type3A_172 = arith.extui %lt3A_171 : i1 to i32
      %cond3A_173 = arith.constant 0 : i32
      %cond3A_174 = arith.cmpi ne, %convert_element_type3A_172, %cond3A_173 : i32
      scf.if %cond3A_174 {
        %add3A_175 = arith.constant 1 : i32
        %add3A_176 = arith.addi %add3A_129, %add3A_175 : i32
        %mul3A_177 = arith.constant 128 : i32
        %mul3A_178 = arith.muli %mul3A_2, %mul3A_177 : i32
        %mul3A_179 = arith.constant 384 : i32
        %mul3A_180 = arith.muli %add3A_176, %mul3A_179 : i32
        %add3A_181 = arith.addi %mul3A_178, %mul3A_180 : i32
        %dma_wait3A_182 = arith.constant 0 : i32
        %dma_wait3A_183 = arith.constant 0 : i32
        %dma_wait3A_184 = tpu.memref_slice %arg6[%dma_wait3A_182, %dma_wait3A_183] : memref<2x384xi32, #tpu.memory_space<vmem>> -> memref<1x384xi32, #tpu.memory_space<vmem>>
        %dma_wait3A_185 = tpu.memref_squeeze %dma_wait3A_184 : memref<1x384xi32, #tpu.memory_space<vmem>> -> memref<384xi32, #tpu.memory_space<vmem>>
        %dma_wait3A_186 = tpu.memref_slice %arg3[%add3A_181] : memref<811008xi32, #tpu.memory_space<hbm>> -> memref<384xi32, #tpu.memory_space<hbm>>
        %dma_wait3A_187 = arith.constant 0 : i32
        %dma_wait3A_188 = tpu.memref_slice %arg6[%dma_wait3A_182, %dma_wait3A_187] : memref<2x384xi32, #tpu.memory_space<vmem>> -> memref<1x384xi32, #tpu.memory_space<vmem>>
        %dma_wait3A_189 = tpu.memref_squeeze %dma_wait3A_188 : memref<1x384xi32, #tpu.memory_space<vmem>> -> memref<384xi32, #tpu.memory_space<vmem>>
        %dma_wait3A_190 = tpu.memref_slice %arg3[%add3A_181] : memref<811008xi32, #tpu.memory_space<hbm>> -> memref<384xi32, #tpu.memory_space<hbm>>
        tpu.wait_dma2 semaphore(%arg12 : memref<!tpu.dma_semaphore, #tpu.memory_space<semaphore_mem>>) src(%dma_wait3A_190 : memref<384xi32, #tpu.memory_space<hbm>>) dst(%dma_wait3A_189 : memref<384xi32, #tpu.memory_space<vmem>>)
        %dma_wait3A_191 = arith.constant 0 : i32
        %dma_wait3A_192 = arith.constant 0 : i32
        %dma_wait3A_193 = tpu.memref_slice %arg7[%dma_wait3A_191, %dma_wait3A_192] : memref<2x384xi32, #tpu.memory_space<vmem>> -> memref<1x384xi32, #tpu.memory_space<vmem>>
        %dma_wait3A_194 = tpu.memref_squeeze %dma_wait3A_193 : memref<1x384xi32, #tpu.memory_space<vmem>> -> memref<384xi32, #tpu.memory_space<vmem>>
        %dma_wait3A_195 = tpu.memref_slice %arg4[%add3A_181] : memref<811008xi32, #tpu.memory_space<hbm>> -> memref<384xi32, #tpu.memory_space<hbm>>
        %dma_wait3A_196 = arith.constant 0 : i32
        %dma_wait3A_197 = tpu.memref_slice %arg7[%dma_wait3A_191, %dma_wait3A_196] : memref<2x384xi32, #tpu.memory_space<vmem>> -> memref<1x384xi32, #tpu.memory_space<vmem>>
        %dma_wait3A_198 = tpu.memref_squeeze %dma_wait3A_197 : memref<1x384xi32, #tpu.memory_space<vmem>> -> memref<384xi32, #tpu.memory_space<vmem>>
        %dma_wait3A_199 = tpu.memref_slice %arg4[%add3A_181] : memref<811008xi32, #tpu.memory_space<hbm>> -> memref<384xi32, #tpu.memory_space<hbm>>
        tpu.wait_dma2 semaphore(%arg12 : memref<!tpu.dma_semaphore, #tpu.memory_space<semaphore_mem>>) src(%dma_wait3A_199 : memref<384xi32, #tpu.memory_space<hbm>>) dst(%dma_wait3A_198 : memref<384xi32, #tpu.memory_space<vmem>>)
        %dma_start3A_200 = arith.constant 0 : i32
        %dma_start3A_201 = arith.constant 0 : i32
        %dma_start3A_202 = arith.constant 0 : i32
        %dma_start3A_203 = arith.constant 0 : i32
        %dma_start3A_204 = tpu.memref_slice %arg8[%dma_start3A_201, %dma_start3A_202, %dma_start3A_203] : memref<2x384x32xf32, #tpu.memory_space<vmem>> -> memref<1x384x32xf32, #tpu.memory_space<vmem>>
        %dma_start3A_205 = tpu.memref_squeeze %dma_start3A_204 : memref<1x384x32xf32, #tpu.memory_space<vmem>> -> memref<384x32xf32, #tpu.memory_space<vmem>>
        %dma_start3A_206 = arith.constant 0 : i32
        %dma_start3A_207 = tpu.memref_slice %arg6[%dma_start3A_200, %dma_start3A_206] : memref<2x384xi32, #tpu.memory_space<vmem>> -> memref<1x384xi32, #tpu.memory_space<vmem>>
        %dma_start3A_208 = tpu.memref_squeeze %dma_start3A_207 : memref<1x384xi32, #tpu.memory_space<vmem>> -> memref<384xi32, #tpu.memory_space<vmem>>
        %dma_start3A_209 = arith.constant 0 : i32
        %dma_start3A_210 = arith.constant 0 : i32
        %dma_start3A_211 = tpu.memref_slice %arg2[%arg0, %dma_start3A_209, %dma_start3A_210] : memref<2x50048x32xf32, #tpu.memory_space<hbm>> -> memref<1x50048x32xf32, #tpu.memory_space<hbm>>
        %dma_start3A_212 = tpu.memref_squeeze %dma_start3A_211 : memref<1x50048x32xf32, #tpu.memory_space<hbm>> -> memref<50048x32xf32, #tpu.memory_space<hbm>>
        %dma_start3A_213 = arith.constant 0 : i32
        %dma_start3A_214 = arith.constant 0 : i32
        %dma_start3A_215 = tpu.memref_slice %dma_start3A_212[%dma_start3A_213, %dma_start3A_214] : memref<50048x32xf32, #tpu.memory_space<hbm>> -> memref<50048x32xf32, #tpu.memory_space<hbm>>
        tpu.enqueue_indirect_dma source(%dma_start3A_215 : memref<50048x32xf32, #tpu.memory_space<hbm>>) target(%dma_start3A_205 : memref<384x32xf32, #tpu.memory_space<vmem>>) offsets(%dma_start3A_208 : memref<384xi32, #tpu.memory_space<vmem>>) semaphore(%arg10 : memref<!tpu.dma_semaphore, #tpu.memory_space<semaphore_mem>>)
      } else {
      }
    }
    %scan3A_60 = arith.constant 66 : i32
    %dma_wait3A_61 = arith.constant 0 : i32
    %dma_wait3A_62 = arith.constant 1 : i32
    %dma_wait3A_63 = arith.constant 0 : i32
    %dma_wait3A_64 = arith.constant 0 : i32
    %dma_wait3A_65 = tpu.memref_slice %arg8[%dma_wait3A_62, %dma_wait3A_63, %dma_wait3A_64] : memref<2x384x32xf32, #tpu.memory_space<vmem>> -> memref<1x384x32xf32, #tpu.memory_space<vmem>>
    %dma_wait3A_66 = tpu.memref_squeeze %dma_wait3A_65 : memref<1x384x32xf32, #tpu.memory_space<vmem>> -> memref<384x32xf32, #tpu.memory_space<vmem>>
    %dma_wait3A_67 = arith.constant 0 : i32
    %dma_wait3A_68 = arith.constant 0 : i32
    %dma_wait3A_69 = tpu.memref_slice %arg2[%dma_wait3A_61, %dma_wait3A_67, %dma_wait3A_68] : memref<2x50048x32xf32, #tpu.memory_space<hbm>> -> memref<1x384x32xf32, #tpu.memory_space<hbm>>
    %dma_wait3A_70 = tpu.memref_squeeze %dma_wait3A_69 : memref<1x384x32xf32, #tpu.memory_space<hbm>> -> memref<384x32xf32, #tpu.memory_space<hbm>>
    %dma_wait3A_71 = arith.constant 0 : i32
    %dma_wait3A_72 = arith.constant 0 : i32
    %dma_wait3A_73 = tpu.memref_slice %arg8[%dma_wait3A_62, %dma_wait3A_71, %dma_wait3A_72] : memref<2x384x32xf32, #tpu.memory_space<vmem>> -> memref<1x384x32xf32, #tpu.memory_space<vmem>>
    %dma_wait3A_74 = tpu.memref_squeeze %dma_wait3A_73 : memref<1x384x32xf32, #tpu.memory_space<vmem>> -> memref<384x32xf32, #tpu.memory_space<vmem>>
    %dma_wait3A_75 = arith.constant 0 : i32
    %dma_wait3A_76 = arith.constant 0 : i32
    %dma_wait3A_77 = tpu.memref_slice %arg2[%dma_wait3A_61, %dma_wait3A_75, %dma_wait3A_76] : memref<2x50048x32xf32, #tpu.memory_space<hbm>> -> memref<1x384x32xf32, #tpu.memory_space<hbm>>
    %dma_wait3A_78 = tpu.memref_squeeze %dma_wait3A_77 : memref<1x384x32xf32, #tpu.memory_space<hbm>> -> memref<384x32xf32, #tpu.memory_space<hbm>>
    tpu.wait_dma2 semaphore(%arg15 : memref<!tpu.dma_semaphore, #tpu.memory_space<semaphore_mem>>) src(%dma_wait3A_78 : memref<384x32xf32, #tpu.memory_space<hbm>>) dst(%dma_wait3A_74 : memref<384x32xf32, #tpu.memory_space<vmem>>)
    %barrier3A_79 = arith.constant 0 : index
    tpu.barrier barrier_id(%barrier3A_79)
    "tpu.region"() ({
      %run_scoped3A = tpu.sem_alloc : memref<!tpu.dma_semaphore, #tpu.memory_space<semaphore_mem>>
      %dma_start3A_80 = arith.constant 0 : i32
      %dma_start3A_81 = tpu.memref_slice %arg5[%arg0, %mul3A_0, %dma_start3A_80] : memref<2x50048x32xf32, #tpu.memory_space<hbm>> -> memref<1x3128x32xf32, #tpu.memory_space<hbm>>
      %dma_start3A_82 = tpu.memref_squeeze %dma_start3A_81 : memref<1x3128x32xf32, #tpu.memory_space<hbm>> -> memref<3128x32xf32, #tpu.memory_space<hbm>>
      %dma_start3A_83 = arith.constant 0 : i32
      %dma_start3A_84 = tpu.memref_slice %arg9[%mul3A_0, %dma_start3A_83] : memref<50048x32xf32, #tpu.memory_space<vmem_shared>> -> memref<3128x32xf32, #tpu.memory_space<vmem_shared>>
      tpu.enqueue_dma source(%dma_start3A_84 : memref<3128x32xf32, #tpu.memory_space<vmem_shared>>) target(%dma_start3A_82 : memref<3128x32xf32, #tpu.memory_space<hbm>>) target_semaphore(%run_scoped3A : memref<!tpu.dma_semaphore, #tpu.memory_space<semaphore_mem>>)
      %dma_wait3A_85 = arith.constant 0 : i32
      %dma_wait3A_86 = tpu.memref_slice %arg5[%arg0, %mul3A_0, %dma_wait3A_85] : memref<2x50048x32xf32, #tpu.memory_space<hbm>> -> memref<1x3128x32xf32, #tpu.memory_space<hbm>>
      %dma_wait3A_87 = tpu.memref_squeeze %dma_wait3A_86 : memref<1x3128x32xf32, #tpu.memory_space<hbm>> -> memref<3128x32xf32, #tpu.memory_space<hbm>>
      %dma_wait3A_88 = arith.constant 0 : i32
      %dma_wait3A_89 = tpu.memref_slice %arg9[%mul3A_0, %dma_wait3A_88] : memref<50048x32xf32, #tpu.memory_space<vmem_shared>> -> memref<3128x32xf32, #tpu.memory_space<vmem_shared>>
      tpu.wait_dma2 semaphore(%run_scoped3A : memref<!tpu.dma_semaphore, #tpu.memory_space<semaphore_mem>>) src(%dma_wait3A_89 : memref<3128x32xf32, #tpu.memory_space<vmem_shared>>) dst(%dma_wait3A_87 : memref<3128x32xf32, #tpu.memory_space<hbm>>)
      tpu.yield
    }) : () -> ()
    return
  }
}

module attributes {stable_mosaic.version = 14 : i64} {
  func.func @body(%arg0: i32, %arg1: memref<3128x128xf32, #tpu.memory_space<vmem>>, %arg2: memref<3128x128xf32, #tpu.memory_space<vmem>>, %arg3: memref<64x64xf32, #tpu.memory_space<vmem>>, %arg4: memref<1x64xf32, #tpu.memory_space<vmem>>, %arg5: memref<64x64xf32, #tpu.memory_space<vmem>>, %arg6: memref<1x64xf32, #tpu.memory_space<vmem>>, %arg7: memref<3128x256xf32, #tpu.memory_space<vmem>>, %arg8: memref<2x64xf32, #tpu.memory_space<vmem>>, %arg9: memref<2x64xf32, #tpu.memory_space<vmem>>) attributes {dimension_semantics = [#tpu.dimension_semantics<arbitrary>], iteration_bounds = array<i64: 4>, scalar_prefetch = 0 : i64, scratch_operands = 1 : i64, tpu.core_type = #tpu.core_type<tc>, window_params = [{transform_indices = @transform_0, window_bounds = array<i64: 3128, 128>}, {transform_indices = @transform_1, window_bounds = array<i64: 3128, 128>}, {pipeline_mode = #tpu.pipeline_mode<synchronous>, transform_indices = @transform_2, window_bounds = array<i64: 64, 64>}, {pipeline_mode = #tpu.pipeline_mode<synchronous>, transform_indices = @transform_3, window_bounds = array<i64: 1, 64>}, {pipeline_mode = #tpu.pipeline_mode<synchronous>, transform_indices = @transform_4, window_bounds = array<i64: 64, 64>}, {pipeline_mode = #tpu.pipeline_mode<synchronous>, transform_indices = @transform_5, window_bounds = array<i64: 1, 64>}, {transform_indices = @transform_6, window_bounds = array<i64: 3128, 256>}, {pipeline_mode = #tpu.pipeline_mode<synchronous>, transform_indices = @transform_7, window_bounds = array<i64: 2, 64>}]} {
    %get3A = arith.constant 0 : index
    %get3A_0 = arith.constant 0 : index
    %get3A_1 = vector.load %arg3[%get3A, %get3A_0] : memref<64x64xf32, #tpu.memory_space<vmem>>, vector<64x64xf32>
    %get3A_2 = arith.constant 0 : index
    %get3A_3 = arith.constant 0 : index
    %get3A_4 = vector.load %arg5[%get3A_2, %get3A_3] : memref<64x64xf32, #tpu.memory_space<vmem>>, vector<64x64xf32>
    %get3A_5 = arith.constant 0 : index
    %get3A_6 = arith.constant 0 : index
    %get3A_7 = vector.load %arg1[%get3A_5, %get3A_6] : memref<3128x128xf32, #tpu.memory_space<vmem>>, vector<3128x32xf32>
    %get3A_8 = arith.constant 0 : index
    %get3A_9 = arith.constant 0 : index
    %get3A_10 = vector.load %arg2[%get3A_8, %get3A_9] : memref<3128x128xf32, #tpu.memory_space<vmem>>, vector<3128x32xf32>
    %concatenate3A = tpu.concatenate %get3A_7, %get3A_10 in 1 : vector<3128x32xf32>, vector<3128x32xf32> -> vector<3128x64xf32>
    %dot_general3A = arith.constant dense<0.000000e+00> : vector<3128x64xf32>
    %dot_general3A_11 = tpu.matmul %concatenate3A, %get3A_1, %dot_general3A {dimension_numbers = #tpu.dot_dimension_numbers<[1], [0], [0], [1], [0, 0, 1, 1], [], []>, transpose_lhs_hint = false} : vector<3128x64xf32>, vector<64x64xf32>, vector<3128x64xf32> -> vector<3128x64xf32>
    %get3A_12 = arith.constant 0 : index
    %get3A_13 = arith.constant 0 : index
    %get3A_14 = vector.load %arg4[%get3A_12, %get3A_13] : memref<1x64xf32, #tpu.memory_space<vmem>>, vector<1x64xf32>
    %get3A_15 = vector.shape_cast %get3A_14 : vector<1x64xf32> to vector<64xf32>
    %broadcast_in_dim3A = vector.shape_cast %get3A_15 : vector<64xf32> to vector<1x64xf32>
    %add3A = vector.broadcast %broadcast_in_dim3A : vector<1x64xf32> to vector<3128x64xf32>
    %add3A_16 = arith.addf %dot_general3A_11, %add3A : vector<3128x64xf32>
    %max3A = arith.constant 0.000000e+00 : f32
    %max3A_17 = vector.broadcast %max3A : f32 to vector<3128x64xf32>
    %max3A_18 = arith.maximumf %add3A_16, %max3A_17 : vector<3128x64xf32>
    %dot_general3A_19 = arith.constant dense<0.000000e+00> : vector<3128x64xf32>
    %dot_general3A_20 = tpu.matmul %max3A_18, %get3A_4, %dot_general3A_19 {dimension_numbers = #tpu.dot_dimension_numbers<[1], [0], [0], [1], [0, 0, 1, 1], [], []>, transpose_lhs_hint = false} : vector<3128x64xf32>, vector<64x64xf32>, vector<3128x64xf32> -> vector<3128x64xf32>
    %get3A_21 = arith.constant 0 : index
    %get3A_22 = arith.constant 0 : index
    %get3A_23 = vector.load %arg6[%get3A_21, %get3A_22] : memref<1x64xf32, #tpu.memory_space<vmem>>, vector<1x64xf32>
    %get3A_24 = vector.shape_cast %get3A_23 : vector<1x64xf32> to vector<64xf32>
    %broadcast_in_dim3A_25 = vector.shape_cast %get3A_24 : vector<64xf32> to vector<1x64xf32>
    %add3A_26 = vector.broadcast %broadcast_in_dim3A_25 : vector<1x64xf32> to vector<3128x64xf32>
    %add3A_27 = arith.addf %dot_general3A_20, %add3A_26 : vector<3128x64xf32>
    %get3A_28 = arith.constant 0 : index
    %get3A_29 = arith.constant 32 : index
    %get3A_30 = vector.load %arg1[%get3A_28, %get3A_29] : memref<3128x128xf32, #tpu.memory_space<vmem>>, vector<3128x32xf32>
    %get3A_31 = arith.constant 0 : index
    %get3A_32 = arith.constant 32 : index
    %get3A_33 = vector.load %arg2[%get3A_31, %get3A_32] : memref<3128x128xf32, #tpu.memory_space<vmem>>, vector<3128x32xf32>
    %concatenate3A_34 = tpu.concatenate %get3A_30, %get3A_33 in 1 : vector<3128x32xf32>, vector<3128x32xf32> -> vector<3128x64xf32>
    %dot_general3A_35 = arith.constant dense<0.000000e+00> : vector<3128x64xf32>
    %dot_general3A_36 = tpu.matmul %concatenate3A_34, %get3A_1, %dot_general3A_35 {dimension_numbers = #tpu.dot_dimension_numbers<[1], [0], [0], [1], [0, 0, 1, 1], [], []>, transpose_lhs_hint = false} : vector<3128x64xf32>, vector<64x64xf32>, vector<3128x64xf32> -> vector<3128x64xf32>
    %get3A_37 = arith.constant 0 : index
    %get3A_38 = arith.constant 0 : index
    %get3A_39 = vector.load %arg4[%get3A_37, %get3A_38] : memref<1x64xf32, #tpu.memory_space<vmem>>, vector<1x64xf32>
    %get3A_40 = vector.shape_cast %get3A_39 : vector<1x64xf32> to vector<64xf32>
    %broadcast_in_dim3A_41 = vector.shape_cast %get3A_40 : vector<64xf32> to vector<1x64xf32>
    %add3A_42 = vector.broadcast %broadcast_in_dim3A_41 : vector<1x64xf32> to vector<3128x64xf32>
    %add3A_43 = arith.addf %dot_general3A_36, %add3A_42 : vector<3128x64xf32>
    %max3A_44 = arith.constant 0.000000e+00 : f32
    %max3A_45 = vector.broadcast %max3A_44 : f32 to vector<3128x64xf32>
    %max3A_46 = arith.maximumf %add3A_43, %max3A_45 : vector<3128x64xf32>
    %dot_general3A_47 = arith.constant dense<0.000000e+00> : vector<3128x64xf32>
    %dot_general3A_48 = tpu.matmul %max3A_46, %get3A_4, %dot_general3A_47 {dimension_numbers = #tpu.dot_dimension_numbers<[1], [0], [0], [1], [0, 0, 1, 1], [], []>, transpose_lhs_hint = false} : vector<3128x64xf32>, vector<64x64xf32>, vector<3128x64xf32> -> vector<3128x64xf32>
    %get3A_49 = arith.constant 0 : index
    %get3A_50 = arith.constant 0 : index
    %get3A_51 = vector.load %arg6[%get3A_49, %get3A_50] : memref<1x64xf32, #tpu.memory_space<vmem>>, vector<1x64xf32>
    %get3A_52 = vector.shape_cast %get3A_51 : vector<1x64xf32> to vector<64xf32>
    %broadcast_in_dim3A_53 = vector.shape_cast %get3A_52 : vector<64xf32> to vector<1x64xf32>
    %add3A_54 = vector.broadcast %broadcast_in_dim3A_53 : vector<1x64xf32> to vector<3128x64xf32>
    %add3A_55 = arith.addf %dot_general3A_48, %add3A_54 : vector<3128x64xf32>
    %get3A_56 = arith.constant 0 : index
    %get3A_57 = arith.constant 64 : index
    %get3A_58 = vector.load %arg1[%get3A_56, %get3A_57] : memref<3128x128xf32, #tpu.memory_space<vmem>>, vector<3128x32xf32>
    %get3A_59 = arith.constant 0 : index
    %get3A_60 = arith.constant 64 : index
    %get3A_61 = vector.load %arg2[%get3A_59, %get3A_60] : memref<3128x128xf32, #tpu.memory_space<vmem>>, vector<3128x32xf32>
    %concatenate3A_62 = tpu.concatenate %get3A_58, %get3A_61 in 1 : vector<3128x32xf32>, vector<3128x32xf32> -> vector<3128x64xf32>
    %dot_general3A_63 = arith.constant dense<0.000000e+00> : vector<3128x64xf32>
    %dot_general3A_64 = tpu.matmul %concatenate3A_62, %get3A_1, %dot_general3A_63 {dimension_numbers = #tpu.dot_dimension_numbers<[1], [0], [0], [1], [0, 0, 1, 1], [], []>, transpose_lhs_hint = false} : vector<3128x64xf32>, vector<64x64xf32>, vector<3128x64xf32> -> vector<3128x64xf32>
    %get3A_65 = arith.constant 0 : index
    %get3A_66 = arith.constant 0 : index
    %get3A_67 = vector.load %arg4[%get3A_65, %get3A_66] : memref<1x64xf32, #tpu.memory_space<vmem>>, vector<1x64xf32>
    %get3A_68 = vector.shape_cast %get3A_67 : vector<1x64xf32> to vector<64xf32>
    %broadcast_in_dim3A_69 = vector.shape_cast %get3A_68 : vector<64xf32> to vector<1x64xf32>
    %add3A_70 = vector.broadcast %broadcast_in_dim3A_69 : vector<1x64xf32> to vector<3128x64xf32>
    %add3A_71 = arith.addf %dot_general3A_64, %add3A_70 : vector<3128x64xf32>
    %max3A_72 = arith.constant 0.000000e+00 : f32
    %max3A_73 = vector.broadcast %max3A_72 : f32 to vector<3128x64xf32>
    %max3A_74 = arith.maximumf %add3A_71, %max3A_73 : vector<3128x64xf32>
    %dot_general3A_75 = arith.constant dense<0.000000e+00> : vector<3128x64xf32>
    %dot_general3A_76 = tpu.matmul %max3A_74, %get3A_4, %dot_general3A_75 {dimension_numbers = #tpu.dot_dimension_numbers<[1], [0], [0], [1], [0, 0, 1, 1], [], []>, transpose_lhs_hint = false} : vector<3128x64xf32>, vector<64x64xf32>, vector<3128x64xf32> -> vector<3128x64xf32>
    %get3A_77 = arith.constant 0 : index
    %get3A_78 = arith.constant 0 : index
    %get3A_79 = vector.load %arg6[%get3A_77, %get3A_78] : memref<1x64xf32, #tpu.memory_space<vmem>>, vector<1x64xf32>
    %get3A_80 = vector.shape_cast %get3A_79 : vector<1x64xf32> to vector<64xf32>
    %broadcast_in_dim3A_81 = vector.shape_cast %get3A_80 : vector<64xf32> to vector<1x64xf32>
    %add3A_82 = vector.broadcast %broadcast_in_dim3A_81 : vector<1x64xf32> to vector<3128x64xf32>
    %add3A_83 = arith.addf %dot_general3A_76, %add3A_82 : vector<3128x64xf32>
    %get3A_84 = arith.constant 0 : index
    %get3A_85 = arith.constant 96 : index
    %get3A_86 = vector.load %arg1[%get3A_84, %get3A_85] : memref<3128x128xf32, #tpu.memory_space<vmem>>, vector<3128x32xf32>
    %get3A_87 = arith.constant 0 : index
    %get3A_88 = arith.constant 96 : index
    %get3A_89 = vector.load %arg2[%get3A_87, %get3A_88] : memref<3128x128xf32, #tpu.memory_space<vmem>>, vector<3128x32xf32>
    %concatenate3A_90 = tpu.concatenate %get3A_86, %get3A_89 in 1 : vector<3128x32xf32>, vector<3128x32xf32> -> vector<3128x64xf32>
    %dot_general3A_91 = arith.constant dense<0.000000e+00> : vector<3128x64xf32>
    %dot_general3A_92 = tpu.matmul %concatenate3A_90, %get3A_1, %dot_general3A_91 {dimension_numbers = #tpu.dot_dimension_numbers<[1], [0], [0], [1], [0, 0, 1, 1], [], []>, transpose_lhs_hint = false} : vector<3128x64xf32>, vector<64x64xf32>, vector<3128x64xf32> -> vector<3128x64xf32>
    %get3A_93 = arith.constant 0 : index
    %get3A_94 = arith.constant 0 : index
    %get3A_95 = vector.load %arg4[%get3A_93, %get3A_94] : memref<1x64xf32, #tpu.memory_space<vmem>>, vector<1x64xf32>
    %get3A_96 = vector.shape_cast %get3A_95 : vector<1x64xf32> to vector<64xf32>
    %broadcast_in_dim3A_97 = vector.shape_cast %get3A_96 : vector<64xf32> to vector<1x64xf32>
    %add3A_98 = vector.broadcast %broadcast_in_dim3A_97 : vector<1x64xf32> to vector<3128x64xf32>
    %add3A_99 = arith.addf %dot_general3A_92, %add3A_98 : vector<3128x64xf32>
    %max3A_100 = arith.constant 0.000000e+00 : f32
    %max3A_101 = vector.broadcast %max3A_100 : f32 to vector<3128x64xf32>
    %max3A_102 = arith.maximumf %add3A_99, %max3A_101 : vector<3128x64xf32>
    %dot_general3A_103 = arith.constant dense<0.000000e+00> : vector<3128x64xf32>
    %dot_general3A_104 = tpu.matmul %max3A_102, %get3A_4, %dot_general3A_103 {dimension_numbers = #tpu.dot_dimension_numbers<[1], [0], [0], [1], [0, 0, 1, 1], [], []>, transpose_lhs_hint = false} : vector<3128x64xf32>, vector<64x64xf32>, vector<3128x64xf32> -> vector<3128x64xf32>
    %get3A_105 = arith.constant 0 : index
    %get3A_106 = arith.constant 0 : index
    %get3A_107 = vector.load %arg6[%get3A_105, %get3A_106] : memref<1x64xf32, #tpu.memory_space<vmem>>, vector<1x64xf32>
    %get3A_108 = vector.shape_cast %get3A_107 : vector<1x64xf32> to vector<64xf32>
    %broadcast_in_dim3A_109 = vector.shape_cast %get3A_108 : vector<64xf32> to vector<1x64xf32>
    %add3A_110 = vector.broadcast %broadcast_in_dim3A_109 : vector<1x64xf32> to vector<3128x64xf32>
    %add3A_111 = arith.addf %dot_general3A_104, %add3A_110 : vector<3128x64xf32>
    %concatenate3A_112 = tpu.concatenate %add3A_27, %add3A_55, %add3A_83, %add3A_111 in 1 : vector<3128x64xf32>, vector<3128x64xf32>, vector<3128x64xf32>, vector<3128x64xf32> -> vector<3128x256xf32>
    %swap3A = arith.constant 0 : index
    %swap3A_113 = arith.constant 0 : index
    %swap3A_114 = vector.load %arg7[%swap3A, %swap3A_113] : memref<3128x256xf32, #tpu.memory_space<vmem>>, vector<3128x256xf32>
    tpu.vector_store %arg7[%swap3A, %swap3A_113], %concatenate3A_112 {strides = array<i32>} : memref<3128x256xf32, #tpu.memory_space<vmem>>, vector<3128x256xf32>,
    %mul3A = arith.constant 3128 : i32
    %mul3A_115 = arith.muli %arg0, %mul3A : i32
    %iota3A = tpu.iota {dimensions = array<i32: 0>} : vector<3128x1xi32>
    %add3A_116 = vector.broadcast %mul3A_115 : i32 to vector<3128x1xi32>
    %add3A_117 = arith.addi %add3A_116, %iota3A : vector<3128x1xi32>
    %lt3A = arith.constant 12500 : i32
    %lt3A_118 = vector.broadcast %lt3A : i32 to vector<3128x1xi32>
    %lt3A_119 = arith.cmpi slt, %add3A_117, %lt3A_118 : vector<3128x1xi32>
    %jit3A = arith.constant 0.000000e+00 : f32
    %broadcast_in_dim3A_120 = vector.shape_cast %lt3A_119 : vector<3128x1xi1> to vector<3128x1xi1>
    %broadcast_in_dim3A_121 = vector.broadcast %broadcast_in_dim3A_120 : vector<3128x1xi1> to vector<3128x256xi1>
    %broadcast_in_dim3A_122 = vector.broadcast %jit3A : f32 to vector<3128x256xf32>
    %select_n3A = arith.select %broadcast_in_dim3A_121, %concatenate3A_112, %broadcast_in_dim3A_122 : vector<3128x256xi1>, vector<3128x256xf32>
    %reduce_sum3A = arith.constant dense<0.000000e+00> : vector<256xf32>
    %reduce_sum3A_123 = vector.multi_reduction <add>, %select_n3A, %reduce_sum3A [0] : vector<3128x256xf32> to vector<256xf32>
    %mul3A_124 = arith.mulf %select_n3A, %select_n3A : vector<3128x256xf32>
    %reduce_sum3A_125 = arith.constant dense<0.000000e+00> : vector<256xf32>
    %reduce_sum3A_126 = vector.multi_reduction <add>, %mul3A_124, %reduce_sum3A_125 [0] : vector<3128x256xf32> to vector<256xf32>
    %slice3A = vector.extract_strided_slice %reduce_sum3A_123 {offsets = [0], sizes = [64], strides = [1]} : vector<256xf32> to vector<64xf32>
    %slice3A_127 = vector.extract_strided_slice %reduce_sum3A_123 {offsets = [64], sizes = [64], strides = [1]} : vector<256xf32> to vector<64xf32>
    %add3A_128 = arith.addf %slice3A, %slice3A_127 : vector<64xf32>
    %slice3A_129 = vector.extract_strided_slice %reduce_sum3A_123 {offsets = [128], sizes = [64], strides = [1]} : vector<256xf32> to vector<64xf32>
    %add3A_130 = arith.addf %add3A_128, %slice3A_129 : vector<64xf32>
    %slice3A_131 = vector.extract_strided_slice %reduce_sum3A_123 {offsets = [192], sizes = [64], strides = [1]} : vector<256xf32> to vector<64xf32>
    %add3A_132 = arith.addf %add3A_130, %slice3A_131 : vector<64xf32>
    %slice3A_133 = vector.extract_strided_slice %reduce_sum3A_126 {offsets = [0], sizes = [64], strides = [1]} : vector<256xf32> to vector<64xf32>
    %slice3A_134 = vector.extract_strided_slice %reduce_sum3A_126 {offsets = [64], sizes = [64], strides = [1]} : vector<256xf32> to vector<64xf32>
    %add3A_135 = arith.addf %slice3A_133, %slice3A_134 : vector<64xf32>
    %slice3A_136 = vector.extract_strided_slice %reduce_sum3A_126 {offsets = [128], sizes = [64], strides = [1]} : vector<256xf32> to vector<64xf32>
    %add3A_137 = arith.addf %add3A_135, %slice3A_136 : vector<64xf32>
    %slice3A_138 = vector.extract_strided_slice %reduce_sum3A_126 {offsets = [192], sizes = [64], strides = [1]} : vector<256xf32> to vector<64xf32>
    %add3A_139 = arith.addf %add3A_137, %slice3A_138 : vector<64xf32>
    %broadcast_in_dim3A_140 = vector.shape_cast %add3A_132 : vector<64xf32> to vector<1x64xf32>
    %broadcast_in_dim3A_141 = vector.shape_cast %add3A_139 : vector<64xf32> to vector<1x64xf32>
    %concatenate3A_142 = tpu.concatenate %broadcast_in_dim3A_140, %broadcast_in_dim3A_141 in 0 : vector<1x64xf32>, vector<1x64xf32> -> vector<2x64xf32>
    %eq3A = arith.constant 0 : i32
    %eq3A_143 = arith.cmpi eq, %arg0, %eq3A : i32
    %broadcast_in_dim3A_144 = arith.constant 0.000000e+00 : f32
    %broadcast_in_dim3A_145 = vector.broadcast %broadcast_in_dim3A_144 : f32 to vector<2x64xf32>
    %get3A_146 = arith.constant 0 : index
    %get3A_147 = arith.constant 0 : index
    %get3A_148 = vector.load %arg9[%get3A_146, %get3A_147] : memref<2x64xf32, #tpu.memory_space<vmem>>, vector<2x64xf32>
    %select_n3A_149 = arith.select %eq3A_143, %broadcast_in_dim3A_145, %get3A_148 : vector<2x64xf32>
    %add3A_150 = arith.addf %select_n3A_149, %concatenate3A_142 : vector<2x64xf32>
    %swap3A_151 = arith.constant 0 : index
    %swap3A_152 = arith.constant 0 : index
    %swap3A_153 = vector.load %arg9[%swap3A_151, %swap3A_152] : memref<2x64xf32, #tpu.memory_space<vmem>>, vector<2x64xf32>
    tpu.vector_store %arg9[%swap3A_151, %swap3A_152], %add3A_150 {strides = array<i32>} : memref<2x64xf32, #tpu.memory_space<vmem>>, vector<2x64xf32>,
    %eq3A_154 = arith.constant 3 : i32
    %eq3A_155 = arith.cmpi eq, %arg0, %eq3A_154 : i32
    %convert_element_type3A = arith.extui %eq3A_155 : i1 to i32
    %cond3A = arith.constant 0 : i32
    %cond3A_156 = arith.cmpi ne, %convert_element_type3A, %cond3A : i32
    scf.if %cond3A_156 {
      %get3A_157 = arith.constant 0 : index
      %get3A_158 = arith.constant 0 : index
      %get3A_159 = vector.load %arg9[%get3A_157, %get3A_158] : memref<2x64xf32, #tpu.memory_space<vmem>>, vector<2x64xf32>
      %swap3A_160 = arith.constant 0 : index
      %swap3A_161 = arith.constant 0 : index
      %swap3A_162 = vector.load %arg8[%swap3A_160, %swap3A_161] : memref<2x64xf32, #tpu.memory_space<vmem>>, vector<2x64xf32>
      tpu.vector_store %arg8[%swap3A_160, %swap3A_161], %get3A_159 {strides = array<i32>} : memref<2x64xf32, #tpu.memory_space<vmem>>, vector<2x64xf32>,
    } else {
    }
    return
  }
  func.func @transform_0(%arg0: i32) -> (i32, i32) {
    %c0_i32 = arith.constant 0 : i32
    %c0_i32_0 = arith.constant 0 : i32
    return %arg0, %c0_i32 : i32, i32
  }
  func.func @transform_1(%arg0: i32) -> (i32, i32) {
    %add3A = arith.constant 4 : i32
    %add3A_0 = arith.addi %arg0, %add3A : i32
    %c0_i32 = arith.constant 0 : i32
    %c0_i32_1 = arith.constant 0 : i32
    return %add3A_0, %c0_i32 : i32, i32
  }
  func.func @transform_2(%arg0: i32) -> (i32, i32) {
    %c0_i32 = arith.constant 0 : i32
    %c0_i32_0 = arith.constant 0 : i32
    %c0_i32_1 = arith.constant 0 : i32
    return %c0_i32, %c0_i32_0 : i32, i32
  }
  func.func @transform_3(%arg0: i32) -> (i32, i32) {
    %c0_i32 = arith.constant 0 : i32
    %c0_i32_0 = arith.constant 0 : i32
    %c0_i32_1 = arith.constant 0 : i32
    return %c0_i32, %c0_i32_0 : i32, i32
  }
  func.func @transform_4(%arg0: i32) -> (i32, i32) {
    %c0_i32 = arith.constant 0 : i32
    %c0_i32_0 = arith.constant 0 : i32
    %c0_i32_1 = arith.constant 0 : i32
    return %c0_i32, %c0_i32_0 : i32, i32
  }
  func.func @transform_5(%arg0: i32) -> (i32, i32) {
    %c0_i32 = arith.constant 0 : i32
    %c0_i32_0 = arith.constant 0 : i32
    %c0_i32_1 = arith.constant 0 : i32
    return %c0_i32, %c0_i32_0 : i32, i32
  }
  func.func @transform_6(%arg0: i32) -> (i32, i32) {
    %c0_i32 = arith.constant 0 : i32
    %c0_i32_0 = arith.constant 0 : i32
    return %arg0, %c0_i32 : i32, i32
  }
  func.func @transform_7(%arg0: i32) -> (i32, i32) {
    %c0_i32 = arith.constant 0 : i32
    %c0_i32_0 = arith.constant 0 : i32
    %c0_i32_1 = arith.constant 0 : i32
    return %c0_i32, %c0_i32_0 : i32, i32
  }
}

module attributes {stable_mosaic.version = 14 : i64} {
  func.func @body(%arg0: i32, %arg1: memref<3128x256xf32, #tpu.memory_space<vmem>>, %arg2: memref<2x64xf32, #tpu.memory_space<vmem>>, %arg3: memref<1x64xf32, #tpu.memory_space<vmem>>, %arg4: memref<1x64xf32, #tpu.memory_space<vmem>>, %arg5: memref<2x3128x128xf32, #tpu.memory_space<vmem>>) attributes {dimension_semantics = [#tpu.dimension_semantics<arbitrary>], iteration_bounds = array<i64: 4>, scalar_prefetch = 0 : i64, scratch_operands = 0 : i64, tpu.core_type = #tpu.core_type<tc>, window_params = [{transform_indices = @transform_0, window_bounds = array<i64: 3128, 256>}, {pipeline_mode = #tpu.pipeline_mode<synchronous>, transform_indices = @transform_1, window_bounds = array<i64: 2, 64>}, {pipeline_mode = #tpu.pipeline_mode<synchronous>, transform_indices = @transform_2, window_bounds = array<i64: 1, 64>}, {pipeline_mode = #tpu.pipeline_mode<synchronous>, transform_indices = @transform_3, window_bounds = array<i64: 1, 64>}, {transform_indices = @transform_4, window_bounds = array<i64: 2, 3128, 128>}]} {
    %get3A = arith.constant 0 : index
    %get3A_0 = arith.constant 0 : index
    %get3A_1 = vector.load %arg2[%get3A, %get3A_0] : memref<2x64xf32, #tpu.memory_space<vmem>>, vector<1x64xf32>
    %get3A_2 = vector.shape_cast %get3A_1 : vector<1x64xf32> to vector<64xf32>
    %mul3A = arith.constant 2.000000e-05 : f32
    %mul3A_3 = vector.broadcast %mul3A : f32 to vector<64xf32>
    %mul3A_4 = arith.mulf %get3A_2, %mul3A_3 : vector<64xf32>
    %get3A_5 = arith.constant 1 : index
    %get3A_6 = arith.constant 0 : index
    %get3A_7 = vector.load %arg2[%get3A_5, %get3A_6] : memref<2x64xf32, #tpu.memory_space<vmem>>, vector<1x64xf32>
    %get3A_8 = vector.shape_cast %get3A_7 : vector<1x64xf32> to vector<64xf32>
    %mul3A_9 = arith.constant 2.000000e-05 : f32
    %mul3A_10 = vector.broadcast %mul3A_9 : f32 to vector<64xf32>
    %mul3A_11 = arith.mulf %get3A_8, %mul3A_10 : vector<64xf32>
    %mul3A_12 = arith.mulf %mul3A_4, %mul3A_4 : vector<64xf32>
    %sub3A = arith.subf %mul3A_11, %mul3A_12 : vector<64xf32>
    %get3A_13 = arith.constant 0 : index
    %get3A_14 = arith.constant 0 : index
    %get3A_15 = vector.load %arg3[%get3A_13, %get3A_14] : memref<1x64xf32, #tpu.memory_space<vmem>>, vector<1x64xf32>
    %get3A_16 = vector.shape_cast %get3A_15 : vector<1x64xf32> to vector<64xf32>
    %add3A = arith.constant 9.99999974E-6 : f32
    %add3A_17 = vector.broadcast %add3A : f32 to vector<64xf32>
    %add3A_18 = arith.addf %sub3A, %add3A_17 : vector<64xf32>
    %rsqrt3A = math.rsqrt %add3A_18 : vector<64xf32>
    %mul3A_19 = arith.mulf %get3A_16, %rsqrt3A : vector<64xf32>
    %get3A_20 = arith.constant 0 : index
    %get3A_21 = arith.constant 0 : index
    %get3A_22 = vector.load %arg4[%get3A_20, %get3A_21] : memref<1x64xf32, #tpu.memory_space<vmem>>, vector<1x64xf32>
    %get3A_23 = vector.shape_cast %get3A_22 : vector<1x64xf32> to vector<64xf32>
    %mul3A_24 = arith.mulf %mul3A_4, %mul3A_19 : vector<64xf32>
    %sub3A_25 = arith.subf %get3A_23, %mul3A_24 : vector<64xf32>
    %concatenate3A = tpu.concatenate %mul3A_19, %mul3A_19, %mul3A_19, %mul3A_19 in 0 : vector<64xf32>, vector<64xf32>, vector<64xf32>, vector<64xf32> -> vector<256xf32>
    %concatenate3A_26 = tpu.concatenate %sub3A_25, %sub3A_25, %sub3A_25, %sub3A_25 in 0 : vector<64xf32>, vector<64xf32>, vector<64xf32>, vector<64xf32> -> vector<256xf32>
    %get3A_27 = arith.constant 0 : index
    %get3A_28 = arith.constant 0 : index
    %get3A_29 = vector.load %arg1[%get3A_27, %get3A_28] : memref<3128x256xf32, #tpu.memory_space<vmem>>, vector<3128x256xf32>
    %broadcast_in_dim3A = vector.shape_cast %concatenate3A : vector<256xf32> to vector<1x256xf32>
    %mul3A_30 = vector.broadcast %broadcast_in_dim3A : vector<1x256xf32> to vector<3128x256xf32>
    %mul3A_31 = arith.mulf %get3A_29, %mul3A_30 : vector<3128x256xf32>
    %broadcast_in_dim3A_32 = vector.shape_cast %concatenate3A_26 : vector<256xf32> to vector<1x256xf32>
    %add3A_33 = vector.broadcast %broadcast_in_dim3A_32 : vector<1x256xf32> to vector<3128x256xf32>
    %add3A_34 = arith.addf %mul3A_31, %add3A_33 : vector<3128x256xf32>
    %max3A = arith.constant 0.000000e+00 : f32
    %max3A_35 = vector.broadcast %max3A : f32 to vector<3128x256xf32>
    %max3A_36 = arith.maximumf %add3A_34, %max3A_35 : vector<3128x256xf32>
    %slice3A = vector.extract_strided_slice %max3A_36 {offsets = [0, 0], sizes = [3128, 32], strides = [1, 1]} : vector<3128x256xf32> to vector<3128x32xf32>
    %slice3A_37 = vector.extract_strided_slice %max3A_36 {offsets = [0, 64], sizes = [3128, 32], strides = [1, 1]} : vector<3128x256xf32> to vector<3128x32xf32>
    %slice3A_38 = vector.extract_strided_slice %max3A_36 {offsets = [0, 128], sizes = [3128, 32], strides = [1, 1]} : vector<3128x256xf32> to vector<3128x32xf32>
    %slice3A_39 = vector.extract_strided_slice %max3A_36 {offsets = [0, 192], sizes = [3128, 32], strides = [1, 1]} : vector<3128x256xf32> to vector<3128x32xf32>
    %concatenate3A_40 = tpu.concatenate %slice3A, %slice3A_37, %slice3A_38, %slice3A_39 in 1 : vector<3128x32xf32>, vector<3128x32xf32>, vector<3128x32xf32>, vector<3128x32xf32> -> vector<3128x128xf32>
    %swap3A = arith.constant 0 : index
    %swap3A_41 = arith.constant 0 : index
    %swap3A_42 = arith.constant 0 : index
    %swap3A_43 = vector.load %arg5[%swap3A, %swap3A_41, %swap3A_42] : memref<2x3128x128xf32, #tpu.memory_space<vmem>>, vector<1x3128x128xf32>
    %swap3A_44 = vector.shape_cast %swap3A_43 : vector<1x3128x128xf32> to vector<3128x128xf32>
    %swap3A_45 = vector.shape_cast %concatenate3A_40 : vector<3128x128xf32> to vector<1x3128x128xf32>
    tpu.vector_store %arg5[%swap3A, %swap3A_41, %swap3A_42], %swap3A_45 {strides = array<i32>} : memref<2x3128x128xf32, #tpu.memory_space<vmem>>, vector<1x3128x128xf32>,
    %slice3A_46 = vector.extract_strided_slice %max3A_36 {offsets = [0, 32], sizes = [3128, 32], strides = [1, 1]} : vector<3128x256xf32> to vector<3128x32xf32>
    %slice3A_47 = vector.extract_strided_slice %max3A_36 {offsets = [0, 96], sizes = [3128, 32], strides = [1, 1]} : vector<3128x256xf32> to vector<3128x32xf32>
    %slice3A_48 = vector.extract_strided_slice %max3A_36 {offsets = [0, 160], sizes = [3128, 32], strides = [1, 1]} : vector<3128x256xf32> to vector<3128x32xf32>
    %slice3A_49 = vector.extract_strided_slice %max3A_36 {offsets = [0, 224], sizes = [3128, 32], strides = [1, 1]} : vector<3128x256xf32> to vector<3128x32xf32>
    %concatenate3A_50 = tpu.concatenate %slice3A_46, %slice3A_47, %slice3A_48, %slice3A_49 in 1 : vector<3128x32xf32>, vector<3128x32xf32>, vector<3128x32xf32>, vector<3128x32xf32> -> vector<3128x128xf32>
    %swap3A_51 = arith.constant 1 : index
    %swap3A_52 = arith.constant 0 : index
    %swap3A_53 = arith.constant 0 : index
    %swap3A_54 = vector.load %arg5[%swap3A_51, %swap3A_52, %swap3A_53] : memref<2x3128x128xf32, #tpu.memory_space<vmem>>, vector<1x3128x128xf32>
    %swap3A_55 = vector.shape_cast %swap3A_54 : vector<1x3128x128xf32> to vector<3128x128xf32>
    %swap3A_56 = vector.shape_cast %concatenate3A_50 : vector<3128x128xf32> to vector<1x3128x128xf32>
    tpu.vector_store %arg5[%swap3A_51, %swap3A_52, %swap3A_53], %swap3A_56 {strides = array<i32>} : memref<2x3128x128xf32, #tpu.memory_space<vmem>>, vector<1x3128x128xf32>,
    return
  }
  func.func @transform_0(%arg0: i32) -> (i32, i32) {
    %c0_i32 = arith.constant 0 : i32
    %c0_i32_0 = arith.constant 0 : i32
    return %arg0, %c0_i32 : i32, i32
  }
  func.func @transform_1(%arg0: i32) -> (i32, i32) {
    %c0_i32 = arith.constant 0 : i32
    %c0_i32_0 = arith.constant 0 : i32
    %c0_i32_1 = arith.constant 0 : i32
    return %c0_i32, %c0_i32_0 : i32, i32
  }
  func.func @transform_2(%arg0: i32) -> (i32, i32) {
    %c0_i32 = arith.constant 0 : i32
    %c0_i32_0 = arith.constant 0 : i32
    %c0_i32_1 = arith.constant 0 : i32
    return %c0_i32, %c0_i32_0 : i32, i32
  }
  func.func @transform_3(%arg0: i32) -> (i32, i32) {
    %c0_i32 = arith.constant 0 : i32
    %c0_i32_0 = arith.constant 0 : i32
    %c0_i32_1 = arith.constant 0 : i32
    return %c0_i32, %c0_i32_0 : i32, i32
  }
  func.func @transform_4(%arg0: i32) -> (i32, i32, i32) {
    %c0_i32 = arith.constant 0 : i32
    %c0_i32_0 = arith.constant 0 : i32
    %c0_i32_1 = arith.constant 0 : i32
    return %c0_i32, %arg0, %c0_i32_0 : i32, i32, i32
  }
}

module attributes {stable_mosaic.version = 14 : i64} {
  func.func @body(%arg0: i32, %arg1: memref<3128x128xf32, #tpu.memory_space<vmem>>, %arg2: memref<3128x128xf32, #tpu.memory_space<vmem>>, %arg3: memref<64x64xf32, #tpu.memory_space<vmem>>, %arg4: memref<1x64xf32, #tpu.memory_space<vmem>>, %arg5: memref<64x32xf32, #tpu.memory_space<vmem>>, %arg6: memref<1x32xf32, #tpu.memory_space<vmem>>, %arg7: memref<3128x128xf32, #tpu.memory_space<vmem>>, %arg8: memref<2x32xf32, #tpu.memory_space<vmem>>, %arg9: memref<2x32xf32, #tpu.memory_space<vmem>>) attributes {dimension_semantics = [#tpu.dimension_semantics<arbitrary>], iteration_bounds = array<i64: 4>, scalar_prefetch = 0 : i64, scratch_operands = 1 : i64, tpu.core_type = #tpu.core_type<tc>, window_params = [{transform_indices = @transform_0, window_bounds = array<i64: 3128, 128>}, {transform_indices = @transform_1, window_bounds = array<i64: 3128, 128>}, {pipeline_mode = #tpu.pipeline_mode<synchronous>, transform_indices = @transform_2, window_bounds = array<i64: 64, 64>}, {pipeline_mode = #tpu.pipeline_mode<synchronous>, transform_indices = @transform_3, window_bounds = array<i64: 1, 64>}, {pipeline_mode = #tpu.pipeline_mode<synchronous>, transform_indices = @transform_4, window_bounds = array<i64: 64, 32>}, {pipeline_mode = #tpu.pipeline_mode<synchronous>, transform_indices = @transform_5, window_bounds = array<i64: 1, 32>}, {transform_indices = @transform_6, window_bounds = array<i64: 3128, 128>}, {pipeline_mode = #tpu.pipeline_mode<synchronous>, transform_indices = @transform_7, window_bounds = array<i64: 2, 32>}]} {
    %get3A = arith.constant 0 : index
    %get3A_0 = arith.constant 0 : index
    %get3A_1 = vector.load %arg3[%get3A, %get3A_0] : memref<64x64xf32, #tpu.memory_space<vmem>>, vector<64x64xf32>
    %get3A_2 = arith.constant 0 : index
    %get3A_3 = arith.constant 0 : index
    %get3A_4 = vector.load %arg5[%get3A_2, %get3A_3] : memref<64x32xf32, #tpu.memory_space<vmem>>, vector<64x32xf32>
    %get3A_5 = arith.constant 0 : index
    %get3A_6 = arith.constant 0 : index
    %get3A_7 = vector.load %arg1[%get3A_5, %get3A_6] : memref<3128x128xf32, #tpu.memory_space<vmem>>, vector<3128x32xf32>
    %get3A_8 = arith.constant 0 : index
    %get3A_9 = arith.constant 0 : index
    %get3A_10 = vector.load %arg2[%get3A_8, %get3A_9] : memref<3128x128xf32, #tpu.memory_space<vmem>>, vector<3128x32xf32>
    %concatenate3A = tpu.concatenate %get3A_7, %get3A_10 in 1 : vector<3128x32xf32>, vector<3128x32xf32> -> vector<3128x64xf32>
    %dot_general3A = arith.constant dense<0.000000e+00> : vector<3128x64xf32>
    %dot_general3A_11 = tpu.matmul %concatenate3A, %get3A_1, %dot_general3A {dimension_numbers = #tpu.dot_dimension_numbers<[1], [0], [0], [1], [0, 0, 1, 1], [], []>, transpose_lhs_hint = false} : vector<3128x64xf32>, vector<64x64xf32>, vector<3128x64xf32> -> vector<3128x64xf32>
    %get3A_12 = arith.constant 0 : index
    %get3A_13 = arith.constant 0 : index
    %get3A_14 = vector.load %arg4[%get3A_12, %get3A_13] : memref<1x64xf32, #tpu.memory_space<vmem>>, vector<1x64xf32>
    %get3A_15 = vector.shape_cast %get3A_14 : vector<1x64xf32> to vector<64xf32>
    %broadcast_in_dim3A = vector.shape_cast %get3A_15 : vector<64xf32> to vector<1x64xf32>
    %add3A = vector.broadcast %broadcast_in_dim3A : vector<1x64xf32> to vector<3128x64xf32>
    %add3A_16 = arith.addf %dot_general3A_11, %add3A : vector<3128x64xf32>
    %max3A = arith.constant 0.000000e+00 : f32
    %max3A_17 = vector.broadcast %max3A : f32 to vector<3128x64xf32>
    %max3A_18 = arith.maximumf %add3A_16, %max3A_17 : vector<3128x64xf32>
    %dot_general3A_19 = arith.constant dense<0.000000e+00> : vector<3128x32xf32>
    %dot_general3A_20 = tpu.matmul %max3A_18, %get3A_4, %dot_general3A_19 {dimension_numbers = #tpu.dot_dimension_numbers<[1], [0], [0], [1], [0, 0, 1, 1], [], []>, transpose_lhs_hint = false} : vector<3128x64xf32>, vector<64x32xf32>, vector<3128x32xf32> -> vector<3128x32xf32>
    %get3A_21 = arith.constant 0 : index
    %get3A_22 = arith.constant 0 : index
    %get3A_23 = vector.load %arg6[%get3A_21, %get3A_22] : memref<1x32xf32, #tpu.memory_space<vmem>>, vector<1x32xf32>
    %get3A_24 = vector.shape_cast %get3A_23 : vector<1x32xf32> to vector<32xf32>
    %broadcast_in_dim3A_25 = vector.shape_cast %get3A_24 : vector<32xf32> to vector<1x32xf32>
    %add3A_26 = vector.broadcast %broadcast_in_dim3A_25 : vector<1x32xf32> to vector<3128x32xf32>
    %add3A_27 = arith.addf %dot_general3A_20, %add3A_26 : vector<3128x32xf32>
    %get3A_28 = arith.constant 0 : index
    %get3A_29 = arith.constant 32 : index
    %get3A_30 = vector.load %arg1[%get3A_28, %get3A_29] : memref<3128x128xf32, #tpu.memory_space<vmem>>, vector<3128x32xf32>
    %get3A_31 = arith.constant 0 : index
    %get3A_32 = arith.constant 32 : index
    %get3A_33 = vector.load %arg2[%get3A_31, %get3A_32] : memref<3128x128xf32, #tpu.memory_space<vmem>>, vector<3128x32xf32>
    %concatenate3A_34 = tpu.concatenate %get3A_30, %get3A_33 in 1 : vector<3128x32xf32>, vector<3128x32xf32> -> vector<3128x64xf32>
    %dot_general3A_35 = arith.constant dense<0.000000e+00> : vector<3128x64xf32>
    %dot_general3A_36 = tpu.matmul %concatenate3A_34, %get3A_1, %dot_general3A_35 {dimension_numbers = #tpu.dot_dimension_numbers<[1], [0], [0], [1], [0, 0, 1, 1], [], []>, transpose_lhs_hint = false} : vector<3128x64xf32>, vector<64x64xf32>, vector<3128x64xf32> -> vector<3128x64xf32>
    %get3A_37 = arith.constant 0 : index
    %get3A_38 = arith.constant 0 : index
    %get3A_39 = vector.load %arg4[%get3A_37, %get3A_38] : memref<1x64xf32, #tpu.memory_space<vmem>>, vector<1x64xf32>
    %get3A_40 = vector.shape_cast %get3A_39 : vector<1x64xf32> to vector<64xf32>
    %broadcast_in_dim3A_41 = vector.shape_cast %get3A_40 : vector<64xf32> to vector<1x64xf32>
    %add3A_42 = vector.broadcast %broadcast_in_dim3A_41 : vector<1x64xf32> to vector<3128x64xf32>
    %add3A_43 = arith.addf %dot_general3A_36, %add3A_42 : vector<3128x64xf32>
    %max3A_44 = arith.constant 0.000000e+00 : f32
    %max3A_45 = vector.broadcast %max3A_44 : f32 to vector<3128x64xf32>
    %max3A_46 = arith.maximumf %add3A_43, %max3A_45 : vector<3128x64xf32>
    %dot_general3A_47 = arith.constant dense<0.000000e+00> : vector<3128x32xf32>
    %dot_general3A_48 = tpu.matmul %max3A_46, %get3A_4, %dot_general3A_47 {dimension_numbers = #tpu.dot_dimension_numbers<[1], [0], [0], [1], [0, 0, 1, 1], [], []>, transpose_lhs_hint = false} : vector<3128x64xf32>, vector<64x32xf32>, vector<3128x32xf32> -> vector<3128x32xf32>
    %get3A_49 = arith.constant 0 : index
    %get3A_50 = arith.constant 0 : index
    %get3A_51 = vector.load %arg6[%get3A_49, %get3A_50] : memref<1x32xf32, #tpu.memory_space<vmem>>, vector<1x32xf32>
    %get3A_52 = vector.shape_cast %get3A_51 : vector<1x32xf32> to vector<32xf32>
    %broadcast_in_dim3A_53 = vector.shape_cast %get3A_52 : vector<32xf32> to vector<1x32xf32>
    %add3A_54 = vector.broadcast %broadcast_in_dim3A_53 : vector<1x32xf32> to vector<3128x32xf32>
    %add3A_55 = arith.addf %dot_general3A_48, %add3A_54 : vector<3128x32xf32>
    %get3A_56 = arith.constant 0 : index
    %get3A_57 = arith.constant 64 : index
    %get3A_58 = vector.load %arg1[%get3A_56, %get3A_57] : memref<3128x128xf32, #tpu.memory_space<vmem>>, vector<3128x32xf32>
    %get3A_59 = arith.constant 0 : index
    %get3A_60 = arith.constant 64 : index
    %get3A_61 = vector.load %arg2[%get3A_59, %get3A_60] : memref<3128x128xf32, #tpu.memory_space<vmem>>, vector<3128x32xf32>
    %concatenate3A_62 = tpu.concatenate %get3A_58, %get3A_61 in 1 : vector<3128x32xf32>, vector<3128x32xf32> -> vector<3128x64xf32>
    %dot_general3A_63 = arith.constant dense<0.000000e+00> : vector<3128x64xf32>
    %dot_general3A_64 = tpu.matmul %concatenate3A_62, %get3A_1, %dot_general3A_63 {dimension_numbers = #tpu.dot_dimension_numbers<[1], [0], [0], [1], [0, 0, 1, 1], [], []>, transpose_lhs_hint = false} : vector<3128x64xf32>, vector<64x64xf32>, vector<3128x64xf32> -> vector<3128x64xf32>
    %get3A_65 = arith.constant 0 : index
    %get3A_66 = arith.constant 0 : index
    %get3A_67 = vector.load %arg4[%get3A_65, %get3A_66] : memref<1x64xf32, #tpu.memory_space<vmem>>, vector<1x64xf32>
    %get3A_68 = vector.shape_cast %get3A_67 : vector<1x64xf32> to vector<64xf32>
    %broadcast_in_dim3A_69 = vector.shape_cast %get3A_68 : vector<64xf32> to vector<1x64xf32>
    %add3A_70 = vector.broadcast %broadcast_in_dim3A_69 : vector<1x64xf32> to vector<3128x64xf32>
    %add3A_71 = arith.addf %dot_general3A_64, %add3A_70 : vector<3128x64xf32>
    %max3A_72 = arith.constant 0.000000e+00 : f32
    %max3A_73 = vector.broadcast %max3A_72 : f32 to vector<3128x64xf32>
    %max3A_74 = arith.maximumf %add3A_71, %max3A_73 : vector<3128x64xf32>
    %dot_general3A_75 = arith.constant dense<0.000000e+00> : vector<3128x32xf32>
    %dot_general3A_76 = tpu.matmul %max3A_74, %get3A_4, %dot_general3A_75 {dimension_numbers = #tpu.dot_dimension_numbers<[1], [0], [0], [1], [0, 0, 1, 1], [], []>, transpose_lhs_hint = false} : vector<3128x64xf32>, vector<64x32xf32>, vector<3128x32xf32> -> vector<3128x32xf32>
    %get3A_77 = arith.constant 0 : index
    %get3A_78 = arith.constant 0 : index
    %get3A_79 = vector.load %arg6[%get3A_77, %get3A_78] : memref<1x32xf32, #tpu.memory_space<vmem>>, vector<1x32xf32>
    %get3A_80 = vector.shape_cast %get3A_79 : vector<1x32xf32> to vector<32xf32>
    %broadcast_in_dim3A_81 = vector.shape_cast %get3A_80 : vector<32xf32> to vector<1x32xf32>
    %add3A_82 = vector.broadcast %broadcast_in_dim3A_81 : vector<1x32xf32> to vector<3128x32xf32>
    %add3A_83 = arith.addf %dot_general3A_76, %add3A_82 : vector<3128x32xf32>
    %get3A_84 = arith.constant 0 : index
    %get3A_85 = arith.constant 96 : index
    %get3A_86 = vector.load %arg1[%get3A_84, %get3A_85] : memref<3128x128xf32, #tpu.memory_space<vmem>>, vector<3128x32xf32>
    %get3A_87 = arith.constant 0 : index
    %get3A_88 = arith.constant 96 : index
    %get3A_89 = vector.load %arg2[%get3A_87, %get3A_88] : memref<3128x128xf32, #tpu.memory_space<vmem>>, vector<3128x32xf32>
    %concatenate3A_90 = tpu.concatenate %get3A_86, %get3A_89 in 1 : vector<3128x32xf32>, vector<3128x32xf32> -> vector<3128x64xf32>
    %dot_general3A_91 = arith.constant dense<0.000000e+00> : vector<3128x64xf32>
    %dot_general3A_92 = tpu.matmul %concatenate3A_90, %get3A_1, %dot_general3A_91 {dimension_numbers = #tpu.dot_dimension_numbers<[1], [0], [0], [1], [0, 0, 1, 1], [], []>, transpose_lhs_hint = false} : vector<3128x64xf32>, vector<64x64xf32>, vector<3128x64xf32> -> vector<3128x64xf32>
    %get3A_93 = arith.constant 0 : index
    %get3A_94 = arith.constant 0 : index
    %get3A_95 = vector.load %arg4[%get3A_93, %get3A_94] : memref<1x64xf32, #tpu.memory_space<vmem>>, vector<1x64xf32>
    %get3A_96 = vector.shape_cast %get3A_95 : vector<1x64xf32> to vector<64xf32>
    %broadcast_in_dim3A_97 = vector.shape_cast %get3A_96 : vector<64xf32> to vector<1x64xf32>
    %add3A_98 = vector.broadcast %broadcast_in_dim3A_97 : vector<1x64xf32> to vector<3128x64xf32>
    %add3A_99 = arith.addf %dot_general3A_92, %add3A_98 : vector<3128x64xf32>
    %max3A_100 = arith.constant 0.000000e+00 : f32
    %max3A_101 = vector.broadcast %max3A_100 : f32 to vector<3128x64xf32>
    %max3A_102 = arith.maximumf %add3A_99, %max3A_101 : vector<3128x64xf32>
    %dot_general3A_103 = arith.constant dense<0.000000e+00> : vector<3128x32xf32>
    %dot_general3A_104 = tpu.matmul %max3A_102, %get3A_4, %dot_general3A_103 {dimension_numbers = #tpu.dot_dimension_numbers<[1], [0], [0], [1], [0, 0, 1, 1], [], []>, transpose_lhs_hint = false} : vector<3128x64xf32>, vector<64x32xf32>, vector<3128x32xf32> -> vector<3128x32xf32>
    %get3A_105 = arith.constant 0 : index
    %get3A_106 = arith.constant 0 : index
    %get3A_107 = vector.load %arg6[%get3A_105, %get3A_106] : memref<1x32xf32, #tpu.memory_space<vmem>>, vector<1x32xf32>
    %get3A_108 = vector.shape_cast %get3A_107 : vector<1x32xf32> to vector<32xf32>
    %broadcast_in_dim3A_109 = vector.shape_cast %get3A_108 : vector<32xf32> to vector<1x32xf32>
    %add3A_110 = vector.broadcast %broadcast_in_dim3A_109 : vector<1x32xf32> to vector<3128x32xf32>
    %add3A_111 = arith.addf %dot_general3A_104, %add3A_110 : vector<3128x32xf32>
    %concatenate3A_112 = tpu.concatenate %add3A_27, %add3A_55, %add3A_83, %add3A_111 in 1 : vector<3128x32xf32>, vector<3128x32xf32>, vector<3128x32xf32>, vector<3128x32xf32> -> vector<3128x128xf32>
    %swap3A = arith.constant 0 : index
    %swap3A_113 = arith.constant 0 : index
    %swap3A_114 = vector.load %arg7[%swap3A, %swap3A_113] : memref<3128x128xf32, #tpu.memory_space<vmem>>, vector<3128x128xf32>
    tpu.vector_store %arg7[%swap3A, %swap3A_113], %concatenate3A_112 {strides = array<i32>} : memref<3128x128xf32, #tpu.memory_space<vmem>>, vector<3128x128xf32>,
    %mul3A = arith.constant 3128 : i32
    %mul3A_115 = arith.muli %arg0, %mul3A : i32
    %iota3A = tpu.iota {dimensions = array<i32: 0>} : vector<3128x1xi32>
    %add3A_116 = vector.broadcast %mul3A_115 : i32 to vector<3128x1xi32>
    %add3A_117 = arith.addi %add3A_116, %iota3A : vector<3128x1xi32>
    %lt3A = arith.constant 12500 : i32
    %lt3A_118 = vector.broadcast %lt3A : i32 to vector<3128x1xi32>
    %lt3A_119 = arith.cmpi slt, %add3A_117, %lt3A_118 : vector<3128x1xi32>
    %jit3A = arith.constant 0.000000e+00 : f32
    %broadcast_in_dim3A_120 = vector.shape_cast %lt3A_119 : vector<3128x1xi1> to vector<3128x1xi1>
    %broadcast_in_dim3A_121 = vector.broadcast %broadcast_in_dim3A_120 : vector<3128x1xi1> to vector<3128x128xi1>
    %broadcast_in_dim3A_122 = vector.broadcast %jit3A : f32 to vector<3128x128xf32>
    %select_n3A = arith.select %broadcast_in_dim3A_121, %concatenate3A_112, %broadcast_in_dim3A_122 : vector<3128x128xi1>, vector<3128x128xf32>
    %reduce_sum3A = arith.constant dense<0.000000e+00> : vector<128xf32>
    %reduce_sum3A_123 = vector.multi_reduction <add>, %select_n3A, %reduce_sum3A [0] : vector<3128x128xf32> to vector<128xf32>
    %mul3A_124 = arith.mulf %select_n3A, %select_n3A : vector<3128x128xf32>
    %reduce_sum3A_125 = arith.constant dense<0.000000e+00> : vector<128xf32>
    %reduce_sum3A_126 = vector.multi_reduction <add>, %mul3A_124, %reduce_sum3A_125 [0] : vector<3128x128xf32> to vector<128xf32>
    %slice3A = vector.extract_strided_slice %reduce_sum3A_123 {offsets = [0], sizes = [32], strides = [1]} : vector<128xf32> to vector<32xf32>
    %slice3A_127 = vector.extract_strided_slice %reduce_sum3A_123 {offsets = [32], sizes = [32], strides = [1]} : vector<128xf32> to vector<32xf32>
    %add3A_128 = arith.addf %slice3A, %slice3A_127 : vector<32xf32>
    %slice3A_129 = vector.extract_strided_slice %reduce_sum3A_123 {offsets = [64], sizes = [32], strides = [1]} : vector<128xf32> to vector<32xf32>
    %add3A_130 = arith.addf %add3A_128, %slice3A_129 : vector<32xf32>
    %slice3A_131 = vector.extract_strided_slice %reduce_sum3A_123 {offsets = [96], sizes = [32], strides = [1]} : vector<128xf32> to vector<32xf32>
    %add3A_132 = arith.addf %add3A_130, %slice3A_131 : vector<32xf32>
    %slice3A_133 = vector.extract_strided_slice %reduce_sum3A_126 {offsets = [0], sizes = [32], strides = [1]} : vector<128xf32> to vector<32xf32>
    %slice3A_134 = vector.extract_strided_slice %reduce_sum3A_126 {offsets = [32], sizes = [32], strides = [1]} : vector<128xf32> to vector<32xf32>
    %add3A_135 = arith.addf %slice3A_133, %slice3A_134 : vector<32xf32>
    %slice3A_136 = vector.extract_strided_slice %reduce_sum3A_126 {offsets = [64], sizes = [32], strides = [1]} : vector<128xf32> to vector<32xf32>
    %add3A_137 = arith.addf %add3A_135, %slice3A_136 : vector<32xf32>
    %slice3A_138 = vector.extract_strided_slice %reduce_sum3A_126 {offsets = [96], sizes = [32], strides = [1]} : vector<128xf32> to vector<32xf32>
    %add3A_139 = arith.addf %add3A_137, %slice3A_138 : vector<32xf32>
    %broadcast_in_dim3A_140 = vector.shape_cast %add3A_132 : vector<32xf32> to vector<1x32xf32>
    %broadcast_in_dim3A_141 = vector.shape_cast %add3A_139 : vector<32xf32> to vector<1x32xf32>
    %concatenate3A_142 = tpu.concatenate %broadcast_in_dim3A_140, %broadcast_in_dim3A_141 in 0 : vector<1x32xf32>, vector<1x32xf32> -> vector<2x32xf32>
    %eq3A = arith.constant 0 : i32
    %eq3A_143 = arith.cmpi eq, %arg0, %eq3A : i32
    %broadcast_in_dim3A_144 = arith.constant 0.000000e+00 : f32
    %broadcast_in_dim3A_145 = vector.broadcast %broadcast_in_dim3A_144 : f32 to vector<2x32xf32>
    %get3A_146 = arith.constant 0 : index
    %get3A_147 = arith.constant 0 : index
    %get3A_148 = vector.load %arg9[%get3A_146, %get3A_147] : memref<2x32xf32, #tpu.memory_space<vmem>>, vector<2x32xf32>
    %select_n3A_149 = arith.select %eq3A_143, %broadcast_in_dim3A_145, %get3A_148 : vector<2x32xf32>
    %add3A_150 = arith.addf %select_n3A_149, %concatenate3A_142 : vector<2x32xf32>
    %swap3A_151 = arith.constant 0 : index
    %swap3A_152 = arith.constant 0 : index
    %swap3A_153 = vector.load %arg9[%swap3A_151, %swap3A_152] : memref<2x32xf32, #tpu.memory_space<vmem>>, vector<2x32xf32>
    tpu.vector_store %arg9[%swap3A_151, %swap3A_152], %add3A_150 {strides = array<i32>} : memref<2x32xf32, #tpu.memory_space<vmem>>, vector<2x32xf32>,
    %eq3A_154 = arith.constant 3 : i32
    %eq3A_155 = arith.cmpi eq, %arg0, %eq3A_154 : i32
    %convert_element_type3A = arith.extui %eq3A_155 : i1 to i32
    %cond3A = arith.constant 0 : i32
    %cond3A_156 = arith.cmpi ne, %convert_element_type3A, %cond3A : i32
    scf.if %cond3A_156 {
      %get3A_157 = arith.constant 0 : index
      %get3A_158 = arith.constant 0 : index
      %get3A_159 = vector.load %arg9[%get3A_157, %get3A_158] : memref<2x32xf32, #tpu.memory_space<vmem>>, vector<2x32xf32>
      %swap3A_160 = arith.constant 0 : index
      %swap3A_161 = arith.constant 0 : index
      %swap3A_162 = vector.load %arg8[%swap3A_160, %swap3A_161] : memref<2x32xf32, #tpu.memory_space<vmem>>, vector<2x32xf32>
      tpu.vector_store %arg8[%swap3A_160, %swap3A_161], %get3A_159 {strides = array<i32>} : memref<2x32xf32, #tpu.memory_space<vmem>>, vector<2x32xf32>,
    } else {
    }
    return
  }
  func.func @transform_0(%arg0: i32) -> (i32, i32) {
    %c0_i32 = arith.constant 0 : i32
    %c0_i32_0 = arith.constant 0 : i32
    return %arg0, %c0_i32 : i32, i32
  }
  func.func @transform_1(%arg0: i32) -> (i32, i32) {
    %add3A = arith.constant 4 : i32
    %add3A_0 = arith.addi %arg0, %add3A : i32
    %c0_i32 = arith.constant 0 : i32
    %c0_i32_1 = arith.constant 0 : i32
    return %add3A_0, %c0_i32 : i32, i32
  }
  func.func @transform_2(%arg0: i32) -> (i32, i32) {
    %c0_i32 = arith.constant 0 : i32
    %c0_i32_0 = arith.constant 0 : i32
    %c0_i32_1 = arith.constant 0 : i32
    return %c0_i32, %c0_i32_0 : i32, i32
  }
  func.func @transform_3(%arg0: i32) -> (i32, i32) {
    %c0_i32 = arith.constant 0 : i32
    %c0_i32_0 = arith.constant 0 : i32
    %c0_i32_1 = arith.constant 0 : i32
    return %c0_i32, %c0_i32_0 : i32, i32
  }
  func.func @transform_4(%arg0: i32) -> (i32, i32) {
    %c0_i32 = arith.constant 0 : i32
    %c0_i32_0 = arith.constant 0 : i32
    %c0_i32_1 = arith.constant 0 : i32
    return %c0_i32, %c0_i32_0 : i32, i32
  }
  func.func @transform_5(%arg0: i32) -> (i32, i32) {
    %c0_i32 = arith.constant 0 : i32
    %c0_i32_0 = arith.constant 0 : i32
    %c0_i32_1 = arith.constant 0 : i32
    return %c0_i32, %c0_i32_0 : i32, i32
  }
  func.func @transform_6(%arg0: i32) -> (i32, i32) {
    %c0_i32 = arith.constant 0 : i32
    %c0_i32_0 = arith.constant 0 : i32
    return %arg0, %c0_i32 : i32, i32
  }
  func.func @transform_7(%arg0: i32) -> (i32, i32) {
    %c0_i32 = arith.constant 0 : i32
    %c0_i32_0 = arith.constant 0 : i32
    %c0_i32_1 = arith.constant 0 : i32
    return %c0_i32, %c0_i32_0 : i32, i32
  }
}

module attributes {stable_mosaic.version = 14 : i64} {
  func.func @body(%arg0: i32, %arg1: memref<3128x128xf32, #tpu.memory_space<vmem>>, %arg2: memref<2x32xf32, #tpu.memory_space<vmem>>, %arg3: memref<1x32xf32, #tpu.memory_space<vmem>>, %arg4: memref<1x32xf32, #tpu.memory_space<vmem>>, %arg5: memref<1x4x3128xi32, #tpu.memory_space<vmem>>, %arg6: memref<64x32xf32, #tpu.memory_space<vmem>>, %arg7: memref<64x32xf32, #tpu.memory_space<vmem>>, %arg8: memref<64x1xf32, #tpu.memory_space<vmem>>) attributes {dimension_semantics = [#tpu.dimension_semantics<arbitrary>], iteration_bounds = array<i64: 4>, scalar_prefetch = 0 : i64, scratch_operands = 2 : i64, tpu.core_type = #tpu.core_type<tc>, window_params = [{transform_indices = @transform_0, window_bounds = array<i64: 3128, 128>}, {pipeline_mode = #tpu.pipeline_mode<synchronous>, transform_indices = @transform_1, window_bounds = array<i64: 2, 32>}, {pipeline_mode = #tpu.pipeline_mode<synchronous>, transform_indices = @transform_2, window_bounds = array<i64: 1, 32>}, {pipeline_mode = #tpu.pipeline_mode<synchronous>, transform_indices = @transform_3, window_bounds = array<i64: 1, 32>}, {transform_indices = @transform_4, window_bounds = array<i64: 1, 4, 3128>}, {pipeline_mode = #tpu.pipeline_mode<synchronous>, transform_indices = @transform_5, window_bounds = array<i64: 64, 32>}]} {
    %get3A = arith.constant 0 : index
    %get3A_0 = arith.constant 0 : index
    %get3A_1 = vector.load %arg2[%get3A, %get3A_0] : memref<2x32xf32, #tpu.memory_space<vmem>>, vector<1x32xf32>
    %get3A_2 = vector.shape_cast %get3A_1 : vector<1x32xf32> to vector<32xf32>
    %mul3A = arith.constant 2.000000e-05 : f32
    %mul3A_3 = vector.broadcast %mul3A : f32 to vector<32xf32>
    %mul3A_4 = arith.mulf %get3A_2, %mul3A_3 : vector<32xf32>
    %get3A_5 = arith.constant 1 : index
    %get3A_6 = arith.constant 0 : index
    %get3A_7 = vector.load %arg2[%get3A_5, %get3A_6] : memref<2x32xf32, #tpu.memory_space<vmem>>, vector<1x32xf32>
    %get3A_8 = vector.shape_cast %get3A_7 : vector<1x32xf32> to vector<32xf32>
    %mul3A_9 = arith.constant 2.000000e-05 : f32
    %mul3A_10 = vector.broadcast %mul3A_9 : f32 to vector<32xf32>
    %mul3A_11 = arith.mulf %get3A_8, %mul3A_10 : vector<32xf32>
    %mul3A_12 = arith.mulf %mul3A_4, %mul3A_4 : vector<32xf32>
    %sub3A = arith.subf %mul3A_11, %mul3A_12 : vector<32xf32>
    %get3A_13 = arith.constant 0 : index
    %get3A_14 = arith.constant 0 : index
    %get3A_15 = vector.load %arg3[%get3A_13, %get3A_14] : memref<1x32xf32, #tpu.memory_space<vmem>>, vector<1x32xf32>
    %get3A_16 = vector.shape_cast %get3A_15 : vector<1x32xf32> to vector<32xf32>
    %add3A = arith.constant 9.99999974E-6 : f32
    %add3A_17 = vector.broadcast %add3A : f32 to vector<32xf32>
    %add3A_18 = arith.addf %sub3A, %add3A_17 : vector<32xf32>
    %rsqrt3A = math.rsqrt %add3A_18 : vector<32xf32>
    %mul3A_19 = arith.mulf %get3A_16, %rsqrt3A : vector<32xf32>
    %get3A_20 = arith.constant 0 : index
    %get3A_21 = arith.constant 0 : index
    %get3A_22 = vector.load %arg4[%get3A_20, %get3A_21] : memref<1x32xf32, #tpu.memory_space<vmem>>, vector<1x32xf32>
    %get3A_23 = vector.shape_cast %get3A_22 : vector<1x32xf32> to vector<32xf32>
    %mul3A_24 = arith.mulf %mul3A_4, %mul3A_19 : vector<32xf32>
    %sub3A_25 = arith.subf %get3A_23, %mul3A_24 : vector<32xf32>
    %concatenate3A = tpu.concatenate %mul3A_19, %mul3A_19, %mul3A_19, %mul3A_19 in 0 : vector<32xf32>, vector<32xf32>, vector<32xf32>, vector<32xf32> -> vector<128xf32>
    %concatenate3A_26 = tpu.concatenate %sub3A_25, %sub3A_25, %sub3A_25, %sub3A_25 in 0 : vector<32xf32>, vector<32xf32>, vector<32xf32>, vector<32xf32> -> vector<128xf32>
    %get3A_27 = arith.constant 0 : index
    %get3A_28 = arith.constant 0 : index
    %get3A_29 = vector.load %arg1[%get3A_27, %get3A_28] : memref<3128x128xf32, #tpu.memory_space<vmem>>, vector<3128x128xf32>
    %broadcast_in_dim3A = vector.shape_cast %concatenate3A : vector<128xf32> to vector<1x128xf32>
    %mul3A_30 = vector.broadcast %broadcast_in_dim3A : vector<1x128xf32> to vector<3128x128xf32>
    %mul3A_31 = arith.mulf %get3A_29, %mul3A_30 : vector<3128x128xf32>
    %broadcast_in_dim3A_32 = vector.shape_cast %concatenate3A_26 : vector<128xf32> to vector<1x128xf32>
    %add3A_33 = vector.broadcast %broadcast_in_dim3A_32 : vector<1x128xf32> to vector<3128x128xf32>
    %add3A_34 = arith.addf %mul3A_31, %add3A_33 : vector<3128x128xf32>
    %max3A = arith.constant 0.000000e+00 : f32
    %max3A_35 = vector.broadcast %max3A : f32 to vector<3128x128xf32>
    %max3A_36 = arith.maximumf %add3A_34, %max3A_35 : vector<3128x128xf32>
    %iota3A = tpu.iota {dimensions = array<i32: 0>} : vector<64x3128xi32>
    %broadcast_in_dim3A_37 = arith.constant 0.000000e+00 : f32
    %broadcast_in_dim3A_38 = vector.broadcast %broadcast_in_dim3A_37 : f32 to vector<64x32xf32>
    %broadcast_in_dim3A_39 = arith.constant 0.000000e+00 : f32
    %broadcast_in_dim3A_40 = vector.broadcast %broadcast_in_dim3A_39 : f32 to vector<64x1xf32>
    %get3A_41 = arith.constant 0 : index
    %get3A_42 = arith.constant 0 : index
    %get3A_43 = arith.constant 0 : index
    %get3A_44 = vector.load %arg5[%get3A_41, %get3A_42, %get3A_43] : memref<1x4x3128xi32, #tpu.memory_space<vmem>>, vector<1x1x3128xi32>
    %get3A_45 = vector.shape_cast %get3A_44 : vector<1x1x3128xi32> to vector<1x3128xi32>
    %eq3A = vector.broadcast %get3A_45 : vector<1x3128xi32> to vector<64x3128xi32>
    %eq3A_46 = arith.cmpi eq, %eq3A, %iota3A : vector<64x3128xi32>
    %convert_element_type3A = arith.extui %eq3A_46 : vector<64x3128xi1> to vector<64x3128xi32>
    %convert_element_type3A_47 = arith.sitofp %convert_element_type3A : vector<64x3128xi32> to vector<64x3128xf32>
    %slice3A = vector.extract_strided_slice %max3A_36 {offsets = [0, 0], sizes = [3128, 32], strides = [1, 1]} : vector<3128x128xf32> to vector<3128x32xf32>
    %dot_general3A = arith.constant dense<0.000000e+00> : vector<64x32xf32>
    %dot_general3A_48 = tpu.matmul %convert_element_type3A_47, %slice3A, %dot_general3A {dimension_numbers = #tpu.dot_dimension_numbers<[1], [0], [0], [1], [0, 0, 1, 1], [], []>, transpose_lhs_hint = false} : vector<64x3128xf32>, vector<3128x32xf32>, vector<64x32xf32> -> vector<64x32xf32>
    %add3A_49 = arith.addf %broadcast_in_dim3A_38, %dot_general3A_48 : vector<64x32xf32>
    %reduce_sum3A = arith.constant dense<0.000000e+00> : vector<64xf32>
    %reduce_sum3A_50 = vector.multi_reduction <add>, %convert_element_type3A_47, %reduce_sum3A [1] : vector<64x3128xf32> to vector<64xf32>
    %broadcast_in_dim3A_51 = vector.shape_cast %reduce_sum3A_50 : vector<64xf32> to vector<64x1xf32>
    %add3A_52 = arith.addf %broadcast_in_dim3A_40, %broadcast_in_dim3A_51 : vector<64x1xf32>
    %get3A_53 = arith.constant 0 : index
    %get3A_54 = arith.constant 1 : index
    %get3A_55 = arith.constant 0 : index
    %get3A_56 = vector.load %arg5[%get3A_53, %get3A_54, %get3A_55] : memref<1x4x3128xi32, #tpu.memory_space<vmem>>, vector<1x1x3128xi32>
    %get3A_57 = vector.shape_cast %get3A_56 : vector<1x1x3128xi32> to vector<1x3128xi32>
    %eq3A_58 = vector.broadcast %get3A_57 : vector<1x3128xi32> to vector<64x3128xi32>
    %eq3A_59 = arith.cmpi eq, %eq3A_58, %iota3A : vector<64x3128xi32>
    %convert_element_type3A_60 = arith.extui %eq3A_59 : vector<64x3128xi1> to vector<64x3128xi32>
    %convert_element_type3A_61 = arith.sitofp %convert_element_type3A_60 : vector<64x3128xi32> to vector<64x3128xf32>
    %slice3A_62 = vector.extract_strided_slice %max3A_36 {offsets = [0, 32], sizes = [3128, 32], strides = [1, 1]} : vector<3128x128xf32> to vector<3128x32xf32>
    %dot_general3A_63 = arith.constant dense<0.000000e+00> : vector<64x32xf32>
    %dot_general3A_64 = tpu.matmul %convert_element_type3A_61, %slice3A_62, %dot_general3A_63 {dimension_numbers = #tpu.dot_dimension_numbers<[1], [0], [0], [1], [0, 0, 1, 1], [], []>, transpose_lhs_hint = false} : vector<64x3128xf32>, vector<3128x32xf32>, vector<64x32xf32> -> vector<64x32xf32>
    %add3A_65 = arith.addf %add3A_49, %dot_general3A_64 : vector<64x32xf32>
    %reduce_sum3A_66 = arith.constant dense<0.000000e+00> : vector<64xf32>
    %reduce_sum3A_67 = vector.multi_reduction <add>, %convert_element_type3A_61, %reduce_sum3A_66 [1] : vector<64x3128xf32> to vector<64xf32>
    %broadcast_in_dim3A_68 = vector.shape_cast %reduce_sum3A_67 : vector<64xf32> to vector<64x1xf32>
    %add3A_69 = arith.addf %add3A_52, %broadcast_in_dim3A_68 : vector<64x1xf32>
    %get3A_70 = arith.constant 0 : index
    %get3A_71 = arith.constant 2 : index
    %get3A_72 = arith.constant 0 : index
    %get3A_73 = vector.load %arg5[%get3A_70, %get3A_71, %get3A_72] : memref<1x4x3128xi32, #tpu.memory_space<vmem>>, vector<1x1x3128xi32>
    %get3A_74 = vector.shape_cast %get3A_73 : vector<1x1x3128xi32> to vector<1x3128xi32>
    %eq3A_75 = vector.broadcast %get3A_74 : vector<1x3128xi32> to vector<64x3128xi32>
    %eq3A_76 = arith.cmpi eq, %eq3A_75, %iota3A : vector<64x3128xi32>
    %convert_element_type3A_77 = arith.extui %eq3A_76 : vector<64x3128xi1> to vector<64x3128xi32>
    %convert_element_type3A_78 = arith.sitofp %convert_element_type3A_77 : vector<64x3128xi32> to vector<64x3128xf32>
    %slice3A_79 = vector.extract_strided_slice %max3A_36 {offsets = [0, 64], sizes = [3128, 32], strides = [1, 1]} : vector<3128x128xf32> to vector<3128x32xf32>
    %dot_general3A_80 = arith.constant dense<0.000000e+00> : vector<64x32xf32>
    %dot_general3A_81 = tpu.matmul %convert_element_type3A_78, %slice3A_79, %dot_general3A_80 {dimension_numbers = #tpu.dot_dimension_numbers<[1], [0], [0], [1], [0, 0, 1, 1], [], []>, transpose_lhs_hint = false} : vector<64x3128xf32>, vector<3128x32xf32>, vector<64x32xf32> -> vector<64x32xf32>
    %add3A_82 = arith.addf %add3A_65, %dot_general3A_81 : vector<64x32xf32>
    %reduce_sum3A_83 = arith.constant dense<0.000000e+00> : vector<64xf32>
    %reduce_sum3A_84 = vector.multi_reduction <add>, %convert_element_type3A_78, %reduce_sum3A_83 [1] : vector<64x3128xf32> to vector<64xf32>
    %broadcast_in_dim3A_85 = vector.shape_cast %reduce_sum3A_84 : vector<64xf32> to vector<64x1xf32>
    %add3A_86 = arith.addf %add3A_69, %broadcast_in_dim3A_85 : vector<64x1xf32>
    %get3A_87 = arith.constant 0 : index
    %get3A_88 = arith.constant 3 : index
    %get3A_89 = arith.constant 0 : index
    %get3A_90 = vector.load %arg5[%get3A_87, %get3A_88, %get3A_89] : memref<1x4x3128xi32, #tpu.memory_space<vmem>>, vector<1x1x3128xi32>
    %get3A_91 = vector.shape_cast %get3A_90 : vector<1x1x3128xi32> to vector<1x3128xi32>
    %eq3A_92 = vector.broadcast %get3A_91 : vector<1x3128xi32> to vector<64x3128xi32>
    %eq3A_93 = arith.cmpi eq, %eq3A_92, %iota3A : vector<64x3128xi32>
    %convert_element_type3A_94 = arith.extui %eq3A_93 : vector<64x3128xi1> to vector<64x3128xi32>
    %convert_element_type3A_95 = arith.sitofp %convert_element_type3A_94 : vector<64x3128xi32> to vector<64x3128xf32>
    %slice3A_96 = vector.extract_strided_slice %max3A_36 {offsets = [0, 96], sizes = [3128, 32], strides = [1, 1]} : vector<3128x128xf32> to vector<3128x32xf32>
    %dot_general3A_97 = arith.constant dense<0.000000e+00> : vector<64x32xf32>
    %dot_general3A_98 = tpu.matmul %convert_element_type3A_95, %slice3A_96, %dot_general3A_97 {dimension_numbers = #tpu.dot_dimension_numbers<[1], [0], [0], [1], [0, 0, 1, 1], [], []>, transpose_lhs_hint = false} : vector<64x3128xf32>, vector<3128x32xf32>, vector<64x32xf32> -> vector<64x32xf32>
    %add3A_99 = arith.addf %add3A_82, %dot_general3A_98 : vector<64x32xf32>
    %reduce_sum3A_100 = arith.constant dense<0.000000e+00> : vector<64xf32>
    %reduce_sum3A_101 = vector.multi_reduction <add>, %convert_element_type3A_95, %reduce_sum3A_100 [1] : vector<64x3128xf32> to vector<64xf32>
    %broadcast_in_dim3A_102 = vector.shape_cast %reduce_sum3A_101 : vector<64xf32> to vector<64x1xf32>
    %add3A_103 = arith.addf %add3A_86, %broadcast_in_dim3A_102 : vector<64x1xf32>
    %eq3A_104 = arith.constant 0 : i32
    %eq3A_105 = arith.cmpi eq, %arg0, %eq3A_104 : i32
    %broadcast_in_dim3A_106 = arith.constant 0.000000e+00 : f32
    %broadcast_in_dim3A_107 = vector.broadcast %broadcast_in_dim3A_106 : f32 to vector<64x32xf32>
    %get3A_108 = arith.constant 0 : index
    %get3A_109 = arith.constant 0 : index
    %get3A_110 = vector.load %arg7[%get3A_108, %get3A_109] : memref<64x32xf32, #tpu.memory_space<vmem>>, vector<64x32xf32>
    %select_n3A = arith.select %eq3A_105, %broadcast_in_dim3A_107, %get3A_110 : vector<64x32xf32>
    %eq3A_111 = arith.constant 0 : i32
    %eq3A_112 = arith.cmpi eq, %arg0, %eq3A_111 : i32
    %broadcast_in_dim3A_113 = arith.constant 0.000000e+00 : f32
    %broadcast_in_dim3A_114 = vector.broadcast %broadcast_in_dim3A_113 : f32 to vector<64x1xf32>
    %get3A_115 = arith.constant 0 : index
    %get3A_116 = arith.constant 0 : index
    %get3A_117 = vector.load %arg8[%get3A_115, %get3A_116] : memref<64x1xf32, #tpu.memory_space<vmem>>, vector<64x1xf32>
    %select_n3A_118 = arith.select %eq3A_112, %broadcast_in_dim3A_114, %get3A_117 : vector<64x1xf32>
    %add3A_119 = arith.addf %select_n3A, %add3A_99 : vector<64x32xf32>
    %swap3A = arith.constant 0 : index
    %swap3A_120 = arith.constant 0 : index
    %swap3A_121 = vector.load %arg7[%swap3A, %swap3A_120] : memref<64x32xf32, #tpu.memory_space<vmem>>, vector<64x32xf32>
    tpu.vector_store %arg7[%swap3A, %swap3A_120], %add3A_119 {strides = array<i32>} : memref<64x32xf32, #tpu.memory_space<vmem>>, vector<64x32xf32>,
    %add3A_122 = arith.addf %select_n3A_118, %add3A_103 : vector<64x1xf32>
    %swap3A_123 = arith.constant 0 : index
    %swap3A_124 = arith.constant 0 : index
    %swap3A_125 = vector.load %arg8[%swap3A_123, %swap3A_124] : memref<64x1xf32, #tpu.memory_space<vmem>>, vector<64x1xf32>
    tpu.vector_store %arg8[%swap3A_123, %swap3A_124], %add3A_122 {strides = array<i32>} : memref<64x1xf32, #tpu.memory_space<vmem>>, vector<64x1xf32>,
    %eq3A_126 = arith.constant 3 : i32
    %eq3A_127 = arith.cmpi eq, %arg0, %eq3A_126 : i32
    %convert_element_type3A_128 = arith.extui %eq3A_127 : i1 to i32
    %cond3A = arith.constant 0 : i32
    %cond3A_129 = arith.cmpi ne, %convert_element_type3A_128, %cond3A : i32
    scf.if %cond3A_129 {
      %get3A_130 = arith.constant 0 : index
      %get3A_131 = arith.constant 0 : index
      %get3A_132 = vector.load %arg7[%get3A_130, %get3A_131] : memref<64x32xf32, #tpu.memory_space<vmem>>, vector<64x32xf32>
      %get3A_133 = arith.constant 0 : index
      %get3A_134 = arith.constant 0 : index
      %get3A_135 = vector.load %arg8[%get3A_133, %get3A_134] : memref<64x1xf32, #tpu.memory_space<vmem>>, vector<64x1xf32>
      %max3A_136 = arith.constant 1.000000e+00 : f32
      %max3A_137 = vector.broadcast %max3A_136 : f32 to vector<64x1xf32>
      %max3A_138 = arith.maximumf %get3A_135, %max3A_137 : vector<64x1xf32>
      %div3A = vector.broadcast %max3A_138 : vector<64x1xf32> to vector<64x32xf32>
      %div3A_139 = arith.divf %get3A_132, %div3A : vector<64x32xf32>
      %swap3A_140 = arith.constant 0 : index
      %swap3A_141 = arith.constant 0 : index
      %swap3A_142 = vector.load %arg6[%swap3A_140, %swap3A_141] : memref<64x32xf32, #tpu.memory_space<vmem>>, vector<64x32xf32>
      tpu.vector_store %arg6[%swap3A_140, %swap3A_141], %div3A_139 {strides = array<i32>} : memref<64x32xf32, #tpu.memory_space<vmem>>, vector<64x32xf32>,
    } else {
    }
    return
  }
  func.func @transform_0(%arg0: i32) -> (i32, i32) {
    %c0_i32 = arith.constant 0 : i32
    %c0_i32_0 = arith.constant 0 : i32
    return %arg0, %c0_i32 : i32, i32
  }
  func.func @transform_1(%arg0: i32) -> (i32, i32) {
    %c0_i32 = arith.constant 0 : i32
    %c0_i32_0 = arith.constant 0 : i32
    %c0_i32_1 = arith.constant 0 : i32
    return %c0_i32, %c0_i32_0 : i32, i32
  }
  func.func @transform_2(%arg0: i32) -> (i32, i32) {
    %c0_i32 = arith.constant 0 : i32
    %c0_i32_0 = arith.constant 0 : i32
    %c0_i32_1 = arith.constant 0 : i32
    return %c0_i32, %c0_i32_0 : i32, i32
  }
  func.func @transform_3(%arg0: i32) -> (i32, i32) {
    %c0_i32 = arith.constant 0 : i32
    %c0_i32_0 = arith.constant 0 : i32
    %c0_i32_1 = arith.constant 0 : i32
    return %c0_i32, %c0_i32_0 : i32, i32
  }
  func.func @transform_4(%arg0: i32) -> (i32, i32, i32) {
    %c0_i32 = arith.constant 0 : i32
    %c0_i32_0 = arith.constant 0 : i32
    %c0_i32_1 = arith.constant 0 : i32
    return %arg0, %c0_i32, %c0_i32_0 : i32, i32, i32
  }
  func.func @transform_5(%arg0: i32) -> (i32, i32) {
    %c0_i32 = arith.constant 0 : i32
    %c0_i32_0 = arith.constant 0 : i32
    %c0_i32_1 = arith.constant 0 : i32
    return %c0_i32, %c0_i32_0 : i32, i32
  }
}

</mosaic_0001>

<sc_bundles>
// kernel: kernel.11.cloned.1.call-start
scs
__scs_entry_jumppad:
0x0: {  	(pc) =	sbr.rel $0x88, $3  }
0x1: {  	(tag) =	ssettag $0x0;
	lr =	simm.s32 $0x1  }
0x2: {  	[smem:$0x3F8C] =	sst lr;
	_ =	strace $0xD0000000  }
0x3: {  	_ = 	snop  }
0x4: {  	_ = 	snop  }
0x5: {  	_ = 	snop  }
0x6: {  	_ = 	snop  }
0x7: {  	_ = 	snop  }
__scs_overlays_trampoline_lowered:
0x8: {  	[smem:$0x3F9B] =	sst s0  }
0x9: {  	[smem:$0x3F9C] =	sst s1  }
0xa: {  	[smem:$0x3F9D] =	sst s2  }
0xb: {  	[smem:$0x3F9E] =	sst s3  }
0xc: {  	[smem:$0x3F9F] =	sst s4  }
0xd: {  	[smem:$0x3FA0] =	sst s5  }
0xe: {  	[smem:$0x3FA1] =	sst s6  }
0xf: {  	[smem:$0x3FA2] =	sst s7  }
0x10: {  	[smem:$0x3FA3] =	sst s8  }
0x11: {  	[smem:$0x3FA4] =	sst s9;
	s0 =	simm.s32 @!p0 $0x0  }
0x12: {  	s1 =	sld [smem:$0x3F8A];
	s0 =	simm.s32 @p0 $0x1  }
0x13: {  	[smem:$0x3FA5] =	sst s0;
	s0 =	simm.s32 @!p1 $0x0  }
0x14: {  	s2 =	sld [smem:$0x3F89];
	s0 =	simm.s32 @p1 $0x1  }
0x15: {  	[smem:$0x3FA6] =	sst s0;
	s0 =	simm.s32 @!p2 $0x0  }
0x16: {  	s3 =	sld [smem:$0x3FDB];
	s0 =	simm.s32 @p2 $0x1  }
0x17: {  	s4 =	simm.s32 $0x1BF5;
	[smem:$0x3FA8] =	sst s0  }
0x18: {  	s0 =	sld [smem:$0x3F8B];
	_ =	swait.ge [sflag:s4], $0x0  }
0x19: {  	s7 =	sld [smem:$0x3F8C]  }
0x1a: {  	s8 =	sadd.s32 $0xFFFFE003, lr  }
0x1b: {  	s9 =	sadd.s32 $0xFFFFFEF7, lr;
	s5 =	simm.s32 $0xFFFFFFFF;
	p2 =	slt.u32 s8, $0xFFFFF086  }
0x1c: {  	p1 =	slt.u32 s9, $0xF7A;
	s5 =	simm.s32 @!p2 $0x0  }
0x1d: {  	s5 =	simm.s32 @p1 $0x1;
	p0 =	seq.s32 s7, s2  }
0x1e: {  	s7 =	smul.u32 @!p0 $0xF7A, s2;
	p2 =	seq.s32 @!p0 s5, $0x0  }
0x1f: {  	s9 =	smul.u32 $0xF7A, s1;
	s8 =	simm.s32 @!p0 $0x1BF5;
	p2 =	por !p2, p0  }
0x20: {  	[sflag:s8] =	ssyncset.s32 @!p0 $0xFFFFF086;
	s6 =	sadd.s32 @!p0 s3, s7;
	s7 =	simm.s32 @!p0 $0x108  }
0x21: {  	s3 =	sadd.s32 s3, s9;
	s6 =	sadd.s32 @!p0 $0x88, s6;
	s7 =	simm.s32 @p2 $0x1082  }
0x22: {  	[simem:s7], [sflag:s8] =	dma.local @!p0 [hbm:s6], $0xF7A  }
0x23: {  	s9 =	sor.u32 $0xD0000000, s2;
	s6 =	simm.s32 $0x108;
	_ =	swait.ge @!p0 [sflag:s8], $0x0  }
0x24: {  	s3 =	sadd.s32 $0x88, s3;
	s6 =	simm.s32 @!p1 $0x1082;
	[sflag:s4] =	ssyncset.s32 $0xFFFFF086  }
0x25: {  	[simem:s6], [sflag:s4] =	dma.local [hbm:s3], $0xF7A  }
0x26: {  	[smem:$0x3F8C] =	sst s1;
	(tag) =	ssettag s2;
	_ =	strace s9  }
0x27: {  	s1 =	sld [smem:$0x3F9C]  }
0x28: {  	s2 =	sld [smem:$0x3F9D]  }
0x29: {  	s4 =	sld [smem:$0x3F9F]  }
0x2a: {  	p0 =	seq.s32 s5, $0x0;
	s5 =	sld [smem:$0x3FA0]  }
0x2b: {  	s6 =	sld [smem:$0x3FA1]  }
0x2c: {  	s7 =	sld [smem:$0x3FA2]  }
0x2d: {  	s3 =	simm.s32 $0x108;
	s8 =	sld [smem:$0x3FA3]  }
0x2e: {  	s3 =	simm.s32 @!p0 $0x1082;
	s9 =	sld [smem:$0x3FA4]  }
0x2f: {  	lr =	sadd.s32 s0, s3;
	s0 =	sld [smem:$0x3F9B]  }
0x30: {  	s3 =	sld [smem:$0x3F9E]  }
0x31: {  	[smem:$0x3FA7] =	sst s10  }
0x32: {  	s10 =	sld [smem:$0x3FA5];
	_ =	sdelay $0x3  }
0x33: {  	p0 =	seq.s32 s10, $0x1;
	s10 =	sld [smem:$0x3FA7];
	_ =	sdelay $0x3  }
0x34: {  	[smem:$0x3FA7] =	sst s10  }
0x35: {  	s10 =	sld [smem:$0x3FA6];
	_ =	sdelay $0x3  }
0x36: {  	p1 =	seq.s32 s10, $0x1;
	s10 =	sld [smem:$0x3FA7];
	_ =	sdelay $0x3  }
0x37: {  	[smem:$0x3FA7] =	sst s10  }
0x38: {  	s10 =	sld [smem:$0x3FA8]  }
0x39: {  	_ = 	snop;
	(pc) =	sbr.ind lr, $3  }
0x3a: {  	_ = 	snop  }
0x3b: {  	_ = 	snop  }
0x3c: {  	p2 =	seq.s32 s10, $0x1;
	s10 =	sld [smem:$0x3FA7]  }
0x3d: {  	_ =	shalt  }
0x3e: {  	_ =	shalt  }
0x3f: {  	_ =	shalt  }
0x40: {  	_ =	shalt  }
0x41: {  	_ =	shalt  }
0x42: {  	_ =	shalt  }
0x43: {  	_ =	shalt  }
0x44: {  	_ =	shalt  }
0x45: {  	_ =	shalt  }
0x46: {  	_ =	shalt  }
0x47: {  	_ =	shalt  }
0x48: {  	_ =	shalt  }
0x49: {  	_ =	shalt  }
0x4a: {  	_ =	shalt  }
0x4b: {  	_ =	shalt  }
0x4c: {  	_ =	shalt  }
0x4d: {  	_ =	shalt  }
0x4e: {  	_ =	shalt  }
0x4f: {  	_ =	shalt  }
0x50: {  	_ =	shalt  }
0x51: {  	_ =	shalt  }
0x52: {  	_ =	shalt  }
0x53: {  	_ =	shalt  }
0x54: {  	_ =	shalt  }
0x55: {  	_ =	shalt  }
0x56: {  	_ =	shalt  }
0x57: {  	_ =	shalt  }
0x58: {  	_ =	shalt  }
0x59: {  	_ =	shalt  }
0x5a: {  	_ =	shalt  }
0x5b: {  	_ =	shalt  }
0x5c: {  	_ =	shalt  }
0x5d: {  	_ =	shalt  }
0x5e: {  	_ =	shalt  }
0x5f: {  	_ =	shalt  }
0x60: {  	_ =	shalt  }
0x61: {  	_ =	shalt  }
0x62: {  	_ =	shalt  }
0x63: {  	_ =	shalt  }
0x64: {  	_ =	shalt  }
0x65: {  	_ =	shalt  }
0x66: {  	_ =	shalt  }
0x67: {  	_ =	shalt  }
0x68: {  	_ =	shalt  }
0x69: {  	_ =	shalt  }
0x6a: {  	_ =	shalt  }
0x6b: {  	_ =	shalt  }
0x6c: {  	_ =	shalt  }
0x6d: {  	_ =	shalt  }
0x6e: {  	_ =	shalt  }
0x6f: {  	_ =	shalt  }
0x70: {  	_ =	shalt  }
0x71: {  	_ =	shalt  }
0x72: {  	_ =	shalt  }
0x73: {  	_ =	shalt  }
0x74: {  	_ =	shalt  }
0x75: {  	_ =	shalt  }
0x76: {  	_ =	shalt  }
0x77: {  	_ =	shalt  }
0x78: {  	_ =	shalt  }
0x79: {  	_ =	shalt  }
0x7a: {  	_ =	shalt  }
0x7b: {  	_ =	shalt  }
0x7c: {  	_ =	shalt  }
0x7d: {  	_ =	shalt  }
0x7e: {  	_ =	shalt  }
0x7f: {  	_ =	shalt  }
0x80: {  	_ =	shalt  }
0x81: {  	_ =	shalt  }
0x82: {  	_ =	shalt  }
0x83: {  	_ =	shalt  }
0x84: {  	_ =	shalt  }
0x85: {  	_ =	shalt  }
0x86: {  	_ =	shalt  }
0x87: {  	_ =	shalt  }
.Lfunc_end0:
.L_simem_size_0:
called_computation_lowered:
.L_overlay_start_0:
0x88: {  	s2 =	sld [smem:$0x3FD9]  }
0x89: {  	s3 =	sld [smem:$0x3FFE];
	_ =	sdelay $0x1  }
0x8a: {  	s1 =	srdreg.scid  }
0x8b: {  	s0 =	sand.u32 $0x1, s1  }
0x8c: {  	s16 =	sshll.u32 s0, $0xA;
	s2 =	sadd.s32 s3, s2  }
0x8d: {  	s2 =	sadd.s32 s2, s16  }
0x8e: {  	[smem:$0x3FB3] =	sst s2  }
0x8f: {  	_ = 	snop  }
0x90: {  	(tm) =	ssettm $0x1  }
0x91: {  	s17 =	sld [smem:$0x3FFB];
	_ =	sdelay $0x3  }
0x92: {  	_ =	strace s17  }
0x93: {  	s2 =	sld [smem:$0x3FFC];
	_ =	sdelay $0x3  }
0x94: {  	_ =	strace s2  }
0x95: {  	s2 =	sld [smem:$0x3FFD];
	_ =	sdelay $0x3  }
0x96: {  	_ =	strace s2  }
0x97: {  	_ =	strace $0x8FFFFFFF  }
0x98: {  	s18 =	sld [smem:$0x3FDB];
	_ =	sdelay $0x1  }
0x99: {  	s19 =	simm.s32 $_scs_section_size  }
0x9a: {  	s4 =	simm.s32 $_size__tile_overlayer_lowered;
	s5 =	simm.s32 $_tile_overlayer_lowered  }
0x9b: {  	s22 =	simm.s32 $0x1BFF;
	s21 =	sshll.u32 s5, $0x1;
	s2 =	sadd.s32 s19, s18  }
0x9c: {  	s6 =	simm.s32 $0x0;
	s20 =	sshll.u32 s4, $0x1;
	s4 =	sadd.s32 s21, s2  }
0x9d: {  	[timem:s6], [sflag:s22] =	dma.local [hbm:s4], s20  }
0x9e: {  	_ =	swait.ge [sflag:s22], s20  }
0x9f: {  	s3 =	ssub.s32 $0x0, s20;
	[sflag:s22] =	ssyncset.done $0x0  }
0xa0: {  	[sflag:s22] =	ssyncadd.s32 s3;
	_ =	sdelay $0x1  }
0xa1: {  	s23 =	simm.s32 $0x1B8B  }
0xa2: {  	_ =	swait.ge [sflag:s23], $0x1  }
0xa3: {  	[sflag:s23] =	ssyncset.done $0x0  }
0xa4: {  	s25 =	simm.s32 $0x1B8E;
	s24 =	sld [smem:$0x3FFE];
	[sflag:s23] =	ssyncadd.s32 $0xFFFFFFFF  }
0xa5: {  	s26 =	simm.s32 $execute0_lowered;
	[smem:$0x3FD2] =	sst s25  }
0xa6: {  	s4 =	sshll.u32 s26, $0x1;
	_ =	strace $0x80000046;
	[dreg:$0x1] =	wrdreg $0xFFFFFFFF  }
0xa7: {  	s28 =	simm.s32 $_size_execute0_lowered;
	s2 =	sadd.s32 s2, s4;
	[dreg:$0x0] =	wrdreg $0x0  }
0xa8: {  	s4 =	sshll.u32 s28, $0x1;
	[dreg:$0x2] =	wrdreg s2  }
0xa9: {  	[dreg:$0x3] =	wrdreg s4  }
0xaa: {  	[dreg:$0x4] =	wrdreg $0xC0  }
0xab: {  	_ =	task [dreg:s6], $0x5FFFF  }
0xac: {  	[dreg:$0x1] =	wrdreg $0xFFFFFFFF  }
0xad: {  	[dreg:$0x0] =	wrdreg $0x60  }
0xae: {  	[dreg:$0x2] =	wrdreg s24  }
0xaf: {  	[dreg:$0x3] =	wrdreg $0x66000  }
0xb0: {  	[dreg:$0x4] =	wrdreg $0x9  }
0xb1: {  	_ =	task.clear_ibuf [dreg:s6], $0x5FFFF;
	_ =	strace $0x90000046  }
0xb2: {  	s29 =	simm.s32 $0x9;
	_ =	strace $0x80000048  }
0xb3: {  	_ =	swait.ge [sflag:s29], $0x1  }
0xb4: {  	[sflag:s29] =	ssyncadd.s32 $0xFFFFFFFF  }
0xb5: {  	_ =	strace $0x90000048  }
0xb6: {  	_ =	sfence  }
0xb7: {  	s30 =	sld [smem:$0x0];
	_ =	sdelay $0x2  }
0xb8: {  	s31 =	sshll.u32 s1, $0xD;
	s1 =	sshrl.u32 s1, $0x2  }
0xb9: {  	s3 =	sand.u32 $0x4000, s31;
	s1 =	sadd.s32 s1, s30  }
0xba: {  	s0 =	sor.u32 s3, s0;
	s1 =	sshll.u32 s1, $0x11  }
0xbb: {  	s0 =	sor.u32 s1, s0  }
0xbc: {  	s0 =	sadd.s32 $0x8F2B, s0  }
0xbd: {  	[sflag:s0] =	ssyncadd.remote.s32 $0x1  }
0xbe: {  	_ =	sfence.sel $0xFFFF  }
0xbf: {  	[dreg:$0x0] =	wrdreg $0xFFFFFFFF;
	(pc) =	sbr.abs _section_cstart, $3  }
0xc0: {  	[dreg:$0x1] =	wrdreg $0xFFFFFFFF  }
0xc1: {  	_ =	task.clear_ibuf [dreg:s6], $0x2FFFF;
	_ =	strace $0x9FFFFFFF  }
0xc2: {  	(tm) =	ssettm $0x7FFFFFFF  }
0xc3: {  	_ =	shalt  }
tec
execute0_lowered:
.L_overlay_start_1:
0x0: {  	(tag) =	ssettag $0x1  }
0x1: {  	s0 =	rddreg [dreg:$0x0]  }
0x2: {  	s2 =	rddreg [dreg:$0x1]  }
0x3: {  	s1 =	srdreg.scid;
	s8 =	stileid.u32;
	s3 =	simm.s32 $0x0  }
0x4: {  	s28 =	simm.s32 $0x4;
	s29 =	simm.s32 $0x3600;
	s30 =	simm.s32 $0x5  }
0x5: {  	s31 =	simm.s32 $0x2;
	s1 =	sand.u32 $0x1, s1;
	s4 =	smul.u32 $0x18700, s8  }
0x6: {  	[smem:$0x7FF] =	sst s3;
	s9 =	sadd.s32 $0x4400, s0;
	s10 =	smul.u32 $0xC600, s8  }
0x7: {  	s19 =	sadd.s32 $0x66000, s0;
	s18 =	sadd.s32 $0x7EC00, s0;
	s26 =	smul.u32 $0x18C0, s8  }
0x8: {  	s16 =	sshll.u32 s8, $0x6;
	s5 =	smul.u32 $0x187000, s1;
	s1 =	ssub.s32 $0x2, s1  }
0x9: {  	_ =	strace $0x80000047;
	s7 =	sshrl.u32 s1, $0x1;
	s22 =	sor.u32 $0x180, s10  }
0xa: {  	s6 =	sadd.s32 s4, s5;
	s1 =	ssub.s32 s1, s7;
	s4 =	sadd.s32 s4, s2  }
0xb: {  	s20 =	sshrl.u32 s5, $0x3;
	s23 =	sshrl.u32 s22, $0x3;
	s22 =	simm.s32 $0x3  }
0xc: {  	s6 =	sshrl.u32 s6, $0x3;
	[dreg:$0x3] =	wrdreg s4;
	s11 =	smax.u32 s1, $0x1  }
0xd: {  	s12 =	sadd.s32 s19, s23;
	s13 =	sadd.s32 s18, s23;
	s23 =	simm.s32 $0x180  }
0xe: {  	s1 =	simm.s32 $0x0;
	s0 =	sadd.s32 s6, s0;
	s15 =	sadd.s32 s9, s6  }
0xf: {  	s6 =	sor.u32 $0x1C07, s16;
	s9 =	sadd.s32 s9, s20;
	s20 =	simm.s32 $0x7  }
0x10: {  	[dreg:$0x4] =	wrdreg s15;
	s15 =	sshrl.u32 s10, $0x3;
	s0 =	sadd.s32 $0x97800, s0  }
0x11: {  	s17 =	sadd.s32 s19, s15;
	s21 =	sadd.s32 s18, s15;
	[dreg:$0x7] =	wrdreg s0  }
0x12: {  	s24 =	sadd.s32 $0x60, s15;
	s25 =	sadd.s32 $0x1890, s15;
	[dreg:$0x5] =	wrdreg s17  }
0x13: {  	s0 =	simm.s32 $0x6;
	[dreg:$0x6] =	wrdreg s21;
	s14 =	sadd.s32 s19, s24  }
0x14: {  	s15 =	sadd.s32 s18, s24;
	s16 =	sadd.s32 s19, s25;
	s17 =	sadd.s32 s18, s25  }
0x15: {  	s18 =	sadd.s32 s26, s18;
	s19 =	sadd.s32 s26, s19;
	s21 =	simm.s32 $0x300  }
0x16: {  	s24 =	simm.s32 $0x600;
	s25 =	simm.s32 $0x480;
	s26 =	simm.s32 $0x1  }
.LBB2_1:
0x17: {  	s4 =	rddreg [dreg:$0x3]  }
0x18: {  	s5 =	rddreg [dreg:$0x4];
	s4 =	sshrl.u32 s4, $0x3  }
0x19: {  	[spmem:s4], [sflag:s6] =	dma.local [hbm:s5], $0x30E0  }
0x1a: {  	_ =	swait.ge [sflag:s20], $0x30E0  }
0x1b: {  	[sflag:s20] =	ssyncset.done $0x0  }
0x1c: {  	[sflag:s20] =	ssyncadd.s32 $0xFFFFCF20  }
0x1d: {  	[bflag:$0x0] =	sbarrier.arrive $0xFFFF  }
0x1e: {  	s7 =	rddreg [dreg:$0x5]  }
0x1f: {  	[tilespmem:s3], [sflag:$0x3] =	stream.linear.gather [hbm4b:s7+s3], $0x180, $0x38;
	[tilespmem:$0x1ED00] =	vst v63  }
0x20: {  	s8 =	rddreg [dreg:$0x6]  }
0x21: {  	[tilespmem:s21], [sflag:$0x3] =	stream.linear.gather [hbm4b:s8+s3], $0x180, $0x38;
	[tilespmem:$0x1ED00] =	vst v63  }
0x22: {  	_ =	swait.ge [sflag:s22], $0x180  }
0x23: {  	[sflag:s22] =	ssyncset.done $0x0  }
0x24: {  	[sflag:s22] =	ssyncadd.s32 $0xFFFFFE80  }
0x25: {  	_ =	swait.ge [sflag:s22], $0x180  }
0x26: {  	[sflag:s22] =	ssyncset.done $0x0  }
0x27: {  	[sflag:s22] =	ssyncadd.s32 $0xFFFFFE80  }
0x28: {  	[tilespmem:s24], [sflag:$0x1] =	stream.indirect.gather [hbm4b:s9+s23], $0x20, s3, s23, $0xb8;
	[tilespmem:$0x1ED00] =	vst v63  }
0x29: {  	_ = 	snop  }
0x2a: {  	[tilespmem:s23], [sflag:$0x4] =	stream.linear.gather [hbm4b:s12+s3], $0x180, $0x38;
	[tilespmem:$0x1ED00] =	vst v63  }
0x2b: {  	_ = 	snop  }
0x2c: {  	[tilespmem:s25], [sflag:$0x4] =	stream.linear.gather [hbm4b:s13+s3], $0x180, $0x38;
	[tilespmem:$0x1ED00] =	vst v63  }
0x2d: {  	_ =	swait.ge [sflag:s26], $0x3000  }
0x2e: {  	[sflag:s26] =	ssyncset.done $0x0  }
0x2f: {  	[sflag:s26] =	ssyncadd.s32 $0xFFFFD000  }
0x30: {  	[spmem:s2] =	stream.indirect.scatter.add.f32 [tilespmem:s24], [sflag:$0x5], $0x20, s21, s23, $0xb8;
	[tilespmem:$0x1ED00] =	vst v63  }
0x31: {  	_ =	swait.ge [sflag:s28], $0x180  }
0x32: {  	[sflag:s28] =	ssyncset.done $0x0  }
0x33: {  	[sflag:s28] =	ssyncadd.s32 $0xFFFFFE80  }
0x34: {  	_ =	swait.ge [sflag:s28], $0x180  }
0x35: {  	[sflag:s28] =	ssyncset.done $0x0  }
0x36: {  	[sflag:s28] =	ssyncadd.s32 $0xFFFFFE80  }
0x37: {  	[tilespmem:s29], [sflag:$0x2] =	stream.indirect.gather [hbm4b:s9+s23], $0x20, s23, s23, $0xb8;
	[tilespmem:$0x1ED00] =	vst v63  }
0x38: {  	_ =	swait.ge [sflag:s30], $0x3000  }
0x39: {  	[sflag:s30] =	ssyncset.done $0x0  }
0x3a: {  	[sflag:s30] =	ssyncadd.s32 $0xFFFFD000  }
0x3b: {  	[tilespmem:s3], [sflag:$0x3] =	stream.linear.gather [hbm4b:s14+s3], $0x180, $0x38;
	[tilespmem:$0x1ED00] =	vst v63  }
0x3c: {  	_ = 	snop  }
0x3d: {  	[tilespmem:s21], [sflag:$0x3] =	stream.linear.gather [hbm4b:s15+s3], $0x180, $0x38;
	[tilespmem:$0x1ED00] =	vst v63  }
0x3e: {  	_ =	swait.ge [sflag:s31], $0x3000  }
0x3f: {  	[sflag:s31] =	ssyncset.done $0x0  }
0x40: {  	[sflag:s31] =	ssyncadd.s32 $0xFFFFD000  }
0x41: {  	[spmem:s2] =	stream.indirect.scatter.add.f32 [tilespmem:s29], [sflag:$0x6], $0x20, s25, s23, $0xb8;
	[tilespmem:$0x1ED00] =	vst v63  }
0x42: {  	_ =	swait.ge [sflag:s22], $0x180  }
0x43: {  	[sflag:s22] =	ssyncset.done $0x0  }
0x44: {  	[sflag:s22] =	ssyncadd.s32 $0xFFFFFE80  }
0x45: {  	_ =	swait.ge [sflag:s22], $0x180  }
0x46: {  	[sflag:s22] =	ssyncset.done $0x0  }
0x47: {  	[sflag:s22] =	ssyncadd.s32 $0xFFFFFE80  }
0x48: {  	[tilespmem:s24], [sflag:$0x1] =	stream.indirect.gather [hbm4b:s9+s23], $0x20, s3, s23, $0xb8;
	[tilespmem:$0x1ED00] =	vst v63  }
0x49: {  	_ =	swait.ge [sflag:s0], $0x3000  }
0x4a: {  	s5 =	sadd.s32 $0xFFFFE800, s19;
	[sflag:s0] =	ssyncset.done $0x0  }
0x4b: {  	s7 =	sadd.s32 $0x1890, s5;
	s8 =	sadd.s32 $0xFFFFE800, s18;
	[sflag:s0] =	ssyncadd.s32 $0xFFFFD000  }
0x4c: {  	[tilespmem:s23], [sflag:$0x4] =	stream.linear.gather [hbm4b:s7+s3], $0x180, $0x38;
	[tilespmem:$0x1ED00] =	vst v63  }
0x4d: {  	s10 =	sadd.s32 $0x1890, s8  }
0x4e: {  	[tilespmem:s25], [sflag:$0x4] =	stream.linear.gather [hbm4b:s10+s3], $0x180, $0x38;
	[tilespmem:$0x1ED00] =	vst v63  }
0x4f: {  	_ =	swait.ge [sflag:s26], $0x3000  }
0x50: {  	[sflag:s26] =	ssyncset.done $0x0  }
0x51: {  	[sflag:s26] =	ssyncadd.s32 $0xFFFFD000  }
0x52: {  	[spmem:s2] =	stream.indirect.scatter.add.f32 [tilespmem:s24], [sflag:$0x5], $0x20, s21, s23, $0xb8;
	[tilespmem:$0x1ED00] =	vst v63  }
0x53: {  	_ =	swait.ge [sflag:s28], $0x180  }
0x54: {  	[sflag:s28] =	ssyncset.done $0x0  }
0x55: {  	[sflag:s28] =	ssyncadd.s32 $0xFFFFFE80  }
0x56: {  	_ =	swait.ge [sflag:s28], $0x180  }
0x57: {  	[sflag:s28] =	ssyncset.done $0x0  }
0x58: {  	[sflag:s28] =	ssyncadd.s32 $0xFFFFFE80  }
0x59: {  	[tilespmem:s29], [sflag:$0x2] =	stream.indirect.gather [hbm4b:s9+s23], $0x20, s23, s23, $0xb8;
	[tilespmem:$0x1ED00] =	vst v63  }
0x5a: {  	_ =	swait.ge [sflag:s30], $0x3000  }
0x5b: {  	[sflag:s30] =	ssyncset.done $0x0  }
0x5c: {  	s5 =	sadd.s32 $0x18C0, s5;
	[sflag:s30] =	ssyncadd.s32 $0xFFFFD000  }
0x5d: {  	[tilespmem:s3], [sflag:$0x3] =	stream.linear.gather [hbm4b:s5+s3], $0x180, $0x38;
	[tilespmem:$0x1ED00] =	vst v63  }
0x5e: {  	s10 =	sadd.s32 $0x18C0, s8  }
0x5f: {  	[tilespmem:s21], [sflag:$0x3] =	stream.linear.gather [hbm4b:s10+s3], $0x180, $0x38;
	[tilespmem:$0x1ED00] =	vst v63  }
0x60: {  	_ =	swait.ge [sflag:s31], $0x3000  }
0x61: {  	[sflag:s31] =	ssyncset.done $0x0  }
0x62: {  	[sflag:s31] =	ssyncadd.s32 $0xFFFFD000  }
0x63: {  	[spmem:s2] =	stream.indirect.scatter.add.f32 [tilespmem:s29], [sflag:$0x6], $0x20, s25, s23, $0xb8;
	[tilespmem:$0x1ED00] =	vst v63  }
0x64: {  	_ =	swait.ge [sflag:s22], $0x180  }
0x65: {  	[sflag:s22] =	ssyncset.done $0x0  }
0x66: {  	[sflag:s22] =	ssyncadd.s32 $0xFFFFFE80  }
0x67: {  	_ =	swait.ge [sflag:s22], $0x180  }
0x68: {  	[sflag:s22] =	ssyncset.done $0x0  }
0x69: {  	s5 =	simm.s32 $0xFFFFE860;
	[sflag:s22] =	ssyncadd.s32 $0xFFFFFE80  }
.LBB2_2:
0x6a: {  	[tilespmem:s24], [sflag:$0x1] =	stream.indirect.gather [hbm4b:s9+s23], $0x20, s3, s23, $0xb8;
	[tilespmem:$0x1ED00] =	vst v63  }
0x6b: {  	s7 =	smov.u32 s5  }
0x6c: {  	p0 =	sne.s32 s5, $0xFFFFFFA0;
	s5 =	sadd.s32 $0x60, s5;
	_ =	swait.ge [sflag:s0], $0x3000  }
0x6d: {  	s8 =	sadd.s32 s7, s19;
	[sflag:s0] =	ssyncset.done $0x0  }
0x6e: {  	s7 =	sadd.s32 s7, s18;
	s10 =	sadd.s32 $0x1890, s8;
	[sflag:s0] =	ssyncadd.s32 $0xFFFFD000  }
0x6f: {  	[tilespmem:s23], [sflag:$0x4] =	stream.linear.gather [hbm4b:s10+s3], $0x180, $0x38;
	[tilespmem:$0x1ED00] =	vst v63  }
0x70: {  	s10 =	sadd.s32 $0x1890, s7  }
0x71: {  	[tilespmem:s25], [sflag:$0x4] =	stream.linear.gather [hbm4b:s10+s3], $0x180, $0x38;
	[tilespmem:$0x1ED00] =	vst v63  }
0x72: {  	_ =	swait.ge [sflag:s26], $0x3000  }
0x73: {  	[sflag:s26] =	ssyncset.done $0x0  }
0x74: {  	[sflag:s26] =	ssyncadd.s32 $0xFFFFD000  }
0x75: {  	[spmem:s2] =	stream.indirect.scatter.add.f32 [tilespmem:s24], [sflag:$0x5], $0x20, s21, s23, $0xb8;
	[tilespmem:$0x1ED00] =	vst v63  }
0x76: {  	_ =	swait.ge [sflag:s28], $0x180  }
0x77: {  	[sflag:s28] =	ssyncset.done $0x0  }
0x78: {  	[sflag:s28] =	ssyncadd.s32 $0xFFFFFE80  }
0x79: {  	_ =	swait.ge [sflag:s28], $0x180  }
0x7a: {  	[sflag:s28] =	ssyncset.done $0x0  }
0x7b: {  	[sflag:s28] =	ssyncadd.s32 $0xFFFFFE80  }
0x7c: {  	[tilespmem:s29], [sflag:$0x2] =	stream.indirect.gather [hbm4b:s9+s23], $0x20, s23, s23, $0xb8;
	[tilespmem:$0x1ED00] =	vst v63  }
0x7d: {  	_ =	swait.ge [sflag:s30], $0x3000  }
0x7e: {  	[sflag:s30] =	ssyncset.done $0x0  }
0x7f: {  	s8 =	sadd.s32 $0x18C0, s8;
	[sflag:s30] =	ssyncadd.s32 $0xFFFFD000  }
0x80: {  	[tilespmem:s3], [sflag:$0x3] =	stream.linear.gather [hbm4b:s8+s3], $0x180, $0x38;
	[tilespmem:$0x1ED00] =	vst v63  }
0x81: {  	s7 =	sadd.s32 $0x18C0, s7  }
0x82: {  	[tilespmem:s21], [sflag:$0x3] =	stream.linear.gather [hbm4b:s7+s3], $0x180, $0x38;
	[tilespmem:$0x1ED00] =	vst v63  }
0x83: {  	_ =	swait.ge [sflag:s31], $0x3000  }
0x84: {  	[sflag:s31] =	ssyncset.done $0x0  }
0x85: {  	[sflag:s31] =	ssyncadd.s32 $0xFFFFD000  }
0x86: {  	[spmem:s2] =	stream.indirect.scatter.add.f32 [tilespmem:s29], [sflag:$0x6], $0x20, s25, s23, $0xb8;
	[tilespmem:$0x1ED00] =	vst v63  }
0x87: {  	_ =	swait.ge [sflag:s22], $0x180  }
.Ltmp0:
0x88: {  	[sflag:s22] =	ssyncset.done $0x0;
	(pc) =	sbr.rel @p0 .LBB2_2-.Ltmp0, $4  }
0x89: {  	[sflag:s22] =	ssyncadd.s32 $0xFFFFFE80  }
0x8a: {  	_ =	swait.ge [sflag:s22], $0x180  }
0x8b: {  	[sflag:s22] =	ssyncset.done $0x0  }
0x8c: {  	[sflag:s22] =	ssyncadd.s32 $0xFFFFFE80  }
0x8d: {  	[tilespmem:s24], [sflag:$0x1] =	stream.indirect.gather [hbm4b:s9+s23], $0x20, s3, s23, $0xb8;
	[tilespmem:$0x1ED00] =	vst v63  }
0x8e: {  	_ =	swait.ge [sflag:s0], $0x3000  }
0x8f: {  	[sflag:s0] =	ssyncset.done $0x0  }
0x90: {  	[sflag:s0] =	ssyncadd.s32 $0xFFFFD000  }
0x91: {  	[tilespmem:s23], [sflag:$0x4] =	stream.linear.gather [hbm4b:s16+s3], $0x180, $0x38;
	[tilespmem:$0x1ED00] =	vst v63  }
0x92: {  	_ = 	snop  }
0x93: {  	[tilespmem:s25], [sflag:$0x4] =	stream.linear.gather [hbm4b:s17+s3], $0x180, $0x38;
	[tilespmem:$0x1ED00] =	vst v63  }
0x94: {  	_ =	swait.ge [sflag:s26], $0x3000  }
0x95: {  	[sflag:s26] =	ssyncset.done $0x0  }
0x96: {  	[sflag:s26] =	ssyncadd.s32 $0xFFFFD000  }
0x97: {  	[spmem:s2] =	stream.indirect.scatter.add.f32 [tilespmem:s24], [sflag:$0x5], $0x20, s21, s23, $0xb8;
	[tilespmem:$0x1ED00] =	vst v63  }
0x98: {  	_ =	swait.ge [sflag:s28], $0x180  }
0x99: {  	[sflag:s28] =	ssyncset.done $0x0  }
0x9a: {  	[sflag:s28] =	ssyncadd.s32 $0xFFFFFE80  }
0x9b: {  	_ =	swait.ge [sflag:s28], $0x180  }
0x9c: {  	[sflag:s28] =	ssyncset.done $0x0  }
0x9d: {  	[sflag:s28] =	ssyncadd.s32 $0xFFFFFE80  }
0x9e: {  	[tilespmem:s29], [sflag:$0x2] =	stream.indirect.gather [hbm4b:s9+s23], $0x20, s23, s23, $0xb8;
	[tilespmem:$0x1ED00] =	vst v63  }
0x9f: {  	_ =	swait.ge [sflag:s30], $0x3000  }
0xa0: {  	[sflag:s30] =	ssyncset.done $0x0  }
0xa1: {  	[sflag:s30] =	ssyncadd.s32 $0xFFFFD000  }
0xa2: {  	_ =	swait.ge [sflag:s31], $0x3000  }
0xa3: {  	[sflag:s31] =	ssyncset.done $0x0  }
0xa4: {  	[sflag:s31] =	ssyncadd.s32 $0xFFFFD000  }
0xa5: {  	[spmem:s2] =	stream.indirect.scatter.add.f32 [tilespmem:s29], [sflag:$0x6], $0x20, s25, s23, $0xb8;
	[tilespmem:$0x1ED00] =	vst v63  }
0xa6: {  	_ =	swait.ge [sflag:s0], $0x3000  }
0xa7: {  	[sflag:s0] =	ssyncset.done $0x0  }
0xa8: {  	s1 =	sadd.s32 $0x1, s1;
	[sflag:s0] =	ssyncadd.s32 $0xFFFFD000  }
0xa9: {  	p0 =	sne.s32 s1, s11;
	[bflag:$0x0] =	sbarrier.arrive $0xFFFF  }
.Ltmp1:
0xaa: {  	s5 =	rddreg [dreg:$0x7];
	(pc) =	sbr.rel @p0 .LBB2_1-.Ltmp1, $4  }
0xab: {  	[hbm:s5], [sflag:s6] =	dma.local [spmem:s4], $0x30E0  }
0xac: {  	_ =	swait.ge [sflag:s20], $0x30E0  }
0xad: {  	[sflag:s20] =	ssyncset.done $0x0  }
0xae: {  	[sflag:s20] =	ssyncadd.s32 $0xFFFFCF20  }
0xaf: {  	_ =	sfence.sel $0x180000  }
0xb0: {  	[bflag:$0x0] =	sbarrier.arrive $0xFFFF  }
0xb1: {  	_ =	strace $0x90000047  }
0xb2: {  	s0 =	stileid.u32;
	[bflag:$0x2] =	sbarrier.arrive $0xFFFF  }
0xb3: {  	p0 =	sne.s32 s0, $0x0;
	s0 =	rddreg [dreg:$0x2]  }
0xb4: {  	s0 =	sadd.s32 @!p0 $0x100000, s0  }
0xb5: {  	[sflag:s0] =	ssyncadd.tile.s32 @!p0 $0x1;
	_ =	shalt  }
.Lfunc_end2:
_tile_overlayer_lowered:
.L_overlay_start_2:
0xb6: {  	(tag) =	ssettag $0x2  }
0xb7: {  	s0 =	rddreg [dreg:$0x0];
	s2 =	stileid.u32  }
0xb8: {  	s1 =	rddreg [dreg:$0x1];
	p0 =	sne.s32 s2, $0x0  }
0xb9: {  	s3 =	rddreg [dreg:$0x2];
	[bflag:$0x3] =	sbarrier.arrive $0xFFFF;
	s2 =	simm.s32 @!p0 $0x1C07  }
0xba: {  	[timem:s3], [sflag:s2] =	dma.local @!p0 [hbm:s0], s1  }
0xbb: {  	s0 =	simm.s32 @!p0 $0x7  }
0xbc: {  	_ =	swait.ge @!p0 [sflag:s0], s1  }
0xbd: {  	s1 =	ssub.s32 @!p0 $0x0, s1;
	[sflag:s0] =	ssyncset.done @!p0 $0x0  }
0xbe: {  	[sflag:s0] =	ssyncadd.s32 @!p0 s1  }
0xbf: {  	[bflag:$0x3] =	sbarrier.arrive $0xFFFF  }
0xc0: {  	_ =	shalt  }

// kernel: kernel.14.cloned.1.call-start
scs
__scs_entry_jumppad:
0x0: {  	(pc) =	sbr.rel $0x88, $3  }
0x1: {  	(tag) =	ssettag $0x0;
	lr =	simm.s32 $0x1  }
0x2: {  	[smem:$0x3F8C] =	sst lr;
	_ =	strace $0xD0000000  }
0x3: {  	_ = 	snop  }
0x4: {  	_ = 	snop  }
0x5: {  	_ = 	snop  }
0x6: {  	_ = 	snop  }
0x7: {  	_ = 	snop  }
__scs_overlays_trampoline_lowered:
0x8: {  	[smem:$0x3F9B] =	sst s0  }
0x9: {  	[smem:$0x3F9C] =	sst s1  }
0xa: {  	[smem:$0x3F9D] =	sst s2  }
0xb: {  	[smem:$0x3F9E] =	sst s3  }
0xc: {  	[smem:$0x3F9F] =	sst s4  }
0xd: {  	[smem:$0x3FA0] =	sst s5  }
0xe: {  	[smem:$0x3FA1] =	sst s6  }
0xf: {  	[smem:$0x3FA2] =	sst s7  }
0x10: {  	[smem:$0x3FA3] =	sst s8  }
0x11: {  	[smem:$0x3FA4] =	sst s9;
	s0 =	simm.s32 @!p0 $0x0  }
0x12: {  	s1 =	sld [smem:$0x3F8A];
	s0 =	simm.s32 @p0 $0x1  }
0x13: {  	[smem:$0x3FA5] =	sst s0;
	s0 =	simm.s32 @!p1 $0x0  }
0x14: {  	s2 =	sld [smem:$0x3F89];
	s0 =	simm.s32 @p1 $0x1  }
0x15: {  	[smem:$0x3FA6] =	sst s0;
	s0 =	simm.s32 @!p2 $0x0  }
0x16: {  	s3 =	sld [smem:$0x3FDB];
	s0 =	simm.s32 @p2 $0x1  }
0x17: {  	s4 =	simm.s32 $0x1BF5;
	[smem:$0x3FA8] =	sst s0  }
0x18: {  	s0 =	sld [smem:$0x3F8B];
	_ =	swait.ge [sflag:s4], $0x0  }
0x19: {  	s7 =	sld [smem:$0x3F8C]  }
0x1a: {  	s8 =	sadd.s32 $0xFFFFE003, lr  }
0x1b: {  	s9 =	sadd.s32 $0xFFFFFEF7, lr;
	s5 =	simm.s32 $0xFFFFFFFF;
	p2 =	slt.u32 s8, $0xFFFFF086  }
0x1c: {  	p1 =	slt.u32 s9, $0xF7A;
	s5 =	simm.s32 @!p2 $0x0  }
0x1d: {  	s5 =	simm.s32 @p1 $0x1;
	p0 =	seq.s32 s7, s2  }
0x1e: {  	s7 =	smul.u32 @!p0 $0xF7A, s2;
	p2 =	seq.s32 @!p0 s5, $0x0  }
0x1f: {  	s9 =	smul.u32 $0xF7A, s1;
	s8 =	simm.s32 @!p0 $0x1BF5;
	p2 =	por !p2, p0  }
0x20: {  	[sflag:s8] =	ssyncset.s32 @!p0 $0xFFFFF086;
	s6 =	sadd.s32 @!p0 s3, s7;
	s7 =	simm.s32 @!p0 $0x108  }
0x21: {  	s3 =	sadd.s32 s3, s9;
	s6 =	sadd.s32 @!p0 $0x88, s6;
	s7 =	simm.s32 @p2 $0x1082  }
0x22: {  	[simem:s7], [sflag:s8] =	dma.local @!p0 [hbm:s6], $0xF7A  }
0x23: {  	s9 =	sor.u32 $0xD0000000, s2;
	s6 =	simm.s32 $0x108;
	_ =	swait.ge @!p0 [sflag:s8], $0x0  }
0x24: {  	s3 =	sadd.s32 $0x88, s3;
	s6 =	simm.s32 @!p1 $0x1082;
	[sflag:s4] =	ssyncset.s32 $0xFFFFF086  }
0x25: {  	[simem:s6], [sflag:s4] =	dma.local [hbm:s3], $0xF7A  }
0x26: {  	[smem:$0x3F8C] =	sst s1;
	(tag) =	ssettag s2;
	_ =	strace s9  }
0x27: {  	s1 =	sld [smem:$0x3F9C]  }
0x28: {  	s2 =	sld [smem:$0x3F9D]  }
0x29: {  	s4 =	sld [smem:$0x3F9F]  }
0x2a: {  	p0 =	seq.s32 s5, $0x0;
	s5 =	sld [smem:$0x3FA0]  }
0x2b: {  	s6 =	sld [smem:$0x3FA1]  }
0x2c: {  	s7 =	sld [smem:$0x3FA2]  }
0x2d: {  	s3 =	simm.s32 $0x108;
	s8 =	sld [smem:$0x3FA3]  }
0x2e: {  	s3 =	simm.s32 @!p0 $0x1082;
	s9 =	sld [smem:$0x3FA4]  }
0x2f: {  	lr =	sadd.s32 s0, s3;
	s0 =	sld [smem:$0x3F9B]  }
0x30: {  	s3 =	sld [smem:$0x3F9E]  }
0x31: {  	[smem:$0x3FA7] =	sst s10  }
0x32: {  	s10 =	sld [smem:$0x3FA5];
	_ =	sdelay $0x3  }
0x33: {  	p0 =	seq.s32 s10, $0x1;
	s10 =	sld [smem:$0x3FA7];
	_ =	sdelay $0x3  }
0x34: {  	[smem:$0x3FA7] =	sst s10  }
0x35: {  	s10 =	sld [smem:$0x3FA6];
	_ =	sdelay $0x3  }
0x36: {  	p1 =	seq.s32 s10, $0x1;
	s10 =	sld [smem:$0x3FA7];
	_ =	sdelay $0x3  }
0x37: {  	[smem:$0x3FA7] =	sst s10  }
0x38: {  	s10 =	sld [smem:$0x3FA8]  }
0x39: {  	_ = 	snop;
	(pc) =	sbr.ind lr, $3  }
0x3a: {  	_ = 	snop  }
0x3b: {  	_ = 	snop  }
0x3c: {  	p2 =	seq.s32 s10, $0x1;
	s10 =	sld [smem:$0x3FA7]  }
0x3d: {  	_ =	shalt  }
0x3e: {  	_ =	shalt  }
0x3f: {  	_ =	shalt  }
0x40: {  	_ =	shalt  }
0x41: {  	_ =	shalt  }
0x42: {  	_ =	shalt  }
0x43: {  	_ =	shalt  }
0x44: {  	_ =	shalt  }
0x45: {  	_ =	shalt  }
0x46: {  	_ =	shalt  }
0x47: {  	_ =	shalt  }
0x48: {  	_ =	shalt  }
0x49: {  	_ =	shalt  }
0x4a: {  	_ =	shalt  }
0x4b: {  	_ =	shalt  }
0x4c: {  	_ =	shalt  }
0x4d: {  	_ =	shalt  }
0x4e: {  	_ =	shalt  }
0x4f: {  	_ =	shalt  }
0x50: {  	_ =	shalt  }
0x51: {  	_ =	shalt  }
0x52: {  	_ =	shalt  }
0x53: {  	_ =	shalt  }
0x54: {  	_ =	shalt  }
0x55: {  	_ =	shalt  }
0x56: {  	_ =	shalt  }
0x57: {  	_ =	shalt  }
0x58: {  	_ =	shalt  }
0x59: {  	_ =	shalt  }
0x5a: {  	_ =	shalt  }
0x5b: {  	_ =	shalt  }
0x5c: {  	_ =	shalt  }
0x5d: {  	_ =	shalt  }
0x5e: {  	_ =	shalt  }
0x5f: {  	_ =	shalt  }
0x60: {  	_ =	shalt  }
0x61: {  	_ =	shalt  }
0x62: {  	_ =	shalt  }
0x63: {  	_ =	shalt  }
0x64: {  	_ =	shalt  }
0x65: {  	_ =	shalt  }
0x66: {  	_ =	shalt  }
0x67: {  	_ =	shalt  }
0x68: {  	_ =	shalt  }
0x69: {  	_ =	shalt  }
0x6a: {  	_ =	shalt  }
0x6b: {  	_ =	shalt  }
0x6c: {  	_ =	shalt  }
0x6d: {  	_ =	shalt  }
0x6e: {  	_ =	shalt  }
0x6f: {  	_ =	shalt  }
0x70: {  	_ =	shalt  }
0x71: {  	_ =	shalt  }
0x72: {  	_ =	shalt  }
0x73: {  	_ =	shalt  }
0x74: {  	_ =	shalt  }
0x75: {  	_ =	shalt  }
0x76: {  	_ =	shalt  }
0x77: {  	_ =	shalt  }
0x78: {  	_ =	shalt  }
0x79: {  	_ =	shalt  }
0x7a: {  	_ =	shalt  }
0x7b: {  	_ =	shalt  }
0x7c: {  	_ =	shalt  }
0x7d: {  	_ =	shalt  }
0x7e: {  	_ =	shalt  }
0x7f: {  	_ =	shalt  }
0x80: {  	_ =	shalt  }
0x81: {  	_ =	shalt  }
0x82: {  	_ =	shalt  }
0x83: {  	_ =	shalt  }
0x84: {  	_ =	shalt  }
0x85: {  	_ =	shalt  }
0x86: {  	_ =	shalt  }
0x87: {  	_ =	shalt  }
.Lfunc_end0:
.L_simem_size_0:
called_computation.1_lowered:
.L_overlay_start_0:
0x88: {  	s2 =	sld [smem:$0x3FD9]  }
0x89: {  	s3 =	sld [smem:$0x3FFE];
	_ =	sdelay $0x1  }
0x8a: {  	s1 =	srdreg.scid  }
0x8b: {  	s0 =	sand.u32 $0x1, s1  }
0x8c: {  	s16 =	sshll.u32 s0, $0xA;
	s2 =	sadd.s32 s3, s2  }
0x8d: {  	s2 =	sadd.s32 s2, s16  }
0x8e: {  	[smem:$0x3FB3] =	sst s2  }
0x8f: {  	_ = 	snop  }
0x90: {  	(tm) =	ssettm $0x1  }
0x91: {  	s17 =	sld [smem:$0x3FFB];
	_ =	sdelay $0x3  }
0x92: {  	_ =	strace s17  }
0x93: {  	s2 =	sld [smem:$0x3FFC];
	_ =	sdelay $0x3  }
0x94: {  	_ =	strace s2  }
0x95: {  	s2 =	sld [smem:$0x3FFD];
	_ =	sdelay $0x3  }
0x96: {  	_ =	strace s2  }
0x97: {  	_ =	strace $0x8FFFFFFF  }
0x98: {  	s18 =	sld [smem:$0x3FDB];
	_ =	sdelay $0x1  }
0x99: {  	s19 =	simm.s32 $_scs_section_size  }
0x9a: {  	s4 =	simm.s32 $_size__tile_overlayer_lowered;
	s5 =	simm.s32 $_tile_overlayer_lowered  }
0x9b: {  	s22 =	simm.s32 $0x1BFF;
	s21 =	sshll.u32 s5, $0x1;
	s2 =	sadd.s32 s19, s18  }
0x9c: {  	s6 =	simm.s32 $0x0;
	s20 =	sshll.u32 s4, $0x1;
	s4 =	sadd.s32 s21, s2  }
0x9d: {  	[timem:s6], [sflag:s22] =	dma.local [hbm:s4], s20  }
0x9e: {  	_ =	swait.ge [sflag:s22], s20  }
0x9f: {  	s3 =	ssub.s32 $0x0, s20;
	[sflag:s22] =	ssyncset.done $0x0  }
0xa0: {  	[sflag:s22] =	ssyncadd.s32 s3;
	_ =	sdelay $0x1  }
0xa1: {  	s23 =	simm.s32 $0x1B8B  }
0xa2: {  	_ =	swait.ge [sflag:s23], $0x1  }
0xa3: {  	[sflag:s23] =	ssyncset.done $0x0  }
0xa4: {  	s25 =	simm.s32 $0x1B8E;
	s24 =	sld [smem:$0x3FFE];
	[sflag:s23] =	ssyncadd.s32 $0xFFFFFFFF  }
0xa5: {  	s26 =	simm.s32 $execute0_lowered;
	[smem:$0x3FD2] =	sst s25  }
0xa6: {  	s4 =	sshll.u32 s26, $0x1;
	_ =	strace $0x80000049;
	[dreg:$0x1] =	wrdreg $0xFFFFFFFF  }
0xa7: {  	s28 =	simm.s32 $_size_execute0_lowered;
	s2 =	sadd.s32 s2, s4;
	[dreg:$0x0] =	wrdreg $0x0  }
0xa8: {  	s4 =	sshll.u32 s28, $0x1;
	[dreg:$0x2] =	wrdreg s2  }
0xa9: {  	[dreg:$0x3] =	wrdreg s4  }
0xaa: {  	[dreg:$0x4] =	wrdreg $0xC0  }
0xab: {  	_ =	task [dreg:s6], $0x5FFFF  }
0xac: {  	[dreg:$0x1] =	wrdreg $0xFFFFFFFF  }
0xad: {  	[dreg:$0x0] =	wrdreg $0x60  }
0xae: {  	[dreg:$0x2] =	wrdreg s24  }
0xaf: {  	[dreg:$0x3] =	wrdreg $0x66000  }
0xb0: {  	[dreg:$0x4] =	wrdreg $0x9  }
0xb1: {  	_ =	task.clear_ibuf [dreg:s6], $0x5FFFF;
	_ =	strace $0x90000049  }
0xb2: {  	s29 =	simm.s32 $0x9;
	_ =	strace $0x8000004B  }
0xb3: {  	_ =	swait.ge [sflag:s29], $0x1  }
0xb4: {  	[sflag:s29] =	ssyncadd.s32 $0xFFFFFFFF  }
0xb5: {  	_ =	strace $0x9000004B  }
0xb6: {  	_ =	sfence  }
0xb7: {  	s30 =	sld [smem:$0x0];
	_ =	sdelay $0x2  }
0xb8: {  	s31 =	sshll.u32 s1, $0xD;
	s1 =	sshrl.u32 s1, $0x2  }
0xb9: {  	s3 =	sand.u32 $0x4000, s31;
	s1 =	sadd.s32 s1, s30  }
0xba: {  	s0 =	sor.u32 s3, s0;
	s1 =	sshll.u32 s1, $0x11  }
0xbb: {  	s0 =	sor.u32 s1, s0  }
0xbc: {  	s0 =	sadd.s32 $0x8F2B, s0  }
0xbd: {  	[sflag:s0] =	ssyncadd.remote.s32 $0x1  }
0xbe: {  	_ =	sfence.sel $0xFFFF  }
0xbf: {  	[dreg:$0x0] =	wrdreg $0xFFFFFFFF;
	(pc) =	sbr.abs _section_cstart, $3  }
0xc0: {  	[dreg:$0x1] =	wrdreg $0xFFFFFFFF  }
0xc1: {  	_ =	task.clear_ibuf [dreg:s6], $0x2FFFF;
	_ =	strace $0x9FFFFFFF  }
0xc2: {  	(tm) =	ssettm $0x7FFFFFFF  }
0xc3: {  	_ =	shalt  }
tec
execute0_lowered:
.L_overlay_start_1:
0x0: {  	(tag) =	ssettag $0x1  }
0x1: {  	s0 =	rddreg [dreg:$0x0]  }
0x2: {  	s2 =	rddreg [dreg:$0x1]  }
0x3: {  	s1 =	srdreg.scid;
	s8 =	stileid.u32;
	s3 =	simm.s32 $0x0  }
0x4: {  	s28 =	simm.s32 $0x4;
	s29 =	simm.s32 $0x3600;
	s30 =	simm.s32 $0x5  }
0x5: {  	s31 =	simm.s32 $0x2;
	s1 =	sand.u32 $0x1, s1;
	s4 =	smul.u32 $0x18700, s8  }
0x6: {  	[smem:$0x7FF] =	sst s3;
	s9 =	sadd.s32 $0x4400, s0;
	s10 =	smul.u32 $0xC600, s8  }
0x7: {  	s19 =	sadd.s32 $0x66000, s0;
	s18 =	sadd.s32 $0x7EC00, s0;
	s26 =	smul.u32 $0x18C0, s8  }
0x8: {  	s16 =	sshll.u32 s8, $0x6;
	s5 =	smul.u32 $0x187000, s1;
	s1 =	ssub.s32 $0x2, s1  }
0x9: {  	_ =	strace $0x8000004A;
	s7 =	sshrl.u32 s1, $0x1;
	s22 =	sor.u32 $0x180, s10  }
0xa: {  	s6 =	sadd.s32 s4, s5;
	s1 =	ssub.s32 s1, s7;
	s4 =	sadd.s32 s4, s2  }
0xb: {  	s20 =	sshrl.u32 s5, $0x3;
	s23 =	sshrl.u32 s22, $0x3;
	s22 =	simm.s32 $0x3  }
0xc: {  	s6 =	sshrl.u32 s6, $0x3;
	[dreg:$0x3] =	wrdreg s4;
	s11 =	smax.u32 s1, $0x1  }
0xd: {  	s12 =	sadd.s32 s19, s23;
	s13 =	sadd.s32 s18, s23;
	s23 =	simm.s32 $0x180  }
0xe: {  	s1 =	simm.s32 $0x0;
	s0 =	sadd.s32 s6, s0;
	s15 =	sadd.s32 s9, s6  }
0xf: {  	s6 =	sor.u32 $0x1C07, s16;
	s9 =	sadd.s32 s9, s20;
	s20 =	simm.s32 $0x7  }
0x10: {  	[dreg:$0x4] =	wrdreg s15;
	s15 =	sshrl.u32 s10, $0x3;
	s0 =	sadd.s32 $0x97800, s0  }
0x11: {  	s17 =	sadd.s32 s19, s15;
	s21 =	sadd.s32 s18, s15;
	[dreg:$0x7] =	wrdreg s0  }
0x12: {  	s24 =	sadd.s32 $0x60, s15;
	s25 =	sadd.s32 $0x1890, s15;
	[dreg:$0x5] =	wrdreg s17  }
0x13: {  	s0 =	simm.s32 $0x6;
	[dreg:$0x6] =	wrdreg s21;
	s14 =	sadd.s32 s19, s24  }
0x14: {  	s15 =	sadd.s32 s18, s24;
	s16 =	sadd.s32 s19, s25;
	s17 =	sadd.s32 s18, s25  }
0x15: {  	s18 =	sadd.s32 s26, s18;
	s19 =	sadd.s32 s26, s19;
	s21 =	simm.s32 $0x300  }
0x16: {  	s24 =	simm.s32 $0x600;
	s25 =	simm.s32 $0x480;
	s26 =	simm.s32 $0x1  }
.LBB2_1:
0x17: {  	s4 =	rddreg [dreg:$0x3]  }
0x18: {  	s5 =	rddreg [dreg:$0x4];
	s4 =	sshrl.u32 s4, $0x3  }
0x19: {  	[spmem:s4], [sflag:s6] =	dma.local [hbm:s5], $0x30E0  }
0x1a: {  	_ =	swait.ge [sflag:s20], $0x30E0  }
0x1b: {  	[sflag:s20] =	ssyncset.done $0x0  }
0x1c: {  	[sflag:s20] =	ssyncadd.s32 $0xFFFFCF20  }
0x1d: {  	[bflag:$0x0] =	sbarrier.arrive $0xFFFF  }
0x1e: {  	s7 =	rddreg [dreg:$0x5]  }
0x1f: {  	[tilespmem:s3], [sflag:$0x3] =	stream.linear.gather [hbm4b:s7+s3], $0x180, $0x38;
	[tilespmem:$0x1ED00] =	vst v63  }
0x20: {  	s8 =	rddreg [dreg:$0x6]  }
0x21: {  	[tilespmem:s21], [sflag:$0x3] =	stream.linear.gather [hbm4b:s8+s3], $0x180, $0x38;
	[tilespmem:$0x1ED00] =	vst v63  }
0x22: {  	_ =	swait.ge [sflag:s22], $0x180  }
0x23: {  	[sflag:s22] =	ssyncset.done $0x0  }
0x24: {  	[sflag:s22] =	ssyncadd.s32 $0xFFFFFE80  }
0x25: {  	_ =	swait.ge [sflag:s22], $0x180  }
0x26: {  	[sflag:s22] =	ssyncset.done $0x0  }
0x27: {  	[sflag:s22] =	ssyncadd.s32 $0xFFFFFE80  }
0x28: {  	[tilespmem:s24], [sflag:$0x1] =	stream.indirect.gather [hbm4b:s9+s23], $0x20, s3, s23, $0xb8;
	[tilespmem:$0x1ED00] =	vst v63  }
0x29: {  	_ = 	snop  }
0x2a: {  	[tilespmem:s23], [sflag:$0x4] =	stream.linear.gather [hbm4b:s12+s3], $0x180, $0x38;
	[tilespmem:$0x1ED00] =	vst v63  }
0x2b: {  	_ = 	snop  }
0x2c: {  	[tilespmem:s25], [sflag:$0x4] =	stream.linear.gather [hbm4b:s13+s3], $0x180, $0x38;
	[tilespmem:$0x1ED00] =	vst v63  }
0x2d: {  	_ =	swait.ge [sflag:s26], $0x3000  }
0x2e: {  	[sflag:s26] =	ssyncset.done $0x0  }
0x2f: {  	[sflag:s26] =	ssyncadd.s32 $0xFFFFD000  }
0x30: {  	[spmem:s2] =	stream.indirect.scatter.add.f32 [tilespmem:s24], [sflag:$0x5], $0x20, s21, s23, $0xb8;
	[tilespmem:$0x1ED00] =	vst v63  }
0x31: {  	_ =	swait.ge [sflag:s28], $0x180  }
0x32: {  	[sflag:s28] =	ssyncset.done $0x0  }
0x33: {  	[sflag:s28] =	ssyncadd.s32 $0xFFFFFE80  }
0x34: {  	_ =	swait.ge [sflag:s28], $0x180  }
0x35: {  	[sflag:s28] =	ssyncset.done $0x0  }
0x36: {  	[sflag:s28] =	ssyncadd.s32 $0xFFFFFE80  }
0x37: {  	[tilespmem:s29], [sflag:$0x2] =	stream.indirect.gather [hbm4b:s9+s23], $0x20, s23, s23, $0xb8;
	[tilespmem:$0x1ED00] =	vst v63  }
0x38: {  	_ =	swait.ge [sflag:s30], $0x3000  }
0x39: {  	[sflag:s30] =	ssyncset.done $0x0  }
0x3a: {  	[sflag:s30] =	ssyncadd.s32 $0xFFFFD000  }
0x3b: {  	[tilespmem:s3], [sflag:$0x3] =	stream.linear.gather [hbm4b:s14+s3], $0x180, $0x38;
	[tilespmem:$0x1ED00] =	vst v63  }
0x3c: {  	_ = 	snop  }
0x3d: {  	[tilespmem:s21], [sflag:$0x3] =	stream.linear.gather [hbm4b:s15+s3], $0x180, $0x38;
	[tilespmem:$0x1ED00] =	vst v63  }
0x3e: {  	_ =	swait.ge [sflag:s31], $0x3000  }
0x3f: {  	[sflag:s31] =	ssyncset.done $0x0  }
0x40: {  	[sflag:s31] =	ssyncadd.s32 $0xFFFFD000  }
0x41: {  	[spmem:s2] =	stream.indirect.scatter.add.f32 [tilespmem:s29], [sflag:$0x6], $0x20, s25, s23, $0xb8;
	[tilespmem:$0x1ED00] =	vst v63  }
0x42: {  	_ =	swait.ge [sflag:s22], $0x180  }
0x43: {  	[sflag:s22] =	ssyncset.done $0x0  }
0x44: {  	[sflag:s22] =	ssyncadd.s32 $0xFFFFFE80  }
0x45: {  	_ =	swait.ge [sflag:s22], $0x180  }
0x46: {  	[sflag:s22] =	ssyncset.done $0x0  }
0x47: {  	[sflag:s22] =	ssyncadd.s32 $0xFFFFFE80  }
0x48: {  	[tilespmem:s24], [sflag:$0x1] =	stream.indirect.gather [hbm4b:s9+s23], $0x20, s3, s23, $0xb8;
	[tilespmem:$0x1ED00] =	vst v63  }
0x49: {  	_ =	swait.ge [sflag:s0], $0x3000  }
0x4a: {  	s5 =	sadd.s32 $0xFFFFE800, s19;
	[sflag:s0] =	ssyncset.done $0x0  }
0x4b: {  	s7 =	sadd.s32 $0x1890, s5;
	s8 =	sadd.s32 $0xFFFFE800, s18;
	[sflag:s0] =	ssyncadd.s32 $0xFFFFD000  }
0x4c: {  	[tilespmem:s23], [sflag:$0x4] =	stream.linear.gather [hbm4b:s7+s3], $0x180, $0x38;
	[tilespmem:$0x1ED00] =	vst v63  }
0x4d: {  	s10 =	sadd.s32 $0x1890, s8  }
0x4e: {  	[tilespmem:s25], [sflag:$0x4] =	stream.linear.gather [hbm4b:s10+s3], $0x180, $0x38;
	[tilespmem:$0x1ED00] =	vst v63  }
0x4f: {  	_ =	swait.ge [sflag:s26], $0x3000  }
0x50: {  	[sflag:s26] =	ssyncset.done $0x0  }
0x51: {  	[sflag:s26] =	ssyncadd.s32 $0xFFFFD000  }
0x52: {  	[spmem:s2] =	stream.indirect.scatter.add.f32 [tilespmem:s24], [sflag:$0x5], $0x20, s21, s23, $0xb8;
	[tilespmem:$0x1ED00] =	vst v63  }
0x53: {  	_ =	swait.ge [sflag:s28], $0x180  }
0x54: {  	[sflag:s28] =	ssyncset.done $0x0  }
0x55: {  	[sflag:s28] =	ssyncadd.s32 $0xFFFFFE80  }
0x56: {  	_ =	swait.ge [sflag:s28], $0x180  }
0x57: {  	[sflag:s28] =	ssyncset.done $0x0  }
0x58: {  	[sflag:s28] =	ssyncadd.s32 $0xFFFFFE80  }
0x59: {  	[tilespmem:s29], [sflag:$0x2] =	stream.indirect.gather [hbm4b:s9+s23], $0x20, s23, s23, $0xb8;
	[tilespmem:$0x1ED00] =	vst v63  }
0x5a: {  	_ =	swait.ge [sflag:s30], $0x3000  }
0x5b: {  	[sflag:s30] =	ssyncset.done $0x0  }
0x5c: {  	s5 =	sadd.s32 $0x18C0, s5;
	[sflag:s30] =	ssyncadd.s32 $0xFFFFD000  }
0x5d: {  	[tilespmem:s3], [sflag:$0x3] =	stream.linear.gather [hbm4b:s5+s3], $0x180, $0x38;
	[tilespmem:$0x1ED00] =	vst v63  }
0x5e: {  	s10 =	sadd.s32 $0x18C0, s8  }
0x5f: {  	[tilespmem:s21], [sflag:$0x3] =	stream.linear.gather [hbm4b:s10+s3], $0x180, $0x38;
	[tilespmem:$0x1ED00] =	vst v63  }
0x60: {  	_ =	swait.ge [sflag:s31], $0x3000  }
0x61: {  	[sflag:s31] =	ssyncset.done $0x0  }
0x62: {  	[sflag:s31] =	ssyncadd.s32 $0xFFFFD000  }
0x63: {  	[spmem:s2] =	stream.indirect.scatter.add.f32 [tilespmem:s29], [sflag:$0x6], $0x20, s25, s23, $0xb8;
	[tilespmem:$0x1ED00] =	vst v63  }
0x64: {  	_ =	swait.ge [sflag:s22], $0x180  }
0x65: {  	[sflag:s22] =	ssyncset.done $0x0  }
0x66: {  	[sflag:s22] =	ssyncadd.s32 $0xFFFFFE80  }
0x67: {  	_ =	swait.ge [sflag:s22], $0x180  }
0x68: {  	[sflag:s22] =	ssyncset.done $0x0  }
0x69: {  	s5 =	simm.s32 $0xFFFFE860;
	[sflag:s22] =	ssyncadd.s32 $0xFFFFFE80  }
.LBB2_2:
0x6a: {  	[tilespmem:s24], [sflag:$0x1] =	stream.indirect.gather [hbm4b:s9+s23], $0x20, s3, s23, $0xb8;
	[tilespmem:$0x1ED00] =	vst v63  }
0x6b: {  	s7 =	smov.u32 s5  }
0x6c: {  	p0 =	sne.s32 s5, $0xFFFFFFA0;
	s5 =	sadd.s32 $0x60, s5;
	_ =	swait.ge [sflag:s0], $0x3000  }
0x6d: {  	s8 =	sadd.s32 s7, s19;
	[sflag:s0] =	ssyncset.done $0x0  }
0x6e: {  	s7 =	sadd.s32 s7, s18;
	s10 =	sadd.s32 $0x1890, s8;
	[sflag:s0] =	ssyncadd.s32 $0xFFFFD000  }
0x6f: {  	[tilespmem:s23], [sflag:$0x4] =	stream.linear.gather [hbm4b:s10+s3], $0x180, $0x38;
	[tilespmem:$0x1ED00] =	vst v63  }
0x70: {  	s10 =	sadd.s32 $0x1890, s7  }
0x71: {  	[tilespmem:s25], [sflag:$0x4] =	stream.linear.gather [hbm4b:s10+s3], $0x180, $0x38;
	[tilespmem:$0x1ED00] =	vst v63  }
0x72: {  	_ =	swait.ge [sflag:s26], $0x3000  }
0x73: {  	[sflag:s26] =	ssyncset.done $0x0  }
0x74: {  	[sflag:s26] =	ssyncadd.s32 $0xFFFFD000  }
0x75: {  	[spmem:s2] =	stream.indirect.scatter.add.f32 [tilespmem:s24], [sflag:$0x5], $0x20, s21, s23, $0xb8;
	[tilespmem:$0x1ED00] =	vst v63  }
0x76: {  	_ =	swait.ge [sflag:s28], $0x180  }
0x77: {  	[sflag:s28] =	ssyncset.done $0x0  }
0x78: {  	[sflag:s28] =	ssyncadd.s32 $0xFFFFFE80  }
0x79: {  	_ =	swait.ge [sflag:s28], $0x180  }
0x7a: {  	[sflag:s28] =	ssyncset.done $0x0  }
0x7b: {  	[sflag:s28] =	ssyncadd.s32 $0xFFFFFE80  }
0x7c: {  	[tilespmem:s29], [sflag:$0x2] =	stream.indirect.gather [hbm4b:s9+s23], $0x20, s23, s23, $0xb8;
	[tilespmem:$0x1ED00] =	vst v63  }
0x7d: {  	_ =	swait.ge [sflag:s30], $0x3000  }
0x7e: {  	[sflag:s30] =	ssyncset.done $0x0  }
0x7f: {  	s8 =	sadd.s32 $0x18C0, s8;
	[sflag:s30] =	ssyncadd.s32 $0xFFFFD000  }
0x80: {  	[tilespmem:s3], [sflag:$0x3] =	stream.linear.gather [hbm4b:s8+s3], $0x180, $0x38;
	[tilespmem:$0x1ED00] =	vst v63  }
0x81: {  	s7 =	sadd.s32 $0x18C0, s7  }
0x82: {  	[tilespmem:s21], [sflag:$0x3] =	stream.linear.gather [hbm4b:s7+s3], $0x180, $0x38;
	[tilespmem:$0x1ED00] =	vst v63  }
0x83: {  	_ =	swait.ge [sflag:s31], $0x3000  }
0x84: {  	[sflag:s31] =	ssyncset.done $0x0  }
0x85: {  	[sflag:s31] =	ssyncadd.s32 $0xFFFFD000  }
0x86: {  	[spmem:s2] =	stream.indirect.scatter.add.f32 [tilespmem:s29], [sflag:$0x6], $0x20, s25, s23, $0xb8;
	[tilespmem:$0x1ED00] =	vst v63  }
0x87: {  	_ =	swait.ge [sflag:s22], $0x180  }
.Ltmp0:
0x88: {  	[sflag:s22] =	ssyncset.done $0x0;
	(pc) =	sbr.rel @p0 .LBB2_2-.Ltmp0, $4  }
0x89: {  	[sflag:s22] =	ssyncadd.s32 $0xFFFFFE80  }
0x8a: {  	_ =	swait.ge [sflag:s22], $0x180  }
0x8b: {  	[sflag:s22] =	ssyncset.done $0x0  }
0x8c: {  	[sflag:s22] =	ssyncadd.s32 $0xFFFFFE80  }
0x8d: {  	[tilespmem:s24], [sflag:$0x1] =	stream.indirect.gather [hbm4b:s9+s23], $0x20, s3, s23, $0xb8;
	[tilespmem:$0x1ED00] =	vst v63  }
0x8e: {  	_ =	swait.ge [sflag:s0], $0x3000  }
0x8f: {  	[sflag:s0] =	ssyncset.done $0x0  }
0x90: {  	[sflag:s0] =	ssyncadd.s32 $0xFFFFD000  }
0x91: {  	[tilespmem:s23], [sflag:$0x4] =	stream.linear.gather [hbm4b:s16+s3], $0x180, $0x38;
	[tilespmem:$0x1ED00] =	vst v63  }
0x92: {  	_ = 	snop  }
0x93: {  	[tilespmem:s25], [sflag:$0x4] =	stream.linear.gather [hbm4b:s17+s3], $0x180, $0x38;
	[tilespmem:$0x1ED00] =	vst v63  }
0x94: {  	_ =	swait.ge [sflag:s26], $0x3000  }
0x95: {  	[sflag:s26] =	ssyncset.done $0x0  }
0x96: {  	[sflag:s26] =	ssyncadd.s32 $0xFFFFD000  }
0x97: {  	[spmem:s2] =	stream.indirect.scatter.add.f32 [tilespmem:s24], [sflag:$0x5], $0x20, s21, s23, $0xb8;
	[tilespmem:$0x1ED00] =	vst v63  }
0x98: {  	_ =	swait.ge [sflag:s28], $0x180  }
0x99: {  	[sflag:s28] =	ssyncset.done $0x0  }
0x9a: {  	[sflag:s28] =	ssyncadd.s32 $0xFFFFFE80  }
0x9b: {  	_ =	swait.ge [sflag:s28], $0x180  }
0x9c: {  	[sflag:s28] =	ssyncset.done $0x0  }
0x9d: {  	[sflag:s28] =	ssyncadd.s32 $0xFFFFFE80  }
0x9e: {  	[tilespmem:s29], [sflag:$0x2] =	stream.indirect.gather [hbm4b:s9+s23], $0x20, s23, s23, $0xb8;
	[tilespmem:$0x1ED00] =	vst v63  }
0x9f: {  	_ =	swait.ge [sflag:s30], $0x3000  }
0xa0: {  	[sflag:s30] =	ssyncset.done $0x0  }
0xa1: {  	[sflag:s30] =	ssyncadd.s32 $0xFFFFD000  }
0xa2: {  	_ =	swait.ge [sflag:s31], $0x3000  }
0xa3: {  	[sflag:s31] =	ssyncset.done $0x0  }
0xa4: {  	[sflag:s31] =	ssyncadd.s32 $0xFFFFD000  }
0xa5: {  	[spmem:s2] =	stream.indirect.scatter.add.f32 [tilespmem:s29], [sflag:$0x6], $0x20, s25, s23, $0xb8;
	[tilespmem:$0x1ED00] =	vst v63  }
0xa6: {  	_ =	swait.ge [sflag:s0], $0x3000  }
0xa7: {  	[sflag:s0] =	ssyncset.done $0x0  }
0xa8: {  	s1 =	sadd.s32 $0x1, s1;
	[sflag:s0] =	ssyncadd.s32 $0xFFFFD000  }
0xa9: {  	p0 =	sne.s32 s1, s11;
	[bflag:$0x0] =	sbarrier.arrive $0xFFFF  }
.Ltmp1:
0xaa: {  	s5 =	rddreg [dreg:$0x7];
	(pc) =	sbr.rel @p0 .LBB2_1-.Ltmp1, $4  }
0xab: {  	[hbm:s5], [sflag:s6] =	dma.local [spmem:s4], $0x30E0  }
0xac: {  	_ =	swait.ge [sflag:s20], $0x30E0  }
0xad: {  	[sflag:s20] =	ssyncset.done $0x0  }
0xae: {  	[sflag:s20] =	ssyncadd.s32 $0xFFFFCF20  }
0xaf: {  	_ =	sfence.sel $0x180000  }
0xb0: {  	[bflag:$0x0] =	sbarrier.arrive $0xFFFF  }
0xb1: {  	_ =	strace $0x9000004A  }
0xb2: {  	s0 =	stileid.u32;
	[bflag:$0x2] =	sbarrier.arrive $0xFFFF  }
0xb3: {  	p0 =	sne.s32 s0, $0x0;
	s0 =	rddreg [dreg:$0x2]  }
0xb4: {  	s0 =	sadd.s32 @!p0 $0x100000, s0  }
0xb5: {  	[sflag:s0] =	ssyncadd.tile.s32 @!p0 $0x1;
	_ =	shalt  }
.Lfunc_end2:
_tile_overlayer_lowered:
.L_overlay_start_2:
0xb6: {  	(tag) =	ssettag $0x2  }
0xb7: {  	s0 =	rddreg [dreg:$0x0];
	s2 =	stileid.u32  }
0xb8: {  	s1 =	rddreg [dreg:$0x1];
	p0 =	sne.s32 s2, $0x0  }
0xb9: {  	s3 =	rddreg [dreg:$0x2];
	[bflag:$0x3] =	sbarrier.arrive $0xFFFF;
	s2 =	simm.s32 @!p0 $0x1C07  }
0xba: {  	[timem:s3], [sflag:s2] =	dma.local @!p0 [hbm:s0], s1  }
0xbb: {  	s0 =	simm.s32 @!p0 $0x7  }
0xbc: {  	_ =	swait.ge @!p0 [sflag:s0], s1  }
0xbd: {  	s1 =	ssub.s32 @!p0 $0x0, s1;
	[sflag:s0] =	ssyncset.done @!p0 $0x0  }
0xbe: {  	[sflag:s0] =	ssyncadd.s32 @!p0 s1  }
0xbf: {  	[bflag:$0x3] =	sbarrier.arrive $0xFFFF  }
0xc0: {  	_ =	shalt  }

// kernel: kernel.17.cloned.1.call-start
scs
__scs_entry_jumppad:
0x0: {  	(pc) =	sbr.rel $0x88, $3  }
0x1: {  	(tag) =	ssettag $0x0;
	lr =	simm.s32 $0x1  }
0x2: {  	[smem:$0x3F8C] =	sst lr;
	_ =	strace $0xD0000000  }
0x3: {  	_ = 	snop  }
0x4: {  	_ = 	snop  }
0x5: {  	_ = 	snop  }
0x6: {  	_ = 	snop  }
0x7: {  	_ = 	snop  }
__scs_overlays_trampoline_lowered:
0x8: {  	[smem:$0x3F9B] =	sst s0  }
0x9: {  	[smem:$0x3F9C] =	sst s1  }
0xa: {  	[smem:$0x3F9D] =	sst s2  }
0xb: {  	[smem:$0x3F9E] =	sst s3  }
0xc: {  	[smem:$0x3F9F] =	sst s4  }
0xd: {  	[smem:$0x3FA0] =	sst s5  }
0xe: {  	[smem:$0x3FA1] =	sst s6  }
0xf: {  	[smem:$0x3FA2] =	sst s7  }
0x10: {  	[smem:$0x3FA3] =	sst s8  }
0x11: {  	[smem:$0x3FA4] =	sst s9;
	s0 =	simm.s32 @!p0 $0x0  }
0x12: {  	s1 =	sld [smem:$0x3F8A];
	s0 =	simm.s32 @p0 $0x1  }
0x13: {  	[smem:$0x3FA5] =	sst s0;
	s0 =	simm.s32 @!p1 $0x0  }
0x14: {  	s2 =	sld [smem:$0x3F89];
	s0 =	simm.s32 @p1 $0x1  }
0x15: {  	[smem:$0x3FA6] =	sst s0;
	s0 =	simm.s32 @!p2 $0x0  }
0x16: {  	s3 =	sld [smem:$0x3FDB];
	s0 =	simm.s32 @p2 $0x1  }
0x17: {  	s4 =	simm.s32 $0x1BF5;
	[smem:$0x3FA8] =	sst s0  }
0x18: {  	s0 =	sld [smem:$0x3F8B];
	_ =	swait.ge [sflag:s4], $0x0  }
0x19: {  	s7 =	sld [smem:$0x3F8C]  }
0x1a: {  	s8 =	sadd.s32 $0xFFFFE003, lr  }
0x1b: {  	s9 =	sadd.s32 $0xFFFFFEF7, lr;
	s5 =	simm.s32 $0xFFFFFFFF;
	p2 =	slt.u32 s8, $0xFFFFF086  }
0x1c: {  	p1 =	slt.u32 s9, $0xF7A;
	s5 =	simm.s32 @!p2 $0x0  }
0x1d: {  	s5 =	simm.s32 @p1 $0x1;
	p0 =	seq.s32 s7, s2  }
0x1e: {  	s7 =	smul.u32 @!p0 $0xF7A, s2;
	p2 =	seq.s32 @!p0 s5, $0x0  }
0x1f: {  	s9 =	smul.u32 $0xF7A, s1;
	s8 =	simm.s32 @!p0 $0x1BF5;
	p2 =	por !p2, p0  }
0x20: {  	[sflag:s8] =	ssyncset.s32 @!p0 $0xFFFFF086;
	s6 =	sadd.s32 @!p0 s3, s7;
	s7 =	simm.s32 @!p0 $0x108  }
0x21: {  	s3 =	sadd.s32 s3, s9;
	s6 =	sadd.s32 @!p0 $0x88, s6;
	s7 =	simm.s32 @p2 $0x1082  }
0x22: {  	[simem:s7], [sflag:s8] =	dma.local @!p0 [hbm:s6], $0xF7A  }
0x23: {  	s9 =	sor.u32 $0xD0000000, s2;
	s6 =	simm.s32 $0x108;
	_ =	swait.ge @!p0 [sflag:s8], $0x0  }
0x24: {  	s3 =	sadd.s32 $0x88, s3;
	s6 =	simm.s32 @!p1 $0x1082;
	[sflag:s4] =	ssyncset.s32 $0xFFFFF086  }
0x25: {  	[simem:s6], [sflag:s4] =	dma.local [hbm:s3], $0xF7A  }
0x26: {  	[smem:$0x3F8C] =	sst s1;
	(tag) =	ssettag s2;
	_ =	strace s9  }
0x27: {  	s1 =	sld [smem:$0x3F9C]  }
0x28: {  	s2 =	sld [smem:$0x3F9D]  }
0x29: {  	s4 =	sld [smem:$0x3F9F]  }
0x2a: {  	p0 =	seq.s32 s5, $0x0;
	s5 =	sld [smem:$0x3FA0]  }
0x2b: {  	s6 =	sld [smem:$0x3FA1]  }
0x2c: {  	s7 =	sld [smem:$0x3FA2]  }
0x2d: {  	s3 =	simm.s32 $0x108;
	s8 =	sld [smem:$0x3FA3]  }
0x2e: {  	s3 =	simm.s32 @!p0 $0x1082;
	s9 =	sld [smem:$0x3FA4]  }
0x2f: {  	lr =	sadd.s32 s0, s3;
	s0 =	sld [smem:$0x3F9B]  }
0x30: {  	s3 =	sld [smem:$0x3F9E]  }
0x31: {  	[smem:$0x3FA7] =	sst s10  }
0x32: {  	s10 =	sld [smem:$0x3FA5];
	_ =	sdelay $0x3  }
0x33: {  	p0 =	seq.s32 s10, $0x1;
	s10 =	sld [smem:$0x3FA7];
	_ =	sdelay $0x3  }
0x34: {  	[smem:$0x3FA7] =	sst s10  }
0x35: {  	s10 =	sld [smem:$0x3FA6];
	_ =	sdelay $0x3  }
0x36: {  	p1 =	seq.s32 s10, $0x1;
	s10 =	sld [smem:$0x3FA7];
	_ =	sdelay $0x3  }
0x37: {  	[smem:$0x3FA7] =	sst s10  }
0x38: {  	s10 =	sld [smem:$0x3FA8]  }
0x39: {  	_ = 	snop;
	(pc) =	sbr.ind lr, $3  }
0x3a: {  	_ = 	snop  }
0x3b: {  	_ = 	snop  }
0x3c: {  	p2 =	seq.s32 s10, $0x1;
	s10 =	sld [smem:$0x3FA7]  }
0x3d: {  	_ =	shalt  }
0x3e: {  	_ =	shalt  }
0x3f: {  	_ =	shalt  }
0x40: {  	_ =	shalt  }
0x41: {  	_ =	shalt  }
0x42: {  	_ =	shalt  }
0x43: {  	_ =	shalt  }
0x44: {  	_ =	shalt  }
0x45: {  	_ =	shalt  }
0x46: {  	_ =	shalt  }
0x47: {  	_ =	shalt  }
0x48: {  	_ =	shalt  }
0x49: {  	_ =	shalt  }
0x4a: {  	_ =	shalt  }
0x4b: {  	_ =	shalt  }
0x4c: {  	_ =	shalt  }
0x4d: {  	_ =	shalt  }
0x4e: {  	_ =	shalt  }
0x4f: {  	_ =	shalt  }
0x50: {  	_ =	shalt  }
0x51: {  	_ =	shalt  }
0x52: {  	_ =	shalt  }
0x53: {  	_ =	shalt  }
0x54: {  	_ =	shalt  }
0x55: {  	_ =	shalt  }
0x56: {  	_ =	shalt  }
0x57: {  	_ =	shalt  }
0x58: {  	_ =	shalt  }
0x59: {  	_ =	shalt  }
0x5a: {  	_ =	shalt  }
0x5b: {  	_ =	shalt  }
0x5c: {  	_ =	shalt  }
0x5d: {  	_ =	shalt  }
0x5e: {  	_ =	shalt  }
0x5f: {  	_ =	shalt  }
0x60: {  	_ =	shalt  }
0x61: {  	_ =	shalt  }
0x62: {  	_ =	shalt  }
0x63: {  	_ =	shalt  }
0x64: {  	_ =	shalt  }
0x65: {  	_ =	shalt  }
0x66: {  	_ =	shalt  }
0x67: {  	_ =	shalt  }
0x68: {  	_ =	shalt  }
0x69: {  	_ =	shalt  }
0x6a: {  	_ =	shalt  }
0x6b: {  	_ =	shalt  }
0x6c: {  	_ =	shalt  }
0x6d: {  	_ =	shalt  }
0x6e: {  	_ =	shalt  }
0x6f: {  	_ =	shalt  }
0x70: {  	_ =	shalt  }
0x71: {  	_ =	shalt  }
0x72: {  	_ =	shalt  }
0x73: {  	_ =	shalt  }
0x74: {  	_ =	shalt  }
0x75: {  	_ =	shalt  }
0x76: {  	_ =	shalt  }
0x77: {  	_ =	shalt  }
0x78: {  	_ =	shalt  }
0x79: {  	_ =	shalt  }
0x7a: {  	_ =	shalt  }
0x7b: {  	_ =	shalt  }
0x7c: {  	_ =	shalt  }
0x7d: {  	_ =	shalt  }
0x7e: {  	_ =	shalt  }
0x7f: {  	_ =	shalt  }
0x80: {  	_ =	shalt  }
0x81: {  	_ =	shalt  }
0x82: {  	_ =	shalt  }
0x83: {  	_ =	shalt  }
0x84: {  	_ =	shalt  }
0x85: {  	_ =	shalt  }
0x86: {  	_ =	shalt  }
0x87: {  	_ =	shalt  }
.Lfunc_end0:
.L_simem_size_0:
called_computation.2_lowered:
.L_overlay_start_0:
0x88: {  	s2 =	sld [smem:$0x3FD9]  }
0x89: {  	s3 =	sld [smem:$0x3FFE];
	_ =	sdelay $0x1  }
0x8a: {  	s1 =	srdreg.scid  }
0x8b: {  	s0 =	sand.u32 $0x1, s1  }
0x8c: {  	s16 =	sshll.u32 s0, $0xA;
	s2 =	sadd.s32 s3, s2  }
0x8d: {  	s2 =	sadd.s32 s2, s16  }
0x8e: {  	[smem:$0x3FB3] =	sst s2  }
0x8f: {  	_ = 	snop  }
0x90: {  	(tm) =	ssettm $0x1  }
0x91: {  	s17 =	sld [smem:$0x3FFB];
	_ =	sdelay $0x3  }
0x92: {  	_ =	strace s17  }
0x93: {  	s2 =	sld [smem:$0x3FFC];
	_ =	sdelay $0x3  }
0x94: {  	_ =	strace s2  }
0x95: {  	s2 =	sld [smem:$0x3FFD];
	_ =	sdelay $0x3  }
0x96: {  	_ =	strace s2  }
0x97: {  	_ =	strace $0x8FFFFFFF  }
0x98: {  	s18 =	sld [smem:$0x3FDB];
	_ =	sdelay $0x1  }
0x99: {  	s19 =	simm.s32 $_scs_section_size  }
0x9a: {  	s4 =	simm.s32 $_size__tile_overlayer_lowered;
	s5 =	simm.s32 $_tile_overlayer_lowered  }
0x9b: {  	s22 =	simm.s32 $0x1BFF;
	s21 =	sshll.u32 s5, $0x1;
	s2 =	sadd.s32 s19, s18  }
0x9c: {  	s6 =	simm.s32 $0x0;
	s20 =	sshll.u32 s4, $0x1;
	s4 =	sadd.s32 s21, s2  }
0x9d: {  	[timem:s6], [sflag:s22] =	dma.local [hbm:s4], s20  }
0x9e: {  	_ =	swait.ge [sflag:s22], s20  }
0x9f: {  	s3 =	ssub.s32 $0x0, s20;
	[sflag:s22] =	ssyncset.done $0x0  }
0xa0: {  	[sflag:s22] =	ssyncadd.s32 s3;
	_ =	sdelay $0x1  }
0xa1: {  	s23 =	simm.s32 $0x1B8B  }
0xa2: {  	_ =	swait.ge [sflag:s23], $0x1  }
0xa3: {  	[sflag:s23] =	ssyncset.done $0x0  }
0xa4: {  	s25 =	simm.s32 $0x1B8E;
	s24 =	sld [smem:$0x3FFE];
	[sflag:s23] =	ssyncadd.s32 $0xFFFFFFFF  }
0xa5: {  	s26 =	simm.s32 $execute0_lowered;
	[smem:$0x3FD2] =	sst s25  }
0xa6: {  	s4 =	sshll.u32 s26, $0x1;
	_ =	strace $0x8000004C;
	[dreg:$0x1] =	wrdreg $0xFFFFFFFF  }
0xa7: {  	s28 =	simm.s32 $_size_execute0_lowered;
	s2 =	sadd.s32 s2, s4;
	[dreg:$0x0] =	wrdreg $0x0  }
0xa8: {  	s4 =	sshll.u32 s28, $0x1;
	[dreg:$0x2] =	wrdreg s2  }
0xa9: {  	[dreg:$0x3] =	wrdreg s4  }
0xaa: {  	[dreg:$0x4] =	wrdreg $0xC0  }
0xab: {  	_ =	task [dreg:s6], $0x5FFFF  }
0xac: {  	[dreg:$0x1] =	wrdreg $0xFFFFFFFF  }
0xad: {  	[dreg:$0x0] =	wrdreg $0x60  }
0xae: {  	[dreg:$0x2] =	wrdreg s24  }
0xaf: {  	[dreg:$0x3] =	wrdreg $0x66000  }
0xb0: {  	[dreg:$0x4] =	wrdreg $0x9  }
0xb1: {  	_ =	task.clear_ibuf [dreg:s6], $0x5FFFF;
	_ =	strace $0x9000004C  }
0xb2: {  	s29 =	simm.s32 $0x9;
	_ =	strace $0x8000004E  }
0xb3: {  	_ =	swait.ge [sflag:s29], $0x1  }
0xb4: {  	[sflag:s29] =	ssyncadd.s32 $0xFFFFFFFF  }
0xb5: {  	_ =	strace $0x9000004E  }
0xb6: {  	_ =	sfence  }
0xb7: {  	s30 =	sld [smem:$0x0];
	_ =	sdelay $0x2  }
0xb8: {  	s31 =	sshll.u32 s1, $0xD;
	s1 =	sshrl.u32 s1, $0x2  }
0xb9: {  	s3 =	sand.u32 $0x4000, s31;
	s1 =	sadd.s32 s1, s30  }
0xba: {  	s0 =	sor.u32 s3, s0;
	s1 =	sshll.u32 s1, $0x11  }
0xbb: {  	s0 =	sor.u32 s1, s0  }
0xbc: {  	s0 =	sadd.s32 $0x8F2B, s0  }
0xbd: {  	[sflag:s0] =	ssyncadd.remote.s32 $0x1  }
0xbe: {  	_ =	sfence.sel $0xFFFF  }
0xbf: {  	[dreg:$0x0] =	wrdreg $0xFFFFFFFF;
	(pc) =	sbr.abs _section_cstart, $3  }
0xc0: {  	[dreg:$0x1] =	wrdreg $0xFFFFFFFF  }
0xc1: {  	_ =	task.clear_ibuf [dreg:s6], $0x2FFFF;
	_ =	strace $0x9FFFFFFF  }
0xc2: {  	(tm) =	ssettm $0x7FFFFFFF  }
0xc3: {  	_ =	shalt  }
tec
execute0_lowered:
.L_overlay_start_1:
0x0: {  	(tag) =	ssettag $0x1  }
0x1: {  	s0 =	rddreg [dreg:$0x0]  }
0x2: {  	s2 =	rddreg [dreg:$0x1]  }
0x3: {  	s1 =	srdreg.scid;
	s8 =	stileid.u32;
	s3 =	simm.s32 $0x0  }
0x4: {  	s28 =	simm.s32 $0x4;
	s29 =	simm.s32 $0x3600;
	s30 =	simm.s32 $0x5  }
0x5: {  	s31 =	simm.s32 $0x2;
	s1 =	sand.u32 $0x1, s1;
	s4 =	smul.u32 $0x18700, s8  }
0x6: {  	[smem:$0x7FF] =	sst s3;
	s9 =	sadd.s32 $0x4400, s0;
	s10 =	smul.u32 $0xC600, s8  }
0x7: {  	s19 =	sadd.s32 $0x66000, s0;
	s18 =	sadd.s32 $0x7EC00, s0;
	s26 =	smul.u32 $0x18C0, s8  }
0x8: {  	s16 =	sshll.u32 s8, $0x6;
	s5 =	smul.u32 $0x187000, s1;
	s1 =	ssub.s32 $0x2, s1  }
0x9: {  	_ =	strace $0x8000004D;
	s7 =	sshrl.u32 s1, $0x1;
	s22 =	sor.u32 $0x180, s10  }
0xa: {  	s6 =	sadd.s32 s4, s5;
	s1 =	ssub.s32 s1, s7;
	s4 =	sadd.s32 s4, s2  }
0xb: {  	s20 =	sshrl.u32 s5, $0x3;
	s23 =	sshrl.u32 s22, $0x3;
	s22 =	simm.s32 $0x3  }
0xc: {  	s6 =	sshrl.u32 s6, $0x3;
	[dreg:$0x3] =	wrdreg s4;
	s11 =	smax.u32 s1, $0x1  }
0xd: {  	s12 =	sadd.s32 s19, s23;
	s13 =	sadd.s32 s18, s23;
	s23 =	simm.s32 $0x180  }
0xe: {  	s1 =	simm.s32 $0x0;
	s0 =	sadd.s32 s6, s0;
	s15 =	sadd.s32 s9, s6  }
0xf: {  	s6 =	sor.u32 $0x1C07, s16;
	s9 =	sadd.s32 s9, s20;
	s20 =	simm.s32 $0x7  }
0x10: {  	[dreg:$0x4] =	wrdreg s15;
	s15 =	sshrl.u32 s10, $0x3;
	s0 =	sadd.s32 $0x97800, s0  }
0x11: {  	s17 =	sadd.s32 s19, s15;
	s21 =	sadd.s32 s18, s15;
	[dreg:$0x7] =	wrdreg s0  }
0x12: {  	s24 =	sadd.s32 $0x60, s15;
	s25 =	sadd.s32 $0x1890, s15;
	[dreg:$0x5] =	wrdreg s17  }
0x13: {  	s0 =	simm.s32 $0x6;
	[dreg:$0x6] =	wrdreg s21;
	s14 =	sadd.s32 s19, s24  }
0x14: {  	s15 =	sadd.s32 s18, s24;
	s16 =	sadd.s32 s19, s25;
	s17 =	sadd.s32 s18, s25  }
0x15: {  	s18 =	sadd.s32 s26, s18;
	s19 =	sadd.s32 s26, s19;
	s21 =	simm.s32 $0x300  }
0x16: {  	s24 =	simm.s32 $0x600;
	s25 =	simm.s32 $0x480;
	s26 =	simm.s32 $0x1  }
.LBB2_1:
0x17: {  	s4 =	rddreg [dreg:$0x3]  }
0x18: {  	s5 =	rddreg [dreg:$0x4];
	s4 =	sshrl.u32 s4, $0x3  }
0x19: {  	[spmem:s4], [sflag:s6] =	dma.local [hbm:s5], $0x30E0  }
0x1a: {  	_ =	swait.ge [sflag:s20], $0x30E0  }
0x1b: {  	[sflag:s20] =	ssyncset.done $0x0  }
0x1c: {  	[sflag:s20] =	ssyncadd.s32 $0xFFFFCF20  }
0x1d: {  	[bflag:$0x0] =	sbarrier.arrive $0xFFFF  }
0x1e: {  	s7 =	rddreg [dreg:$0x5]  }
0x1f: {  	[tilespmem:s3], [sflag:$0x3] =	stream.linear.gather [hbm4b:s7+s3], $0x180, $0x38;
	[tilespmem:$0x1ED00] =	vst v63  }
0x20: {  	s8 =	rddreg [dreg:$0x6]  }
0x21: {  	[tilespmem:s21], [sflag:$0x3] =	stream.linear.gather [hbm4b:s8+s3], $0x180, $0x38;
	[tilespmem:$0x1ED00] =	vst v63  }
0x22: {  	_ =	swait.ge [sflag:s22], $0x180  }
0x23: {  	[sflag:s22] =	ssyncset.done $0x0  }
0x24: {  	[sflag:s22] =	ssyncadd.s32 $0xFFFFFE80  }
0x25: {  	_ =	swait.ge [sflag:s22], $0x180  }
0x26: {  	[sflag:s22] =	ssyncset.done $0x0  }
0x27: {  	[sflag:s22] =	ssyncadd.s32 $0xFFFFFE80  }
0x28: {  	[tilespmem:s24], [sflag:$0x1] =	stream.indirect.gather [hbm4b:s9+s23], $0x20, s3, s23, $0xb8;
	[tilespmem:$0x1ED00] =	vst v63  }
0x29: {  	_ = 	snop  }
0x2a: {  	[tilespmem:s23], [sflag:$0x4] =	stream.linear.gather [hbm4b:s12+s3], $0x180, $0x38;
	[tilespmem:$0x1ED00] =	vst v63  }
0x2b: {  	_ = 	snop  }
0x2c: {  	[tilespmem:s25], [sflag:$0x4] =	stream.linear.gather [hbm4b:s13+s3], $0x180, $0x38;
	[tilespmem:$0x1ED00] =	vst v63  }
0x2d: {  	_ =	swait.ge [sflag:s26], $0x3000  }
0x2e: {  	[sflag:s26] =	ssyncset.done $0x0  }
0x2f: {  	[sflag:s26] =	ssyncadd.s32 $0xFFFFD000  }
0x30: {  	[spmem:s2] =	stream.indirect.scatter.add.f32 [tilespmem:s24], [sflag:$0x5], $0x20, s21, s23, $0xb8;
	[tilespmem:$0x1ED00] =	vst v63  }
0x31: {  	_ =	swait.ge [sflag:s28], $0x180  }
0x32: {  	[sflag:s28] =	ssyncset.done $0x0  }
0x33: {  	[sflag:s28] =	ssyncadd.s32 $0xFFFFFE80  }
0x34: {  	_ =	swait.ge [sflag:s28], $0x180  }
0x35: {  	[sflag:s28] =	ssyncset.done $0x0  }
0x36: {  	[sflag:s28] =	ssyncadd.s32 $0xFFFFFE80  }
0x37: {  	[tilespmem:s29], [sflag:$0x2] =	stream.indirect.gather [hbm4b:s9+s23], $0x20, s23, s23, $0xb8;
	[tilespmem:$0x1ED00] =	vst v63  }
0x38: {  	_ =	swait.ge [sflag:s30], $0x3000  }
0x39: {  	[sflag:s30] =	ssyncset.done $0x0  }
0x3a: {  	[sflag:s30] =	ssyncadd.s32 $0xFFFFD000  }
0x3b: {  	[tilespmem:s3], [sflag:$0x3] =	stream.linear.gather [hbm4b:s14+s3], $0x180, $0x38;
	[tilespmem:$0x1ED00] =	vst v63  }
0x3c: {  	_ = 	snop  }
0x3d: {  	[tilespmem:s21], [sflag:$0x3] =	stream.linear.gather [hbm4b:s15+s3], $0x180, $0x38;
	[tilespmem:$0x1ED00] =	vst v63  }
0x3e: {  	_ =	swait.ge [sflag:s31], $0x3000  }
0x3f: {  	[sflag:s31] =	ssyncset.done $0x0  }
0x40: {  	[sflag:s31] =	ssyncadd.s32 $0xFFFFD000  }
0x41: {  	[spmem:s2] =	stream.indirect.scatter.add.f32 [tilespmem:s29], [sflag:$0x6], $0x20, s25, s23, $0xb8;
	[tilespmem:$0x1ED00] =	vst v63  }
0x42: {  	_ =	swait.ge [sflag:s22], $0x180  }
0x43: {  	[sflag:s22] =	ssyncset.done $0x0  }
0x44: {  	[sflag:s22] =	ssyncadd.s32 $0xFFFFFE80  }
0x45: {  	_ =	swait.ge [sflag:s22], $0x180  }
0x46: {  	[sflag:s22] =	ssyncset.done $0x0  }
0x47: {  	[sflag:s22] =	ssyncadd.s32 $0xFFFFFE80  }
0x48: {  	[tilespmem:s24], [sflag:$0x1] =	stream.indirect.gather [hbm4b:s9+s23], $0x20, s3, s23, $0xb8;
	[tilespmem:$0x1ED00] =	vst v63  }
0x49: {  	_ =	swait.ge [sflag:s0], $0x3000  }
0x4a: {  	s5 =	sadd.s32 $0xFFFFE800, s19;
	[sflag:s0] =	ssyncset.done $0x0  }
0x4b: {  	s7 =	sadd.s32 $0x1890, s5;
	s8 =	sadd.s32 $0xFFFFE800, s18;
	[sflag:s0] =	ssyncadd.s32 $0xFFFFD000  }
0x4c: {  	[tilespmem:s23], [sflag:$0x4] =	stream.linear.gather [hbm4b:s7+s3], $0x180, $0x38;
	[tilespmem:$0x1ED00] =	vst v63  }
0x4d: {  	s10 =	sadd.s32 $0x1890, s8  }
0x4e: {  	[tilespmem:s25], [sflag:$0x4] =	stream.linear.gather [hbm4b:s10+s3], $0x180, $0x38;
	[tilespmem:$0x1ED00] =	vst v63  }
0x4f: {  	_ =	swait.ge [sflag:s26], $0x3000  }
0x50: {  	[sflag:s26] =	ssyncset.done $0x0  }
0x51: {  	[sflag:s26] =	ssyncadd.s32 $0xFFFFD000  }
0x52: {  	[spmem:s2] =	stream.indirect.scatter.add.f32 [tilespmem:s24], [sflag:$0x5], $0x20, s21, s23, $0xb8;
	[tilespmem:$0x1ED00] =	vst v63  }
0x53: {  	_ =	swait.ge [sflag:s28], $0x180  }
0x54: {  	[sflag:s28] =	ssyncset.done $0x0  }
0x55: {  	[sflag:s28] =	ssyncadd.s32 $0xFFFFFE80  }
0x56: {  	_ =	swait.ge [sflag:s28], $0x180  }
0x57: {  	[sflag:s28] =	ssyncset.done $0x0  }
0x58: {  	[sflag:s28] =	ssyncadd.s32 $0xFFFFFE80  }
0x59: {  	[tilespmem:s29], [sflag:$0x2] =	stream.indirect.gather [hbm4b:s9+s23], $0x20, s23, s23, $0xb8;
	[tilespmem:$0x1ED00] =	vst v63  }
0x5a: {  	_ =	swait.ge [sflag:s30], $0x3000  }
0x5b: {  	[sflag:s30] =	ssyncset.done $0x0  }
0x5c: {  	s5 =	sadd.s32 $0x18C0, s5;
	[sflag:s30] =	ssyncadd.s32 $0xFFFFD000  }
0x5d: {  	[tilespmem:s3], [sflag:$0x3] =	stream.linear.gather [hbm4b:s5+s3], $0x180, $0x38;
	[tilespmem:$0x1ED00] =	vst v63  }
0x5e: {  	s10 =	sadd.s32 $0x18C0, s8  }
0x5f: {  	[tilespmem:s21], [sflag:$0x3] =	stream.linear.gather [hbm4b:s10+s3], $0x180, $0x38;
	[tilespmem:$0x1ED00] =	vst v63  }
0x60: {  	_ =	swait.ge [sflag:s31], $0x3000  }
0x61: {  	[sflag:s31] =	ssyncset.done $0x0  }
0x62: {  	[sflag:s31] =	ssyncadd.s32 $0xFFFFD000  }
0x63: {  	[spmem:s2] =	stream.indirect.scatter.add.f32 [tilespmem:s29], [sflag:$0x6], $0x20, s25, s23, $0xb8;
	[tilespmem:$0x1ED00] =	vst v63  }
0x64: {  	_ =	swait.ge [sflag:s22], $0x180  }
0x65: {  	[sflag:s22] =	ssyncset.done $0x0  }
0x66: {  	[sflag:s22] =	ssyncadd.s32 $0xFFFFFE80  }
0x67: {  	_ =	swait.ge [sflag:s22], $0x180  }
0x68: {  	[sflag:s22] =	ssyncset.done $0x0  }
0x69: {  	s5 =	simm.s32 $0xFFFFE860;
	[sflag:s22] =	ssyncadd.s32 $0xFFFFFE80  }
.LBB2_2:
0x6a: {  	[tilespmem:s24], [sflag:$0x1] =	stream.indirect.gather [hbm4b:s9+s23], $0x20, s3, s23, $0xb8;
	[tilespmem:$0x1ED00] =	vst v63  }
0x6b: {  	s7 =	smov.u32 s5  }
0x6c: {  	p0 =	sne.s32 s5, $0xFFFFFFA0;
	s5 =	sadd.s32 $0x60, s5;
	_ =	swait.ge [sflag:s0], $0x3000  }
0x6d: {  	s8 =	sadd.s32 s7, s19;
	[sflag:s0] =	ssyncset.done $0x0  }
0x6e: {  	s7 =	sadd.s32 s7, s18;
	s10 =	sadd.s32 $0x1890, s8;
	[sflag:s0] =	ssyncadd.s32 $0xFFFFD000  }
0x6f: {  	[tilespmem:s23], [sflag:$0x4] =	stream.linear.gather [hbm4b:s10+s3], $0x180, $0x38;
	[tilespmem:$0x1ED00] =	vst v63  }
0x70: {  	s10 =	sadd.s32 $0x1890, s7  }
0x71: {  	[tilespmem:s25], [sflag:$0x4] =	stream.linear.gather [hbm4b:s10+s3], $0x180, $0x38;
	[tilespmem:$0x1ED00] =	vst v63  }
0x72: {  	_ =	swait.ge [sflag:s26], $0x3000  }
0x73: {  	[sflag:s26] =	ssyncset.done $0x0  }
0x74: {  	[sflag:s26] =	ssyncadd.s32 $0xFFFFD000  }
0x75: {  	[spmem:s2] =	stream.indirect.scatter.add.f32 [tilespmem:s24], [sflag:$0x5], $0x20, s21, s23, $0xb8;
	[tilespmem:$0x1ED00] =	vst v63  }
0x76: {  	_ =	swait.ge [sflag:s28], $0x180  }
0x77: {  	[sflag:s28] =	ssyncset.done $0x0  }
0x78: {  	[sflag:s28] =	ssyncadd.s32 $0xFFFFFE80  }
0x79: {  	_ =	swait.ge [sflag:s28], $0x180  }
0x7a: {  	[sflag:s28] =	ssyncset.done $0x0  }
0x7b: {  	[sflag:s28] =	ssyncadd.s32 $0xFFFFFE80  }
0x7c: {  	[tilespmem:s29], [sflag:$0x2] =	stream.indirect.gather [hbm4b:s9+s23], $0x20, s23, s23, $0xb8;
	[tilespmem:$0x1ED00] =	vst v63  }
0x7d: {  	_ =	swait.ge [sflag:s30], $0x3000  }
0x7e: {  	[sflag:s30] =	ssyncset.done $0x0  }
0x7f: {  	s8 =	sadd.s32 $0x18C0, s8;
	[sflag:s30] =	ssyncadd.s32 $0xFFFFD000  }
0x80: {  	[tilespmem:s3], [sflag:$0x3] =	stream.linear.gather [hbm4b:s8+s3], $0x180, $0x38;
	[tilespmem:$0x1ED00] =	vst v63  }
0x81: {  	s7 =	sadd.s32 $0x18C0, s7  }
0x82: {  	[tilespmem:s21], [sflag:$0x3] =	stream.linear.gather [hbm4b:s7+s3], $0x180, $0x38;
	[tilespmem:$0x1ED00] =	vst v63  }
0x83: {  	_ =	swait.ge [sflag:s31], $0x3000  }
0x84: {  	[sflag:s31] =	ssyncset.done $0x0  }
0x85: {  	[sflag:s31] =	ssyncadd.s32 $0xFFFFD000  }
0x86: {  	[spmem:s2] =	stream.indirect.scatter.add.f32 [tilespmem:s29], [sflag:$0x6], $0x20, s25, s23, $0xb8;
	[tilespmem:$0x1ED00] =	vst v63  }
0x87: {  	_ =	swait.ge [sflag:s22], $0x180  }
.Ltmp0:
0x88: {  	[sflag:s22] =	ssyncset.done $0x0;
	(pc) =	sbr.rel @p0 .LBB2_2-.Ltmp0, $4  }
0x89: {  	[sflag:s22] =	ssyncadd.s32 $0xFFFFFE80  }
0x8a: {  	_ =	swait.ge [sflag:s22], $0x180  }
0x8b: {  	[sflag:s22] =	ssyncset.done $0x0  }
0x8c: {  	[sflag:s22] =	ssyncadd.s32 $0xFFFFFE80  }
0x8d: {  	[tilespmem:s24], [sflag:$0x1] =	stream.indirect.gather [hbm4b:s9+s23], $0x20, s3, s23, $0xb8;
	[tilespmem:$0x1ED00] =	vst v63  }
0x8e: {  	_ =	swait.ge [sflag:s0], $0x3000  }
0x8f: {  	[sflag:s0] =	ssyncset.done $0x0  }
0x90: {  	[sflag:s0] =	ssyncadd.s32 $0xFFFFD000  }
0x91: {  	[tilespmem:s23], [sflag:$0x4] =	stream.linear.gather [hbm4b:s16+s3], $0x180, $0x38;
	[tilespmem:$0x1ED00] =	vst v63  }
0x92: {  	_ = 	snop  }
0x93: {  	[tilespmem:s25], [sflag:$0x4] =	stream.linear.gather [hbm4b:s17+s3], $0x180, $0x38;
	[tilespmem:$0x1ED00] =	vst v63  }
0x94: {  	_ =	swait.ge [sflag:s26], $0x3000  }
0x95: {  	[sflag:s26] =	ssyncset.done $0x0  }
0x96: {  	[sflag:s26] =	ssyncadd.s32 $0xFFFFD000  }
0x97: {  	[spmem:s2] =	stream.indirect.scatter.add.f32 [tilespmem:s24], [sflag:$0x5], $0x20, s21, s23, $0xb8;
	[tilespmem:$0x1ED00] =	vst v63  }
0x98: {  	_ =	swait.ge [sflag:s28], $0x180  }
0x99: {  	[sflag:s28] =	ssyncset.done $0x0  }
0x9a: {  	[sflag:s28] =	ssyncadd.s32 $0xFFFFFE80  }
0x9b: {  	_ =	swait.ge [sflag:s28], $0x180  }
0x9c: {  	[sflag:s28] =	ssyncset.done $0x0  }
0x9d: {  	[sflag:s28] =	ssyncadd.s32 $0xFFFFFE80  }
0x9e: {  	[tilespmem:s29], [sflag:$0x2] =	stream.indirect.gather [hbm4b:s9+s23], $0x20, s23, s23, $0xb8;
	[tilespmem:$0x1ED00] =	vst v63  }
0x9f: {  	_ =	swait.ge [sflag:s30], $0x3000  }
0xa0: {  	[sflag:s30] =	ssyncset.done $0x0  }
0xa1: {  	[sflag:s30] =	ssyncadd.s32 $0xFFFFD000  }
0xa2: {  	_ =	swait.ge [sflag:s31], $0x3000  }
0xa3: {  	[sflag:s31] =	ssyncset.done $0x0  }
0xa4: {  	[sflag:s31] =	ssyncadd.s32 $0xFFFFD000  }
0xa5: {  	[spmem:s2] =	stream.indirect.scatter.add.f32 [tilespmem:s29], [sflag:$0x6], $0x20, s25, s23, $0xb8;
	[tilespmem:$0x1ED00] =	vst v63  }
0xa6: {  	_ =	swait.ge [sflag:s0], $0x3000  }
0xa7: {  	[sflag:s0] =	ssyncset.done $0x0  }
0xa8: {  	s1 =	sadd.s32 $0x1, s1;
	[sflag:s0] =	ssyncadd.s32 $0xFFFFD000  }
0xa9: {  	p0 =	sne.s32 s1, s11;
	[bflag:$0x0] =	sbarrier.arrive $0xFFFF  }
.Ltmp1:
0xaa: {  	s5 =	rddreg [dreg:$0x7];
	(pc) =	sbr.rel @p0 .LBB2_1-.Ltmp1, $4  }
0xab: {  	[hbm:s5], [sflag:s6] =	dma.local [spmem:s4], $0x30E0  }
0xac: {  	_ =	swait.ge [sflag:s20], $0x30E0  }
0xad: {  	[sflag:s20] =	ssyncset.done $0x0  }
0xae: {  	[sflag:s20] =	ssyncadd.s32 $0xFFFFCF20  }
0xaf: {  	_ =	sfence.sel $0x180000  }
0xb0: {  	[bflag:$0x0] =	sbarrier.arrive $0xFFFF  }
0xb1: {  	_ =	strace $0x9000004D  }
0xb2: {  	s0 =	stileid.u32;
	[bflag:$0x2] =	sbarrier.arrive $0xFFFF  }
0xb3: {  	p0 =	sne.s32 s0, $0x0;
	s0 =	rddreg [dreg:$0x2]  }
0xb4: {  	s0 =	sadd.s32 @!p0 $0x100000, s0  }
0xb5: {  	[sflag:s0] =	ssyncadd.tile.s32 @!p0 $0x1;
	_ =	shalt  }
.Lfunc_end2:
_tile_overlayer_lowered:
.L_overlay_start_2:
0xb6: {  	(tag) =	ssettag $0x2  }
0xb7: {  	s0 =	rddreg [dreg:$0x0];
	s2 =	stileid.u32  }
0xb8: {  	s1 =	rddreg [dreg:$0x1];
	p0 =	sne.s32 s2, $0x0  }
0xb9: {  	s3 =	rddreg [dreg:$0x2];
	[bflag:$0x3] =	sbarrier.arrive $0xFFFF;
	s2 =	simm.s32 @!p0 $0x1C07  }
0xba: {  	[timem:s3], [sflag:s2] =	dma.local @!p0 [hbm:s0], s1  }
0xbb: {  	s0 =	simm.s32 @!p0 $0x7  }
0xbc: {  	_ =	swait.ge @!p0 [sflag:s0], s1  }
0xbd: {  	s1 =	ssub.s32 @!p0 $0x0, s1;
	[sflag:s0] =	ssyncset.done @!p0 $0x0  }
0xbe: {  	[sflag:s0] =	ssyncadd.s32 @!p0 s1  }
0xbf: {  	[bflag:$0x3] =	sbarrier.arrive $0xFFFF  }
0xc0: {  	_ =	shalt  }

</sc_bundles>
